<compile_context>
chip_gen: v7x
topology: tpu7x:2x2x1
jax: 0.10.2.dev20260603
libtpu: 0.0.44.dev20260713+nightly
codegen_flags: <defaults>
</compile_context>

<pallas_src>
import functools

import jax
import jax.numpy as jnp
from jax import lax
from jax.experimental import pallas as pl
from jax.experimental.pallas import tpu as pltpu
from jax.experimental.pallas import tpu_sc as plsc

N = 10000
NP = 10240
E = 160000
D_IN = 256
DH = 512
DHL = 1024
DOUT = 128
G = 64

NC, NS, L = 2, 16, 16
NW = NC * NS
HDH = DH // 2
FPP = 4
NPASS = 2
ROWW = FPP * NP
PKROW = HDH // FPP
NROW = DH // FPP
EC = E // NW
CHUNK = 3200
NCHUNK = E // CHUNK
SHIFT = 14
BN = 1024

_sc_params = pltpu.CompilerParams(needs_layout_passes=False)


def _vmesh():
    return plsc.VectorSubcoreMesh(core_axis_name="c", subcore_axis_name="s",
                                  num_cores=NC, num_subcores=NS)



@functools.cache
def _sc_degree_fn():
    return functools.partial(
        pl.kernel,
        out_type=jax.ShapeDtypeStruct((NW, NP), jnp.float32),
        mesh=_vmesh(),
        scratch_types=[pltpu.VMEM((NP,), jnp.float32),
                       pltpu.VMEM((EC + L,), jnp.int32)],
        compiler_params=_sc_params,
    )(_sc_degree_body)


def _sc_degree_body(dst_hbm, out_hbm, cnt_v, dst_v):
    wid = lax.axis_index("s") * NC + lax.axis_index("c")

    def zb(i, c):
        cnt_v[pl.ds(i * L, L)] = jnp.zeros((L,), jnp.float32)
        return c
    lax.fori_loop(0, NP // L, zb, 0)

    tail = (EC // L) * L
    dst_v[pl.ds(tail, L)] = jnp.zeros((L,), jnp.int32)
    pltpu.sync_copy(dst_hbm.at[pl.ds(wid * EC, EC)], dst_v.at[pl.ds(0, EC)])

    ones = jnp.ones((L,), jnp.float32)

    def body(g, c):
        d = dst_v[pl.ds(g * L, L)]
        plsc.addupdate_scatter(cnt_v, [d], ones)
        return c
    lax.fori_loop(0, EC // L, body, 0)
    dtl = dst_v[pl.ds(tail, L)]
    mask = lax.iota(jnp.int32, L) < (EC % L)
    plsc.addupdate_scatter(cnt_v, [dtl], ones, mask=mask)

    pltpu.sync_copy(cnt_v, out_hbm.at[wid])


@functools.cache
def _sc_agg_fn():
    return functools.partial(
        pl.kernel,
        out_type=jax.ShapeDtypeStruct((NROW, ROWW), jnp.float32),
        mesh=_vmesh(),
        scratch_types=[pltpu.VMEM((ROWW,), jnp.int32),
                       pltpu.VMEM((2 * ROWW,), jnp.float32),
                       pltpu.VMEM((CHUNK,), jnp.int32),
                       pltpu.VMEM((CHUNK,), jnp.int32),
                       pltpu.SemaphoreType.DMA,
                       pltpu.SemaphoreType.DMA],
        compiler_params=_sc_params,
    )(_sc_agg_body)


def _sc_agg_body(y_hbm, pk_hbm, out_hbm, y_v, acc_v, eb0, eb1, sem0, sem1):
    wid = lax.axis_index("s") * NC + lax.axis_index("c")

    def process(buf):
        @plsc.parallel_loop(0, CHUNK // L, unroll=4)
        def _(g2):
            e = buf[pl.ds(g2 * L, L)]
            s = e & (2 ** SHIFT - 1)
            d = e >> SHIFT
            for pr in range(FPP):
                g = plsc.load_gather(y_v, [s + (pr * NP)])
                flo = plsc.bitcast(g << 16, jnp.float32)
                fhi = plsc.bitcast(g & jnp.int32(-65536), jnp.float32)
                plsc.addupdate_scatter(acc_v, [d + (pr * NP)], flo)
                plsc.addupdate_scatter(acc_v, [d + ((FPP + pr) * NP)], fhi)

    def pass_body(p, c0):
        row = wid * NPASS + p
        pltpu.make_async_copy(pk_hbm.at[pl.ds(0, CHUNK)], eb0, sem0).start()
        pltpu.sync_copy(y_hbm.at[row], y_v)

        @plsc.parallel_loop(0, 2 * ROWW // L, unroll=8)
        def _(i):
            acc_v[pl.ds(i * L, L)] = jnp.zeros((L,), jnp.float32)

        def chunk_pair(i, c):
            ch0 = i * 2
            pltpu.make_async_copy(
                pk_hbm.at[pl.ds((ch0 + 1) * CHUNK, CHUNK)], eb1, sem1).start()
            pltpu.make_async_copy(
                pk_hbm.at[pl.ds(ch0 * CHUNK, CHUNK)], eb0, sem0).wait()
            process(eb0)
            pltpu.make_async_copy(
                pk_hbm.at[pl.ds((ch0 + 2) * CHUNK, CHUNK)], eb0, sem0).start()
            pltpu.make_async_copy(
                pk_hbm.at[pl.ds((ch0 + 1) * CHUNK, CHUNK)], eb1, sem1).wait()
            process(eb1)
            return c
        lax.fori_loop(0, NCHUNK // 2, chunk_pair, 0)
        pltpu.make_async_copy(
            pk_hbm.at[pl.ds(NCHUNK * CHUNK, CHUNK)], eb0, sem0).wait()

        pltpu.sync_copy(acc_v.at[pl.ds(0, ROWW)], out_hbm.at[row])
        pltpu.sync_copy(acc_v.at[pl.ds(ROWW, ROWW)], out_hbm.at[PKROW + row])
        return c0
    lax.fori_loop(0, NPASS, pass_body, 0)



def _pack_pairs(y):
    v = lax.bitcast_convert_type(y, jnp.uint32)
    r = (v + jnp.uint32(0x7FFF) + ((v >> 16) & jnp.uint32(1))) >> 16
    pk = r[:HDH, :] | (r[HDH:, :] << 16)
    return lax.bitcast_convert_type(pk, jnp.int32)


def _unpack_pairs(pk):
    u = lax.bitcast_convert_type(pk, jnp.uint32)
    lo = lax.bitcast_convert_type(u << 16, jnp.float32)
    hi = lax.bitcast_convert_type(u & jnp.uint32(0xFFFF0000), jnp.float32)
    return jnp.concatenate([lo, hi], axis=0)


def _tc_first_body(x_ref, w_ref, cnt_ref, y_ref, dis_ref):
    c = jnp.sum(cnt_ref[...], axis=0, keepdims=True)
    d = lax.rsqrt(c + 1.0)
    y = lax.dot_general(w_ref[...], x_ref[...], (((0,), (1,)), ((), ())),
                        preferred_element_type=jnp.float32)
    y_ref[...] = _pack_pairs(y * d)
    dis_ref[...] = d


def _tc_first(x_p, W1, cnt_parts):
    return pl.pallas_call(
        _tc_first_body,
        grid=(NP // BN,),
        in_specs=[pl.BlockSpec((BN, D_IN), lambda i: (i, 0)),
                  pl.BlockSpec((D_IN, DH), lambda i: (0, 0)),
                  pl.BlockSpec((NW, BN), lambda i: (0, i))],
        out_specs=[pl.BlockSpec((HDH, BN), lambda i: (0, i)),
                   pl.BlockSpec((1, BN), lambda i: (0, i))],
        out_shape=[jax.ShapeDtypeStruct((HDH, NP), jnp.int32),
                   jax.ShapeDtypeStruct((1, NP), jnp.float32)],
    )(x_p, W1, cnt_parts)


def _tc_mid_body(agg_ref, y_ref, dis_ref, b_ref, w_ref, out_ref):
    d = dis_ref[...]
    y = _unpack_pairs(y_ref[...])
    h = jax.nn.gelu((agg_ref[...] + y) * d + b_ref[...])
    yn = lax.dot_general(w_ref[...], h, (((0,), (0,)), ((), ())),
                         preferred_element_type=jnp.float32)
    out_ref[...] = _pack_pairs(yn * d)


def _tc_mid(aggT, ypk, dis, b_col, Wn):
    return pl.pallas_call(
        _tc_mid_body,
        grid=(NP // BN,),
        in_specs=[pl.BlockSpec((DH, BN), lambda i: (0, i)),
                  pl.BlockSpec((HDH, BN), lambda i: (0, i)),
                  pl.BlockSpec((1, BN), lambda i: (0, i)),
                  pl.BlockSpec((DH, 1), lambda i: (0, 0)),
                  pl.BlockSpec((DH, DH), lambda i: (0, 0))],
        out_specs=pl.BlockSpec((HDH, BN), lambda i: (0, i)),
        out_shape=jax.ShapeDtypeStruct((HDH, NP), jnp.int32),
    )(aggT, ypk, dis, b_col, Wn)


def _tc_tail_body(agg_ref, y_ref, dis_ref, b_ref, batch_ref,
                  wh_ref, bh_ref, wo_ref, bo_ref, out_ref,
                  psum_ref, cnt_ref):
    i = pl.program_id(0)
    d = dis_ref[...]
    y = _unpack_pairs(y_ref[...])
    h = jax.nn.gelu((agg_ref[...] + y) * d + b_ref[...])
    bp = batch_ref[...]
    ids = lax.broadcasted_iota(jnp.int32, (G, BN), 0)
    oh = (ids == bp).astype(jnp.float32)
    part = lax.dot_general(h, oh, (((1,), (1,)), ((), ())),
                           preferred_element_type=jnp.float32)
    pcnt = lax.dot_general(jnp.ones((1, BN), jnp.float32), oh,
                           (((1,), (1,)), ((), ())),
                           preferred_element_type=jnp.float32)

    @pl.when(i == 0)
    def _():
        psum_ref[...] = part
        cnt_ref[...] = pcnt

    @pl.when(i != 0)
    def _():
        psum_ref[...] += part
        cnt_ref[...] += pcnt

    @pl.when(i == NP // BN - 1)
    def _():
        pooled = psum_ref[...] / jnp.maximum(cnt_ref[...], 1.0)
        hh = lax.dot_general(pooled, wh_ref[...], (((0,), (0,)), ((), ())),
                             preferred_element_type=jnp.float32)
        hh = jax.nn.gelu(hh + bh_ref[...])
        out = lax.dot_general(hh, wo_ref[...], (((1,), (0,)), ((), ())),
                              preferred_element_type=jnp.float32)
        out_ref[...] = out + bo_ref[...]


def _tc_tail(aggT, ypk, dis, b_col, batch_row, Wh, bh_row, Wo, bo_row):
    return pl.pallas_call(
        _tc_tail_body,
        grid=(NP // BN,),
        in_specs=[pl.BlockSpec((DH, BN), lambda i: (0, i)),
                  pl.BlockSpec((HDH, BN), lambda i: (0, i)),
                  pl.BlockSpec((1, BN), lambda i: (0, i)),
                  pl.BlockSpec((DH, 1), lambda i: (0, 0)),
                  pl.BlockSpec((1, BN), lambda i: (0, i)),
                  pl.BlockSpec((DH, DHL), lambda i: (0, 0)),
                  pl.BlockSpec((1, DHL), lambda i: (0, 0)),
                  pl.BlockSpec((DHL, DOUT), lambda i: (0, 0)),
                  pl.BlockSpec((1, DOUT), lambda i: (0, 0))],
        out_specs=pl.BlockSpec((G, DOUT), lambda i: (0, 0)),
        out_shape=jax.ShapeDtypeStruct((G, DOUT), jnp.float32),
        scratch_shapes=[pltpu.VMEM((DH, G), jnp.float32),
                        pltpu.VMEM((1, G), jnp.float32)],
    )(aggT, ypk, dis, b_col, batch_row, Wh, bh_row, Wo, bo_row)



def kernel(x, edge_index, batch, W1, b1, W2, b2, W3, b3, Wh, bh, Wo, bo):
    src = edge_index[0].astype(jnp.int32)
    dst = edge_index[1].astype(jnp.int32)
    x_p = jnp.pad(x, ((0, NP - N), (0, 0)))
    batch_row = jnp.pad(batch.astype(jnp.int32), (0, NP - N),
                        constant_values=G).reshape(1, NP)

    pk_pad = jnp.pad((dst << SHIFT) | src, (0, CHUNK))

    cnt_parts = _sc_degree_fn()(dst)
    ypk1, dis = _tc_first(x_p, W1, cnt_parts)
    _agg = _sc_agg_fn()
    agg1 = _agg(ypk1.reshape(PKROW, ROWW), pk_pad).reshape(DH, NP)
    ypk2 = _tc_mid(agg1, ypk1, dis, b1.reshape(DH, 1), W2)
    agg2 = _agg(ypk2.reshape(PKROW, ROWW), pk_pad).reshape(DH, NP)
    ypk3 = _tc_mid(agg2, ypk2, dis, b2.reshape(DH, 1), W3)
    agg3 = _agg(ypk3.reshape(PKROW, ROWW), pk_pad).reshape(DH, NP)
    return _tc_tail(agg3, ypk3, dis, b3.reshape(DH, 1), batch_row,
                    Wh, bh.reshape(1, DHL), Wo, bo.reshape(1, DOUT))

# --- scband reference (transcript-rebuilt; emitter-appended) ---
"""Pipeline reference for scband-flexible-gcn-42245298323951 (READ-ONLY COPY).

The authoritative reference and input builder live on the scoring server;
editing this copy changes nothing except your own understanding.
"""

import jax, jax.numpy as jnp
import numpy as np

N = 10000
E = 160000
D_IN = 256
D_H = 512
D_HL = 1024
D_OUT = 128
G = 64


def _glorot(key, fan_in, fan_out):
    s = jnp.sqrt(6.0 / (fan_in + fan_out))
    return jax.random.uniform(key, (fan_in, fan_out), jnp.float32, -s, s)


def gcn_conv(x, edge_index, W, b):
    # GCNConv: add self-loops, symmetric normalization D^-1/2 (A+I) D^-1/2 X W + b
    n = x.shape[0]
    loop = jnp.arange(n, dtype=edge_index.dtype)
    src = jnp.concatenate([edge_index[0], loop])
    dst = jnp.concatenate([edge_index[1], loop])
    deg = jnp.zeros((n,), x.dtype).at[dst].add(1.0)
    dis = jnp.where(deg > 0, jax.lax.rsqrt(deg), 0.0)
    norm = dis[src] * dis[dst]
    xw = x @ W
    msgs = xw[src] * norm[:, None]
    out = jnp.zeros((n, W.shape[1]), x.dtype).at[dst].add(msgs)
    return out + b


def setup_inputs(seed: int = 0) -> dict:
    key = jax.random.key(seed)
    ks = jax.random.split(key, 16)
    x = jax.random.normal(ks[0], (N, D_IN), jnp.float32)
    edge_index = jax.random.randint(ks[1], (2, E), 0, N)
    batch = jnp.sort(jax.random.randint(ks[2], (N,), 0, G))
    W1 = _glorot(ks[3], D_IN, D_H)
    b1 = jnp.zeros((D_H,), jnp.float32)
    W2 = _glorot(ks[4], D_H, D_H)
    b2 = jnp.zeros((D_H,), jnp.float32)
    W3 = _glorot(ks[5], D_H, D_H)
    b3 = jnp.zeros((D_H,), jnp.float32)
    Wh = _glorot(ks[6], D_H, D_HL)
    bh = jnp.zeros((D_HL,), jnp.float32)
    Wo = _glorot(ks[7], D_HL, D_OUT)
    bo = jnp.zeros((D_OUT,), jnp.float32)
    return {"x": x, "edge_index": edge_index, "batch": batch,
            "W1": W1, "b1": b1, "W2": W2, "b2": b2, "W3": W3, "b3": b3,
            "Wh": Wh, "bh": bh, "Wo": Wo, "bo": bo}


def reference(x, edge_index, batch, W1, b1, W2, b2, W3, b3, Wh, bh, Wo, bo):
    h = x
    for W, b in ((W1, b1), (W2, b2), (W3, b3)):
        h = gcn_conv(h, edge_index, W, b)
        h = jax.nn.gelu(h)
        # dropout is identity in eval mode
    # global_mean_pool over graph ids
    s = jax.ops.segment_sum(h, batch, num_segments=G)
    cnt = jax.ops.segment_sum(jnp.ones((h.shape[0], 1), h.dtype), batch, num_segments=G)
    pooled = s / jnp.maximum(cnt, 1.0)
    h = jax.nn.gelu(pooled @ Wh + bh)
    out = h @ Wo + bo
    return jnp.squeeze(out)

if __name__ == "__main__":
    import jax
    _d = setup_inputs()
    print(jax.jit(kernel)(*tuple(_d.values())))

</pallas_src>

<mosaic_0001>
#map = affine_map<(d0, d1) -> (0, 0)>
#map1 = affine_map<(d0, d1) -> (0)>
module attributes {stable_mosaic.version = 14 : i64} {
  func.func @_sc_agg_body(%arg0: i32, %arg1: i32, %arg2: memref<64x40960xi32, #tpu.memory_space<hbm>>, %arg3: memref<163200xi32, #tpu.memory_space<hbm>>, %arg4: memref<128x40960xf32, #tpu.memory_space<hbm>>, %arg5: memref<40960xi32, #tpu.memory_space<vmem>>, %arg6: memref<81920xf32, #tpu.memory_space<vmem>>, %arg7: memref<3200xi32, #tpu.memory_space<vmem>>, %arg8: memref<3200xi32, #tpu.memory_space<vmem>>, %arg9: memref<!tpu.dma_semaphore, #tpu.memory_space<semaphore_mem>>, %arg10: memref<!tpu.dma_semaphore, #tpu.memory_space<semaphore_mem>>) attributes {dimension_semantics = [#tpu.dimension_semantics<core_parallel>, #tpu.dimension_semantics<subcore_parallel>], iteration_bounds = array<i64: 2, 16>, scalar_prefetch = 0 : i64, scratch_operands = 6 : i64, tpu.core_type = #tpu.core_type<sc_vector_subcore>, window_params = [{transform_indices = #map}, {transform_indices = #map1}, {transform_indices = #map}]} {
    %mul3A = arith.constant 2 : i32
    %mul3A_0 = arith.muli %arg1, %mul3A : i32
    %add3A = arith.addi %mul3A_0, %arg0 : i32
    %scan3A = arith.constant 0 : i32
    %scan3A_1 = arith.constant 0 : i32
    %scan3A_2 = arith.constant 2 : i32
    %scan3A_3 = arith.addi %scan3A_1, %scan3A_2 : i32
    %scan3A_4 = arith.constant 1 : i32
    scf.for %scan3A_6 = %scan3A_1 to %scan3A_3 step %scan3A_4  : i32 {
      %mul3A_7 = arith.constant 2 : i32
      %mul3A_8 = arith.muli %add3A, %mul3A_7 : i32
      %add3A_9 = arith.addi %mul3A_8, %scan3A_6 : i32
      %dma_start3A = arith.constant 0 : i32
      %dma_start3A_10 = tpu.memref_slice %arg3[%dma_start3A] : memref<163200xi32, #tpu.memory_space<hbm>> -> memref<3200xi32, #tpu.memory_space<hbm>>
      %dma_start3A_11 = arith.constant 0 : i32
      %dma_start3A_12 = tpu.memref_slice %arg3[%dma_start3A_11] : memref<163200xi32, #tpu.memory_space<hbm>> -> memref<3200xi32, #tpu.memory_space<hbm>>
      tpu.enqueue_dma source(%dma_start3A_12 : memref<3200xi32, #tpu.memory_space<hbm>>) target(%arg7 : memref<3200xi32, #tpu.memory_space<vmem>>) target_semaphore(%arg9 : memref<!tpu.dma_semaphore, #tpu.memory_space<semaphore_mem>>)
      "tpu.region"() ({
        %run_scoped3A = tpu.sem_alloc : memref<!tpu.dma_semaphore, #tpu.memory_space<semaphore_mem>>
        %dma_start3A_26 = arith.constant 0 : i32
        %dma_start3A_27 = tpu.memref_slice %arg2[%add3A_9, %dma_start3A_26] : memref<64x40960xi32, #tpu.memory_space<hbm>> -> memref<1x40960xi32, #tpu.memory_space<hbm>>
        %dma_start3A_28 = tpu.memref_squeeze %dma_start3A_27 : memref<1x40960xi32, #tpu.memory_space<hbm>> -> memref<40960xi32, #tpu.memory_space<hbm>>
        %dma_start3A_29 = arith.constant 0 : i32
        %dma_start3A_30 = tpu.memref_slice %arg2[%add3A_9, %dma_start3A_29] : memref<64x40960xi32, #tpu.memory_space<hbm>> -> memref<1x40960xi32, #tpu.memory_space<hbm>>
        %dma_start3A_31 = tpu.memref_squeeze %dma_start3A_30 : memref<1x40960xi32, #tpu.memory_space<hbm>> -> memref<40960xi32, #tpu.memory_space<hbm>>
        tpu.enqueue_dma source(%dma_start3A_31 : memref<40960xi32, #tpu.memory_space<hbm>>) target(%arg5 : memref<40960xi32, #tpu.memory_space<vmem>>) target_semaphore(%run_scoped3A : memref<!tpu.dma_semaphore, #tpu.memory_space<semaphore_mem>>)
        %dma_wait3A_32 = arith.constant 0 : i32
        %dma_wait3A_33 = tpu.memref_slice %arg2[%add3A_9, %dma_wait3A_32] : memref<64x40960xi32, #tpu.memory_space<hbm>> -> memref<1x40960xi32, #tpu.memory_space<hbm>>
        %dma_wait3A_34 = tpu.memref_squeeze %dma_wait3A_33 : memref<1x40960xi32, #tpu.memory_space<hbm>> -> memref<40960xi32, #tpu.memory_space<hbm>>
        %dma_wait3A_35 = arith.constant 0 : i32
        %dma_wait3A_36 = tpu.memref_slice %arg2[%add3A_9, %dma_wait3A_35] : memref<64x40960xi32, #tpu.memory_space<hbm>> -> memref<1x40960xi32, #tpu.memory_space<hbm>>
        %dma_wait3A_37 = tpu.memref_squeeze %dma_wait3A_36 : memref<1x40960xi32, #tpu.memory_space<hbm>> -> memref<40960xi32, #tpu.memory_space<hbm>>
        tpu.wait_dma2 semaphore(%run_scoped3A : memref<!tpu.dma_semaphore, #tpu.memory_space<semaphore_mem>>) src(%dma_wait3A_37 : memref<40960xi32, #tpu.memory_space<hbm>>) dst(%arg5 : memref<40960xi32, #tpu.memory_space<vmem>>)
        tpu.yield
      }) : () -> ()
      %parallel_loop3A = arith.constant 0 : i32
      %parallel_loop3A_13 = arith.constant 5120 : i32
      %parallel_loop3A_14 = arith.constant 1 : i32
      scf.for %parallel_loop3A_26 = %parallel_loop3A to %parallel_loop3A_13 step %parallel_loop3A_14  : i32 {
        %parallel_loop3A_27 = arith.constant 0.000000e+00 : f32
        %parallel_loop3A_28 = vector.broadcast %parallel_loop3A_27 : f32 to vector<16xf32>
        %parallel_loop3A_29 = arith.constant 16 : i32
        %parallel_loop3A_30 = arith.muli %parallel_loop3A_26, %parallel_loop3A_29 : i32
        %parallel_loop3A_31 = arith.index_cast %parallel_loop3A_30 : i32 to index
        %parallel_loop3A_32 = tpu.vector_load %arg6[%parallel_loop3A_31] {strides = array<i32>} : memref<81920xf32, #tpu.memory_space<vmem>>, vector<16xf32>,
        tpu.vector_store %arg6[%parallel_loop3A_31], %parallel_loop3A_28 {strides = array<i32>} : memref<81920xf32, #tpu.memory_space<vmem>>, vector<16xf32>,
      } {sc.loop_unroll_factor = 8 : i64, sc.parallel_access}
      %scan3A_15 = arith.constant 0 : i32
      %scan3A_16 = arith.constant 0 : i32
      %scan3A_17 = arith.constant 25 : i32
      %scan3A_18 = arith.addi %scan3A_16, %scan3A_17 : i32
      %scan3A_19 = arith.constant 1 : i32
      scf.for %scan3A_26 = %scan3A_16 to %scan3A_18 step %scan3A_19  : i32 {
        %mul3A_27 = arith.constant 2 : i32
        %mul3A_28 = arith.muli %scan3A_26, %mul3A_27 : i32
        %add3A_29 = arith.constant 1 : i32
        %add3A_30 = arith.addi %mul3A_28, %add3A_29 : i32
        %mul3A_31 = arith.constant 3200 : i32
        %mul3A_32 = arith.muli %add3A_30, %mul3A_31 : i32
        %dma_start3A_33 = tpu.memref_slice %arg3[%mul3A_32] : memref<163200xi32, #tpu.memory_space<hbm>> -> memref<3200xi32, #tpu.memory_space<hbm>>
        %dma_start3A_34 = tpu.memref_slice %arg3[%mul3A_32] : memref<163200xi32, #tpu.memory_space<hbm>> -> memref<3200xi32, #tpu.memory_space<hbm>>
        tpu.enqueue_dma source(%dma_start3A_34 : memref<3200xi32, #tpu.memory_space<hbm>>) target(%arg8 : memref<3200xi32, #tpu.memory_space<vmem>>) target_semaphore(%arg10 : memref<!tpu.dma_semaphore, #tpu.memory_space<semaphore_mem>>)
        %mul3A_35 = arith.constant 3200 : i32
        %mul3A_36 = arith.muli %mul3A_28, %mul3A_35 : i32
        %dma_wait3A_37 = tpu.memref_slice %arg3[%mul3A_36] : memref<163200xi32, #tpu.memory_space<hbm>> -> memref<3200xi32, #tpu.memory_space<hbm>>
        %dma_wait3A_38 = tpu.memref_slice %arg3[%mul3A_36] : memref<163200xi32, #tpu.memory_space<hbm>> -> memref<3200xi32, #tpu.memory_space<hbm>>
        tpu.wait_dma2 semaphore(%arg9 : memref<!tpu.dma_semaphore, #tpu.memory_space<semaphore_mem>>) src(%dma_wait3A_38 : memref<3200xi32, #tpu.memory_space<hbm>>) dst(%arg7 : memref<3200xi32, #tpu.memory_space<vmem>>)
        %parallel_loop3A_39 = arith.constant 0 : i32
        %parallel_loop3A_40 = arith.constant 200 : i32
        %parallel_loop3A_41 = arith.constant 1 : i32
        scf.for %parallel_loop3A_57 = %parallel_loop3A_39 to %parallel_loop3A_40 step %parallel_loop3A_41  : i32 {
          %parallel_loop3A_58 = arith.constant 16 : i32
          %parallel_loop3A_59 = arith.muli %parallel_loop3A_57, %parallel_loop3A_58 : i32
          %parallel_loop3A_60 = arith.index_cast %parallel_loop3A_59 : i32 to index
          %parallel_loop3A_61 = tpu.vector_load %arg7[%parallel_loop3A_60] {strides = array<i32>} : memref<3200xi32, #tpu.memory_space<vmem>>, vector<16xi32>,
          %parallel_loop3A_62 = arith.constant 16383 : i32
          %parallel_loop3A_63 = vector.broadcast %parallel_loop3A_62 : i32 to vector<16xi32>
          %parallel_loop3A_64 = arith.andi %parallel_loop3A_61, %parallel_loop3A_63 : vector<16xi32>
          %parallel_loop3A_65 = arith.constant 14 : i32
          %parallel_loop3A_66 = vector.broadcast %parallel_loop3A_65 : i32 to vector<16xi32>
          %parallel_loop3A_67 = arith.shrsi %parallel_loop3A_61, %parallel_loop3A_66 : vector<16xi32>
          %parallel_loop3A_68 = arith.constant 0 : i32
          %parallel_loop3A_69 = vector.broadcast %parallel_loop3A_68 : i32 to vector<16xi32>
          %parallel_loop3A_70 = arith.addi %parallel_loop3A_64, %parallel_loop3A_69 : vector<16xi32>
          %parallel_loop3A_71 = tpu.vector_load_idx %arg5[%parallel_loop3A_70] : memref<40960xi32, #tpu.memory_space<vmem>>[vector<16xi32>], vector<16xi32>,
          %parallel_loop3A_72 = arith.constant 16 : i32
          %parallel_loop3A_73 = vector.broadcast %parallel_loop3A_72 : i32 to vector<16xi32>
          %parallel_loop3A_74 = arith.shli %parallel_loop3A_71, %parallel_loop3A_73 : vector<16xi32>
          %parallel_loop3A_75 = vector.bitcast %parallel_loop3A_74 : vector<16xi32> to vector<16xf32>
          %parallel_loop3A_76 = arith.constant -65536 : i32
          %parallel_loop3A_77 = vector.broadcast %parallel_loop3A_76 : i32 to vector<16xi32>
          %parallel_loop3A_78 = arith.andi %parallel_loop3A_71, %parallel_loop3A_77 : vector<16xi32>
          %parallel_loop3A_79 = vector.bitcast %parallel_loop3A_78 : vector<16xi32> to vector<16xf32>
          %parallel_loop3A_80 = arith.constant 0 : i32
          %parallel_loop3A_81 = vector.broadcast %parallel_loop3A_80 : i32 to vector<16xi32>
          %parallel_loop3A_82 = arith.addi %parallel_loop3A_67, %parallel_loop3A_81 : vector<16xi32>
          tpu.vector_store_idx %arg6[%parallel_loop3A_82], %parallel_loop3A_75 {add = true} : memref<81920xf32, #tpu.memory_space<vmem>>[vector<16xi32>], vector<16xf32>,
          %parallel_loop3A_83 = arith.constant 40960 : i32
          %parallel_loop3A_84 = vector.broadcast %parallel_loop3A_83 : i32 to vector<16xi32>
          %parallel_loop3A_85 = arith.addi %parallel_loop3A_67, %parallel_loop3A_84 : vector<16xi32>
          tpu.vector_store_idx %arg6[%parallel_loop3A_85], %parallel_loop3A_79 {add = true} : memref<81920xf32, #tpu.memory_space<vmem>>[vector<16xi32>], vector<16xf32>,
          %parallel_loop3A_86 = arith.constant 10240 : i32
          %parallel_loop3A_87 = vector.broadcast %parallel_loop3A_86 : i32 to vector<16xi32>
          %parallel_loop3A_88 = arith.addi %parallel_loop3A_64, %parallel_loop3A_87 : vector<16xi32>
          %parallel_loop3A_89 = tpu.vector_load_idx %arg5[%parallel_loop3A_88] : memref<40960xi32, #tpu.memory_space<vmem>>[vector<16xi32>], vector<16xi32>,
          %parallel_loop3A_90 = arith.constant 16 : i32
          %parallel_loop3A_91 = vector.broadcast %parallel_loop3A_90 : i32 to vector<16xi32>
          %parallel_loop3A_92 = arith.shli %parallel_loop3A_89, %parallel_loop3A_91 : vector<16xi32>
          %parallel_loop3A_93 = vector.bitcast %parallel_loop3A_92 : vector<16xi32> to vector<16xf32>
          %parallel_loop3A_94 = arith.constant -65536 : i32
          %parallel_loop3A_95 = vector.broadcast %parallel_loop3A_94 : i32 to vector<16xi32>
          %parallel_loop3A_96 = arith.andi %parallel_loop3A_89, %parallel_loop3A_95 : vector<16xi32>
          %parallel_loop3A_97 = vector.bitcast %parallel_loop3A_96 : vector<16xi32> to vector<16xf32>
          %parallel_loop3A_98 = arith.constant 10240 : i32
          %parallel_loop3A_99 = vector.broadcast %parallel_loop3A_98 : i32 to vector<16xi32>
          %parallel_loop3A_100 = arith.addi %parallel_loop3A_67, %parallel_loop3A_99 : vector<16xi32>
          tpu.vector_store_idx %arg6[%parallel_loop3A_100], %parallel_loop3A_93 {add = true} : memref<81920xf32, #tpu.memory_space<vmem>>[vector<16xi32>], vector<16xf32>,
          %parallel_loop3A_101 = arith.constant 51200 : i32
          %parallel_loop3A_102 = vector.broadcast %parallel_loop3A_101 : i32 to vector<16xi32>
          %parallel_loop3A_103 = arith.addi %parallel_loop3A_67, %parallel_loop3A_102 : vector<16xi32>
          tpu.vector_store_idx %arg6[%parallel_loop3A_103], %parallel_loop3A_97 {add = true} : memref<81920xf32, #tpu.memory_space<vmem>>[vector<16xi32>], vector<16xf32>,
          %parallel_loop3A_104 = arith.constant 20480 : i32
          %parallel_loop3A_105 = vector.broadcast %parallel_loop3A_104 : i32 to vector<16xi32>
          %parallel_loop3A_106 = arith.addi %parallel_loop3A_64, %parallel_loop3A_105 : vector<16xi32>
          %parallel_loop3A_107 = tpu.vector_load_idx %arg5[%parallel_loop3A_106] : memref<40960xi32, #tpu.memory_space<vmem>>[vector<16xi32>], vector<16xi32>,
          %parallel_loop3A_108 = arith.constant 16 : i32
          %parallel_loop3A_109 = vector.broadcast %parallel_loop3A_108 : i32 to vector<16xi32>
          %parallel_loop3A_110 = arith.shli %parallel_loop3A_107, %parallel_loop3A_109 : vector<16xi32>
          %parallel_loop3A_111 = vector.bitcast %parallel_loop3A_110 : vector<16xi32> to vector<16xf32>
          %parallel_loop3A_112 = arith.constant -65536 : i32
          %parallel_loop3A_113 = vector.broadcast %parallel_loop3A_112 : i32 to vector<16xi32>
          %parallel_loop3A_114 = arith.andi %parallel_loop3A_107, %parallel_loop3A_113 : vector<16xi32>
          %parallel_loop3A_115 = vector.bitcast %parallel_loop3A_114 : vector<16xi32> to vector<16xf32>
          %parallel_loop3A_116 = arith.constant 20480 : i32
          %parallel_loop3A_117 = vector.broadcast %parallel_loop3A_116 : i32 to vector<16xi32>
          %parallel_loop3A_118 = arith.addi %parallel_loop3A_67, %parallel_loop3A_117 : vector<16xi32>
          tpu.vector_store_idx %arg6[%parallel_loop3A_118], %parallel_loop3A_111 {add = true} : memref<81920xf32, #tpu.memory_space<vmem>>[vector<16xi32>], vector<16xf32>,
          %parallel_loop3A_119 = arith.constant 61440 : i32
          %parallel_loop3A_120 = vector.broadcast %parallel_loop3A_119 : i32 to vector<16xi32>
          %parallel_loop3A_121 = arith.addi %parallel_loop3A_67, %parallel_loop3A_120 : vector<16xi32>
          tpu.vector_store_idx %arg6[%parallel_loop3A_121], %parallel_loop3A_115 {add = true} : memref<81920xf32, #tpu.memory_space<vmem>>[vector<16xi32>], vector<16xf32>,
          %parallel_loop3A_122 = arith.constant 30720 : i32
          %parallel_loop3A_123 = vector.broadcast %parallel_loop3A_122 : i32 to vector<16xi32>
          %parallel_loop3A_124 = arith.addi %parallel_loop3A_64, %parallel_loop3A_123 : vector<16xi32>
          %parallel_loop3A_125 = tpu.vector_load_idx %arg5[%parallel_loop3A_124] : memref<40960xi32, #tpu.memory_space<vmem>>[vector<16xi32>], vector<16xi32>,
          %parallel_loop3A_126 = arith.constant 16 : i32
          %parallel_loop3A_127 = vector.broadcast %parallel_loop3A_126 : i32 to vector<16xi32>
          %parallel_loop3A_128 = arith.shli %parallel_loop3A_125, %parallel_loop3A_127 : vector<16xi32>
          %parallel_loop3A_129 = vector.bitcast %parallel_loop3A_128 : vector<16xi32> to vector<16xf32>
          %parallel_loop3A_130 = arith.constant -65536 : i32
          %parallel_loop3A_131 = vector.broadcast %parallel_loop3A_130 : i32 to vector<16xi32>
          %parallel_loop3A_132 = arith.andi %parallel_loop3A_125, %parallel_loop3A_131 : vector<16xi32>
          %parallel_loop3A_133 = vector.bitcast %parallel_loop3A_132 : vector<16xi32> to vector<16xf32>
          %parallel_loop3A_134 = arith.constant 30720 : i32
          %parallel_loop3A_135 = vector.broadcast %parallel_loop3A_134 : i32 to vector<16xi32>
          %parallel_loop3A_136 = arith.addi %parallel_loop3A_67, %parallel_loop3A_135 : vector<16xi32>
          tpu.vector_store_idx %arg6[%parallel_loop3A_136], %parallel_loop3A_129 {add = true} : memref<81920xf32, #tpu.memory_space<vmem>>[vector<16xi32>], vector<16xf32>,
          %parallel_loop3A_137 = arith.constant 71680 : i32
          %parallel_loop3A_138 = vector.broadcast %parallel_loop3A_137 : i32 to vector<16xi32>
          %parallel_loop3A_139 = arith.addi %parallel_loop3A_67, %parallel_loop3A_138 : vector<16xi32>
          tpu.vector_store_idx %arg6[%parallel_loop3A_139], %parallel_loop3A_133 {add = true} : memref<81920xf32, #tpu.memory_space<vmem>>[vector<16xi32>], vector<16xf32>,
        } {sc.loop_unroll_factor = 4 : i64, sc.parallel_access}
        %add3A_42 = arith.constant 2 : i32
        %add3A_43 = arith.addi %mul3A_28, %add3A_42 : i32
        %mul3A_44 = arith.constant 3200 : i32
        %mul3A_45 = arith.muli %add3A_43, %mul3A_44 : i32
        %dma_start3A_46 = tpu.memref_slice %arg3[%mul3A_45] : memref<163200xi32, #tpu.memory_space<hbm>> -> memref<3200xi32, #tpu.memory_space<hbm>>
        %dma_start3A_47 = tpu.memref_slice %arg3[%mul3A_45] : memref<163200xi32, #tpu.memory_space<hbm>> -> memref<3200xi32, #tpu.memory_space<hbm>>
        tpu.enqueue_dma source(%dma_start3A_47 : memref<3200xi32, #tpu.memory_space<hbm>>) target(%arg7 : memref<3200xi32, #tpu.memory_space<vmem>>) target_semaphore(%arg9 : memref<!tpu.dma_semaphore, #tpu.memory_space<semaphore_mem>>)
        %add3A_48 = arith.constant 1 : i32
        %add3A_49 = arith.addi %mul3A_28, %add3A_48 : i32
        %mul3A_50 = arith.constant 3200 : i32
        %mul3A_51 = arith.muli %add3A_49, %mul3A_50 : i32
        %dma_wait3A_52 = tpu.memref_slice %arg3[%mul3A_51] : memref<163200xi32, #tpu.memory_space<hbm>> -> memref<3200xi32, #tpu.memory_space<hbm>>
        %dma_wait3A_53 = tpu.memref_slice %arg3[%mul3A_51] : memref<163200xi32, #tpu.memory_space<hbm>> -> memref<3200xi32, #tpu.memory_space<hbm>>
        tpu.wait_dma2 semaphore(%arg10 : memref<!tpu.dma_semaphore, #tpu.memory_space<semaphore_mem>>) src(%dma_wait3A_53 : memref<3200xi32, #tpu.memory_space<hbm>>) dst(%arg8 : memref<3200xi32, #tpu.memory_space<vmem>>)
        %parallel_loop3A_54 = arith.constant 0 : i32
        %parallel_loop3A_55 = arith.constant 200 : i32
        %parallel_loop3A_56 = arith.constant 1 : i32
        scf.for %parallel_loop3A_57 = %parallel_loop3A_54 to %parallel_loop3A_55 step %parallel_loop3A_56  : i32 {
          %parallel_loop3A_58 = arith.constant 16 : i32
          %parallel_loop3A_59 = arith.muli %parallel_loop3A_57, %parallel_loop3A_58 : i32
          %parallel_loop3A_60 = arith.index_cast %parallel_loop3A_59 : i32 to index
          %parallel_loop3A_61 = tpu.vector_load %arg8[%parallel_loop3A_60] {strides = array<i32>} : memref<3200xi32, #tpu.memory_space<vmem>>, vector<16xi32>,
          %parallel_loop3A_62 = arith.constant 16383 : i32
          %parallel_loop3A_63 = vector.broadcast %parallel_loop3A_62 : i32 to vector<16xi32>
          %parallel_loop3A_64 = arith.andi %parallel_loop3A_61, %parallel_loop3A_63 : vector<16xi32>
          %parallel_loop3A_65 = arith.constant 14 : i32
          %parallel_loop3A_66 = vector.broadcast %parallel_loop3A_65 : i32 to vector<16xi32>
          %parallel_loop3A_67 = arith.shrsi %parallel_loop3A_61, %parallel_loop3A_66 : vector<16xi32>
          %parallel_loop3A_68 = arith.constant 0 : i32
          %parallel_loop3A_69 = vector.broadcast %parallel_loop3A_68 : i32 to vector<16xi32>
          %parallel_loop3A_70 = arith.addi %parallel_loop3A_64, %parallel_loop3A_69 : vector<16xi32>
          %parallel_loop3A_71 = tpu.vector_load_idx %arg5[%parallel_loop3A_70] : memref<40960xi32, #tpu.memory_space<vmem>>[vector<16xi32>], vector<16xi32>,
          %parallel_loop3A_72 = arith.constant 16 : i32
          %parallel_loop3A_73 = vector.broadcast %parallel_loop3A_72 : i32 to vector<16xi32>
          %parallel_loop3A_74 = arith.shli %parallel_loop3A_71, %parallel_loop3A_73 : vector<16xi32>
          %parallel_loop3A_75 = vector.bitcast %parallel_loop3A_74 : vector<16xi32> to vector<16xf32>
          %parallel_loop3A_76 = arith.constant -65536 : i32
          %parallel_loop3A_77 = vector.broadcast %parallel_loop3A_76 : i32 to vector<16xi32>
          %parallel_loop3A_78 = arith.andi %parallel_loop3A_71, %parallel_loop3A_77 : vector<16xi32>
          %parallel_loop3A_79 = vector.bitcast %parallel_loop3A_78 : vector<16xi32> to vector<16xf32>
          %parallel_loop3A_80 = arith.constant 0 : i32
          %parallel_loop3A_81 = vector.broadcast %parallel_loop3A_80 : i32 to vector<16xi32>
          %parallel_loop3A_82 = arith.addi %parallel_loop3A_67, %parallel_loop3A_81 : vector<16xi32>
          tpu.vector_store_idx %arg6[%parallel_loop3A_82], %parallel_loop3A_75 {add = true} : memref<81920xf32, #tpu.memory_space<vmem>>[vector<16xi32>], vector<16xf32>,
          %parallel_loop3A_83 = arith.constant 40960 : i32
          %parallel_loop3A_84 = vector.broadcast %parallel_loop3A_83 : i32 to vector<16xi32>
          %parallel_loop3A_85 = arith.addi %parallel_loop3A_67, %parallel_loop3A_84 : vector<16xi32>
          tpu.vector_store_idx %arg6[%parallel_loop3A_85], %parallel_loop3A_79 {add = true} : memref<81920xf32, #tpu.memory_space<vmem>>[vector<16xi32>], vector<16xf32>,
          %parallel_loop3A_86 = arith.constant 10240 : i32
          %parallel_loop3A_87 = vector.broadcast %parallel_loop3A_86 : i32 to vector<16xi32>
          %parallel_loop3A_88 = arith.addi %parallel_loop3A_64, %parallel_loop3A_87 : vector<16xi32>
          %parallel_loop3A_89 = tpu.vector_load_idx %arg5[%parallel_loop3A_88] : memref<40960xi32, #tpu.memory_space<vmem>>[vector<16xi32>], vector<16xi32>,
          %parallel_loop3A_90 = arith.constant 16 : i32
          %parallel_loop3A_91 = vector.broadcast %parallel_loop3A_90 : i32 to vector<16xi32>
          %parallel_loop3A_92 = arith.shli %parallel_loop3A_89, %parallel_loop3A_91 : vector<16xi32>
          %parallel_loop3A_93 = vector.bitcast %parallel_loop3A_92 : vector<16xi32> to vector<16xf32>
          %parallel_loop3A_94 = arith.constant -65536 : i32
          %parallel_loop3A_95 = vector.broadcast %parallel_loop3A_94 : i32 to vector<16xi32>
          %parallel_loop3A_96 = arith.andi %parallel_loop3A_89, %parallel_loop3A_95 : vector<16xi32>
          %parallel_loop3A_97 = vector.bitcast %parallel_loop3A_96 : vector<16xi32> to vector<16xf32>
          %parallel_loop3A_98 = arith.constant 10240 : i32
          %parallel_loop3A_99 = vector.broadcast %parallel_loop3A_98 : i32 to vector<16xi32>
          %parallel_loop3A_100 = arith.addi %parallel_loop3A_67, %parallel_loop3A_99 : vector<16xi32>
          tpu.vector_store_idx %arg6[%parallel_loop3A_100], %parallel_loop3A_93 {add = true} : memref<81920xf32, #tpu.memory_space<vmem>>[vector<16xi32>], vector<16xf32>,
          %parallel_loop3A_101 = arith.constant 51200 : i32
          %parallel_loop3A_102 = vector.broadcast %parallel_loop3A_101 : i32 to vector<16xi32>
          %parallel_loop3A_103 = arith.addi %parallel_loop3A_67, %parallel_loop3A_102 : vector<16xi32>
          tpu.vector_store_idx %arg6[%parallel_loop3A_103], %parallel_loop3A_97 {add = true} : memref<81920xf32, #tpu.memory_space<vmem>>[vector<16xi32>], vector<16xf32>,
          %parallel_loop3A_104 = arith.constant 20480 : i32
          %parallel_loop3A_105 = vector.broadcast %parallel_loop3A_104 : i32 to vector<16xi32>
          %parallel_loop3A_106 = arith.addi %parallel_loop3A_64, %parallel_loop3A_105 : vector<16xi32>
          %parallel_loop3A_107 = tpu.vector_load_idx %arg5[%parallel_loop3A_106] : memref<40960xi32, #tpu.memory_space<vmem>>[vector<16xi32>], vector<16xi32>,
          %parallel_loop3A_108 = arith.constant 16 : i32
          %parallel_loop3A_109 = vector.broadcast %parallel_loop3A_108 : i32 to vector<16xi32>
          %parallel_loop3A_110 = arith.shli %parallel_loop3A_107, %parallel_loop3A_109 : vector<16xi32>
          %parallel_loop3A_111 = vector.bitcast %parallel_loop3A_110 : vector<16xi32> to vector<16xf32>
          %parallel_loop3A_112 = arith.constant -65536 : i32
          %parallel_loop3A_113 = vector.broadcast %parallel_loop3A_112 : i32 to vector<16xi32>
          %parallel_loop3A_114 = arith.andi %parallel_loop3A_107, %parallel_loop3A_113 : vector<16xi32>
          %parallel_loop3A_115 = vector.bitcast %parallel_loop3A_114 : vector<16xi32> to vector<16xf32>
          %parallel_loop3A_116 = arith.constant 20480 : i32
          %parallel_loop3A_117 = vector.broadcast %parallel_loop3A_116 : i32 to vector<16xi32>
          %parallel_loop3A_118 = arith.addi %parallel_loop3A_67, %parallel_loop3A_117 : vector<16xi32>
          tpu.vector_store_idx %arg6[%parallel_loop3A_118], %parallel_loop3A_111 {add = true} : memref<81920xf32, #tpu.memory_space<vmem>>[vector<16xi32>], vector<16xf32>,
          %parallel_loop3A_119 = arith.constant 61440 : i32
          %parallel_loop3A_120 = vector.broadcast %parallel_loop3A_119 : i32 to vector<16xi32>
          %parallel_loop3A_121 = arith.addi %parallel_loop3A_67, %parallel_loop3A_120 : vector<16xi32>
          tpu.vector_store_idx %arg6[%parallel_loop3A_121], %parallel_loop3A_115 {add = true} : memref<81920xf32, #tpu.memory_space<vmem>>[vector<16xi32>], vector<16xf32>,
          %parallel_loop3A_122 = arith.constant 30720 : i32
          %parallel_loop3A_123 = vector.broadcast %parallel_loop3A_122 : i32 to vector<16xi32>
          %parallel_loop3A_124 = arith.addi %parallel_loop3A_64, %parallel_loop3A_123 : vector<16xi32>
          %parallel_loop3A_125 = tpu.vector_load_idx %arg5[%parallel_loop3A_124] : memref<40960xi32, #tpu.memory_space<vmem>>[vector<16xi32>], vector<16xi32>,
          %parallel_loop3A_126 = arith.constant 16 : i32
          %parallel_loop3A_127 = vector.broadcast %parallel_loop3A_126 : i32 to vector<16xi32>
          %parallel_loop3A_128 = arith.shli %parallel_loop3A_125, %parallel_loop3A_127 : vector<16xi32>
          %parallel_loop3A_129 = vector.bitcast %parallel_loop3A_128 : vector<16xi32> to vector<16xf32>
          %parallel_loop3A_130 = arith.constant -65536 : i32
          %parallel_loop3A_131 = vector.broadcast %parallel_loop3A_130 : i32 to vector<16xi32>
          %parallel_loop3A_132 = arith.andi %parallel_loop3A_125, %parallel_loop3A_131 : vector<16xi32>
          %parallel_loop3A_133 = vector.bitcast %parallel_loop3A_132 : vector<16xi32> to vector<16xf32>
          %parallel_loop3A_134 = arith.constant 30720 : i32
          %parallel_loop3A_135 = vector.broadcast %parallel_loop3A_134 : i32 to vector<16xi32>
          %parallel_loop3A_136 = arith.addi %parallel_loop3A_67, %parallel_loop3A_135 : vector<16xi32>
          tpu.vector_store_idx %arg6[%parallel_loop3A_136], %parallel_loop3A_129 {add = true} : memref<81920xf32, #tpu.memory_space<vmem>>[vector<16xi32>], vector<16xf32>,
          %parallel_loop3A_137 = arith.constant 71680 : i32
          %parallel_loop3A_138 = vector.broadcast %parallel_loop3A_137 : i32 to vector<16xi32>
          %parallel_loop3A_139 = arith.addi %parallel_loop3A_67, %parallel_loop3A_138 : vector<16xi32>
          tpu.vector_store_idx %arg6[%parallel_loop3A_139], %parallel_loop3A_133 {add = true} : memref<81920xf32, #tpu.memory_space<vmem>>[vector<16xi32>], vector<16xf32>,
        } {sc.loop_unroll_factor = 4 : i64, sc.parallel_access}
      }
      %scan3A_20 = arith.constant 25 : i32
      %dma_wait3A = arith.constant 160000 : i32
      %dma_wait3A_21 = tpu.memref_slice %arg3[%dma_wait3A] : memref<163200xi32, #tpu.memory_space<hbm>> -> memref<3200xi32, #tpu.memory_space<hbm>>
      %dma_wait3A_22 = arith.constant 160000 : i32
      %dma_wait3A_23 = tpu.memref_slice %arg3[%dma_wait3A_22] : memref<163200xi32, #tpu.memory_space<hbm>> -> memref<3200xi32, #tpu.memory_space<hbm>>
      tpu.wait_dma2 semaphore(%arg9 : memref<!tpu.dma_semaphore, #tpu.memory_space<semaphore_mem>>) src(%dma_wait3A_23 : memref<3200xi32, #tpu.memory_space<hbm>>) dst(%arg7 : memref<3200xi32, #tpu.memory_space<vmem>>)
      "tpu.region"() ({
        %run_scoped3A = tpu.sem_alloc : memref<!tpu.dma_semaphore, #tpu.memory_space<semaphore_mem>>
        %dma_start3A_26 = arith.constant 0 : i32
        %dma_start3A_27 = tpu.memref_slice %arg6[%dma_start3A_26] : memref<81920xf32, #tpu.memory_space<vmem>> -> memref<40960xf32, #tpu.memory_space<vmem>>
        %dma_start3A_28 = arith.constant 0 : i32
        %dma_start3A_29 = tpu.memref_slice %arg4[%add3A_9, %dma_start3A_28] : memref<128x40960xf32, #tpu.memory_space<hbm>> -> memref<1x40960xf32, #tpu.memory_space<hbm>>
        %dma_start3A_30 = tpu.memref_squeeze %dma_start3A_29 : memref<1x40960xf32, #tpu.memory_space<hbm>> -> memref<40960xf32, #tpu.memory_space<hbm>>
        %dma_start3A_31 = arith.constant 0 : i32
        %dma_start3A_32 = tpu.memref_slice %arg4[%add3A_9, %dma_start3A_31] : memref<128x40960xf32, #tpu.memory_space<hbm>> -> memref<1x40960xf32, #tpu.memory_space<hbm>>
        %dma_start3A_33 = tpu.memref_squeeze %dma_start3A_32 : memref<1x40960xf32, #tpu.memory_space<hbm>> -> memref<40960xf32, #tpu.memory_space<hbm>>
        %dma_start3A_34 = arith.constant 0 : i32
        %dma_start3A_35 = tpu.memref_slice %arg6[%dma_start3A_34] : memref<81920xf32, #tpu.memory_space<vmem>> -> memref<40960xf32, #tpu.memory_space<vmem>>
        tpu.enqueue_dma source(%dma_start3A_35 : memref<40960xf32, #tpu.memory_space<vmem>>) target(%dma_start3A_33 : memref<40960xf32, #tpu.memory_space<hbm>>) target_semaphore(%run_scoped3A : memref<!tpu.dma_semaphore, #tpu.memory_space<semaphore_mem>>)
        %dma_wait3A_36 = arith.constant 0 : i32
        %dma_wait3A_37 = tpu.memref_slice %arg6[%dma_wait3A_36] : memref<81920xf32, #tpu.memory_space<vmem>> -> memref<40960xf32, #tpu.memory_space<vmem>>
        %dma_wait3A_38 = arith.constant 0 : i32
        %dma_wait3A_39 = tpu.memref_slice %arg4[%add3A_9, %dma_wait3A_38] : memref<128x40960xf32, #tpu.memory_space<hbm>> -> memref<1x40960xf32, #tpu.memory_space<hbm>>
        %dma_wait3A_40 = tpu.memref_squeeze %dma_wait3A_39 : memref<1x40960xf32, #tpu.memory_space<hbm>> -> memref<40960xf32, #tpu.memory_space<hbm>>
        %dma_wait3A_41 = arith.constant 0 : i32
        %dma_wait3A_42 = tpu.memref_slice %arg4[%add3A_9, %dma_wait3A_41] : memref<128x40960xf32, #tpu.memory_space<hbm>> -> memref<1x40960xf32, #tpu.memory_space<hbm>>
        %dma_wait3A_43 = tpu.memref_squeeze %dma_wait3A_42 : memref<1x40960xf32, #tpu.memory_space<hbm>> -> memref<40960xf32, #tpu.memory_space<hbm>>
        %dma_wait3A_44 = arith.constant 0 : i32
        %dma_wait3A_45 = tpu.memref_slice %arg6[%dma_wait3A_44] : memref<81920xf32, #tpu.memory_space<vmem>> -> memref<40960xf32, #tpu.memory_space<vmem>>
        tpu.wait_dma2 semaphore(%run_scoped3A : memref<!tpu.dma_semaphore, #tpu.memory_space<semaphore_mem>>) src(%dma_wait3A_45 : memref<40960xf32, #tpu.memory_space<vmem>>) dst(%dma_wait3A_43 : memref<40960xf32, #tpu.memory_space<hbm>>)
        tpu.yield
      }) : () -> ()
      %add3A_24 = arith.constant 64 : i32
      %add3A_25 = arith.addi %add3A_24, %add3A_9 : i32
      "tpu.region"() ({
        %run_scoped3A = tpu.sem_alloc : memref<!tpu.dma_semaphore, #tpu.memory_space<semaphore_mem>>
        %dma_start3A_26 = arith.constant 40960 : i32
        %dma_start3A_27 = tpu.memref_slice %arg6[%dma_start3A_26] : memref<81920xf32, #tpu.memory_space<vmem>> -> memref<40960xf32, #tpu.memory_space<vmem>>
        %dma_start3A_28 = arith.constant 0 : i32
        %dma_start3A_29 = tpu.memref_slice %arg4[%add3A_25, %dma_start3A_28] : memref<128x40960xf32, #tpu.memory_space<hbm>> -> memref<1x40960xf32, #tpu.memory_space<hbm>>
        %dma_start3A_30 = tpu.memref_squeeze %dma_start3A_29 : memref<1x40960xf32, #tpu.memory_space<hbm>> -> memref<40960xf32, #tpu.memory_space<hbm>>
        %dma_start3A_31 = arith.constant 0 : i32
        %dma_start3A_32 = tpu.memref_slice %arg4[%add3A_25, %dma_start3A_31] : memref<128x40960xf32, #tpu.memory_space<hbm>> -> memref<1x40960xf32, #tpu.memory_space<hbm>>
        %dma_start3A_33 = tpu.memref_squeeze %dma_start3A_32 : memref<1x40960xf32, #tpu.memory_space<hbm>> -> memref<40960xf32, #tpu.memory_space<hbm>>
        %dma_start3A_34 = arith.constant 40960 : i32
        %dma_start3A_35 = tpu.memref_slice %arg6[%dma_start3A_34] : memref<81920xf32, #tpu.memory_space<vmem>> -> memref<40960xf32, #tpu.memory_space<vmem>>
        tpu.enqueue_dma source(%dma_start3A_35 : memref<40960xf32, #tpu.memory_space<vmem>>) target(%dma_start3A_33 : memref<40960xf32, #tpu.memory_space<hbm>>) target_semaphore(%run_scoped3A : memref<!tpu.dma_semaphore, #tpu.memory_space<semaphore_mem>>)
        %dma_wait3A_36 = arith.constant 40960 : i32
        %dma_wait3A_37 = tpu.memref_slice %arg6[%dma_wait3A_36] : memref<81920xf32, #tpu.memory_space<vmem>> -> memref<40960xf32, #tpu.memory_space<vmem>>
        %dma_wait3A_38 = arith.constant 0 : i32
        %dma_wait3A_39 = tpu.memref_slice %arg4[%add3A_25, %dma_wait3A_38] : memref<128x40960xf32, #tpu.memory_space<hbm>> -> memref<1x40960xf32, #tpu.memory_space<hbm>>
        %dma_wait3A_40 = tpu.memref_squeeze %dma_wait3A_39 : memref<1x40960xf32, #tpu.memory_space<hbm>> -> memref<40960xf32, #tpu.memory_space<hbm>>
        %dma_wait3A_41 = arith.constant 0 : i32
        %dma_wait3A_42 = tpu.memref_slice %arg4[%add3A_25, %dma_wait3A_41] : memref<128x40960xf32, #tpu.memory_space<hbm>> -> memref<1x40960xf32, #tpu.memory_space<hbm>>
        %dma_wait3A_43 = tpu.memref_squeeze %dma_wait3A_42 : memref<1x40960xf32, #tpu.memory_space<hbm>> -> memref<40960xf32, #tpu.memory_space<hbm>>
        %dma_wait3A_44 = arith.constant 40960 : i32
        %dma_wait3A_45 = tpu.memref_slice %arg6[%dma_wait3A_44] : memref<81920xf32, #tpu.memory_space<vmem>> -> memref<40960xf32, #tpu.memory_space<vmem>>
        tpu.wait_dma2 semaphore(%run_scoped3A : memref<!tpu.dma_semaphore, #tpu.memory_space<semaphore_mem>>) src(%dma_wait3A_45 : memref<40960xf32, #tpu.memory_space<vmem>>) dst(%dma_wait3A_43 : memref<40960xf32, #tpu.memory_space<hbm>>)
        tpu.yield
      }) : () -> ()
    }
    %scan3A_5 = arith.constant 2 : i32
    return
  }
}

#map = affine_map<(d0, d1) -> (0)>
#map1 = affine_map<(d0, d1) -> (0, 0)>
module attributes {stable_mosaic.version = 14 : i64} {
  func.func @_sc_degree_body(%arg0: i32, %arg1: i32, %arg2: memref<160000xi32, #tpu.memory_space<hbm>>, %arg3: memref<32x10240xf32, #tpu.memory_space<hbm>>, %arg4: memref<10240xf32, #tpu.memory_space<vmem>>, %arg5: memref<5016xi32, #tpu.memory_space<vmem>>) attributes {dimension_semantics = [#tpu.dimension_semantics<core_parallel>, #tpu.dimension_semantics<subcore_parallel>], iteration_bounds = array<i64: 2, 16>, scalar_prefetch = 0 : i64, scratch_operands = 2 : i64, tpu.core_type = #tpu.core_type<sc_vector_subcore>, window_params = [{transform_indices = #map}, {transform_indices = #map1}]} {
    %mul3A = arith.constant 2 : i32
    %mul3A_0 = arith.muli %arg1, %mul3A : i32
    %add3A = arith.addi %mul3A_0, %arg0 : i32
    %scan3A = arith.constant 0 : i32
    %scan3A_1 = arith.constant 0 : i32
    %scan3A_2 = arith.constant 640 : i32
    %scan3A_3 = arith.addi %scan3A_1, %scan3A_2 : i32
    %scan3A_4 = arith.constant 1 : i32
    scf.for %scan3A_21 = %scan3A_1 to %scan3A_3 step %scan3A_4  : i32 {
      %broadcast_in_dim3A_22 = arith.constant 0.000000e+00 : f32
      %broadcast_in_dim3A_23 = vector.broadcast %broadcast_in_dim3A_22 : f32 to vector<16xf32>
      %mul3A_24 = arith.constant 16 : i32
      %mul3A_25 = arith.muli %scan3A_21, %mul3A_24 : i32
      %swap3A_26 = arith.index_cast %mul3A_25 : i32 to index
      %swap3A_27 = tpu.vector_load %arg4[%swap3A_26] {strides = array<i32>} : memref<10240xf32, #tpu.memory_space<vmem>>, vector<16xf32>,
      tpu.vector_store %arg4[%swap3A_26], %broadcast_in_dim3A_23 {strides = array<i32>} : memref<10240xf32, #tpu.memory_space<vmem>>, vector<16xf32>,
    }
    %scan3A_5 = arith.constant 640 : i32
    %broadcast_in_dim3A = arith.constant 0 : i32
    %broadcast_in_dim3A_6 = vector.broadcast %broadcast_in_dim3A : i32 to vector<16xi32>
    %swap3A = arith.constant 4992 : index
    %swap3A_7 = tpu.vector_load %arg5[%swap3A] {strides = array<i32>} : memref<5016xi32, #tpu.memory_space<vmem>>, vector<16xi32>,
    tpu.vector_store %arg5[%swap3A], %broadcast_in_dim3A_6 {strides = array<i32>} : memref<5016xi32, #tpu.memory_space<vmem>>, vector<16xi32>,
    %mul3A_8 = arith.constant 5000 : i32
    %mul3A_9 = arith.muli %add3A, %mul3A_8 : i32
    "tpu.region"() ({
      %run_scoped3A = tpu.sem_alloc : memref<!tpu.dma_semaphore, #tpu.memory_space<semaphore_mem>>
      %dma_start3A = arith.constant 0 : i32
      %dma_start3A_21 = tpu.memref_slice %arg5[%dma_start3A] : memref<5016xi32, #tpu.memory_space<vmem>> -> memref<5000xi32, #tpu.memory_space<vmem>>
      %dma_start3A_22 = tpu.memref_slice %arg2[%mul3A_9] : memref<160000xi32, #tpu.memory_space<hbm>> -> memref<5000xi32, #tpu.memory_space<hbm>>
      %dma_start3A_23 = arith.constant 0 : i32
      %dma_start3A_24 = tpu.memref_slice %arg5[%dma_start3A_23] : memref<5016xi32, #tpu.memory_space<vmem>> -> memref<5000xi32, #tpu.memory_space<vmem>>
      %dma_start3A_25 = tpu.memref_slice %arg2[%mul3A_9] : memref<160000xi32, #tpu.memory_space<hbm>> -> memref<5000xi32, #tpu.memory_space<hbm>>
      tpu.enqueue_dma source(%dma_start3A_25 : memref<5000xi32, #tpu.memory_space<hbm>>) target(%dma_start3A_24 : memref<5000xi32, #tpu.memory_space<vmem>>) target_semaphore(%run_scoped3A : memref<!tpu.dma_semaphore, #tpu.memory_space<semaphore_mem>>)
      %dma_wait3A = arith.constant 0 : i32
      %dma_wait3A_26 = tpu.memref_slice %arg5[%dma_wait3A] : memref<5016xi32, #tpu.memory_space<vmem>> -> memref<5000xi32, #tpu.memory_space<vmem>>
      %dma_wait3A_27 = tpu.memref_slice %arg2[%mul3A_9] : memref<160000xi32, #tpu.memory_space<hbm>> -> memref<5000xi32, #tpu.memory_space<hbm>>
      %dma_wait3A_28 = arith.constant 0 : i32
      %dma_wait3A_29 = tpu.memref_slice %arg5[%dma_wait3A_28] : memref<5016xi32, #tpu.memory_space<vmem>> -> memref<5000xi32, #tpu.memory_space<vmem>>
      %dma_wait3A_30 = tpu.memref_slice %arg2[%mul3A_9] : memref<160000xi32, #tpu.memory_space<hbm>> -> memref<5000xi32, #tpu.memory_space<hbm>>
      tpu.wait_dma2 semaphore(%run_scoped3A : memref<!tpu.dma_semaphore, #tpu.memory_space<semaphore_mem>>) src(%dma_wait3A_30 : memref<5000xi32, #tpu.memory_space<hbm>>) dst(%dma_wait3A_29 : memref<5000xi32, #tpu.memory_space<vmem>>)
      tpu.yield
    }) : () -> ()
    %broadcast_in_dim3A_10 = arith.constant 1.000000e+00 : f32
    %broadcast_in_dim3A_11 = vector.broadcast %broadcast_in_dim3A_10 : f32 to vector<16xf32>
    %scan3A_12 = arith.constant 0 : i32
    %scan3A_13 = arith.constant 0 : i32
    %scan3A_14 = arith.constant 312 : i32
    %scan3A_15 = arith.addi %scan3A_13, %scan3A_14 : i32
    %scan3A_16 = arith.constant 1 : i32
    scf.for %scan3A_21 = %scan3A_13 to %scan3A_15 step %scan3A_16  : i32 {
      %mul3A_22 = arith.constant 16 : i32
      %mul3A_23 = arith.muli %scan3A_21, %mul3A_22 : i32
      %get3A_24 = arith.index_cast %mul3A_23 : i32 to index
      %get3A_25 = tpu.vector_load %arg5[%get3A_24] {strides = array<i32>} : memref<5016xi32, #tpu.memory_space<vmem>>, vector<16xi32>,
      tpu.vector_store_idx %arg4[%get3A_25], %broadcast_in_dim3A_11 {add = true} : memref<10240xf32, #tpu.memory_space<vmem>>[vector<16xi32>], vector<16xf32>,
    }
    %scan3A_17 = arith.constant 312 : i32
    %get3A = arith.constant 4992 : index
    %get3A_18 = tpu.vector_load %arg5[%get3A] {strides = array<i32>} : memref<5016xi32, #tpu.memory_space<vmem>>, vector<16xi32>,
    %iota3A = tpu.iota {dimensions = array<i32: 0>} : vector<16xi32>
    %lt3A = arith.constant 8 : i32
    %lt3A_19 = vector.broadcast %lt3A : i32 to vector<16xi32>
    %lt3A_20 = arith.cmpi slt, %iota3A, %lt3A_19 : vector<16xi32>
    tpu.vector_store_idx %arg4[%get3A_18], %broadcast_in_dim3A_11 masked %lt3A_20 {add = true} : memref<10240xf32, #tpu.memory_space<vmem>>[vector<16xi32>], vector<16xf32>, vector<16xi1>
    "tpu.region"() ({
      %run_scoped3A = tpu.sem_alloc : memref<!tpu.dma_semaphore, #tpu.memory_space<semaphore_mem>>
      %dma_start3A = arith.constant 0 : i32
      %dma_start3A_21 = tpu.memref_slice %arg3[%add3A, %dma_start3A] : memref<32x10240xf32, #tpu.memory_space<hbm>> -> memref<1x10240xf32, #tpu.memory_space<hbm>>
      %dma_start3A_22 = tpu.memref_squeeze %dma_start3A_21 : memref<1x10240xf32, #tpu.memory_space<hbm>> -> memref<10240xf32, #tpu.memory_space<hbm>>
      %dma_start3A_23 = arith.constant 0 : i32
      %dma_start3A_24 = tpu.memref_slice %arg3[%add3A, %dma_start3A_23] : memref<32x10240xf32, #tpu.memory_space<hbm>> -> memref<1x10240xf32, #tpu.memory_space<hbm>>
      %dma_start3A_25 = tpu.memref_squeeze %dma_start3A_24 : memref<1x10240xf32, #tpu.memory_space<hbm>> -> memref<10240xf32, #tpu.memory_space<hbm>>
      tpu.enqueue_dma source(%arg4 : memref<10240xf32, #tpu.memory_space<vmem>>) target(%dma_start3A_25 : memref<10240xf32, #tpu.memory_space<hbm>>) target_semaphore(%run_scoped3A : memref<!tpu.dma_semaphore, #tpu.memory_space<semaphore_mem>>)
      %dma_wait3A = arith.constant 0 : i32
      %dma_wait3A_26 = tpu.memref_slice %arg3[%add3A, %dma_wait3A] : memref<32x10240xf32, #tpu.memory_space<hbm>> -> memref<1x10240xf32, #tpu.memory_space<hbm>>
      %dma_wait3A_27 = tpu.memref_squeeze %dma_wait3A_26 : memref<1x10240xf32, #tpu.memory_space<hbm>> -> memref<10240xf32, #tpu.memory_space<hbm>>
      %dma_wait3A_28 = arith.constant 0 : i32
      %dma_wait3A_29 = tpu.memref_slice %arg3[%add3A, %dma_wait3A_28] : memref<32x10240xf32, #tpu.memory_space<hbm>> -> memref<1x10240xf32, #tpu.memory_space<hbm>>
      %dma_wait3A_30 = tpu.memref_squeeze %dma_wait3A_29 : memref<1x10240xf32, #tpu.memory_space<hbm>> -> memref<10240xf32, #tpu.memory_space<hbm>>
      tpu.wait_dma2 semaphore(%run_scoped3A : memref<!tpu.dma_semaphore, #tpu.memory_space<semaphore_mem>>) src(%arg4 : memref<10240xf32, #tpu.memory_space<vmem>>) dst(%dma_wait3A_30 : memref<10240xf32, #tpu.memory_space<hbm>>)
      tpu.yield
    }) : () -> ()
    return
  }
}

#map = affine_map<(d0, d1) -> (0, 0)>
#map1 = affine_map<(d0, d1) -> (0)>
module attributes {stable_mosaic.version = 14 : i64} {
  func.func @_sc_agg_body(%arg0: i32, %arg1: i32, %arg2: memref<64x40960xi32, #tpu.memory_space<hbm>>, %arg3: memref<163200xi32, #tpu.memory_space<hbm>>, %arg4: memref<128x40960xf32, #tpu.memory_space<hbm>>, %arg5: memref<40960xi32, #tpu.memory_space<vmem>>, %arg6: memref<81920xf32, #tpu.memory_space<vmem>>, %arg7: memref<3200xi32, #tpu.memory_space<vmem>>, %arg8: memref<3200xi32, #tpu.memory_space<vmem>>, %arg9: memref<!tpu.dma_semaphore, #tpu.memory_space<semaphore_mem>>, %arg10: memref<!tpu.dma_semaphore, #tpu.memory_space<semaphore_mem>>) attributes {dimension_semantics = [#tpu.dimension_semantics<core_parallel>, #tpu.dimension_semantics<subcore_parallel>], iteration_bounds = array<i64: 2, 16>, scalar_prefetch = 0 : i64, scratch_operands = 6 : i64, tpu.core_type = #tpu.core_type<sc_vector_subcore>, window_params = [{transform_indices = #map}, {transform_indices = #map1}, {transform_indices = #map}]} {
    %mul3A = arith.constant 2 : i32
    %mul3A_0 = arith.muli %arg1, %mul3A : i32
    %add3A = arith.addi %mul3A_0, %arg0 : i32
    %scan3A = arith.constant 0 : i32
    %scan3A_1 = arith.constant 0 : i32
    %scan3A_2 = arith.constant 2 : i32
    %scan3A_3 = arith.addi %scan3A_1, %scan3A_2 : i32
    %scan3A_4 = arith.constant 1 : i32
    scf.for %scan3A_6 = %scan3A_1 to %scan3A_3 step %scan3A_4  : i32 {
      %mul3A_7 = arith.constant 2 : i32
      %mul3A_8 = arith.muli %add3A, %mul3A_7 : i32
      %add3A_9 = arith.addi %mul3A_8, %scan3A_6 : i32
      %dma_start3A = arith.constant 0 : i32
      %dma_start3A_10 = tpu.memref_slice %arg3[%dma_start3A] : memref<163200xi32, #tpu.memory_space<hbm>> -> memref<3200xi32, #tpu.memory_space<hbm>>
      %dma_start3A_11 = arith.constant 0 : i32
      %dma_start3A_12 = tpu.memref_slice %arg3[%dma_start3A_11] : memref<163200xi32, #tpu.memory_space<hbm>> -> memref<3200xi32, #tpu.memory_space<hbm>>
      tpu.enqueue_dma source(%dma_start3A_12 : memref<3200xi32, #tpu.memory_space<hbm>>) target(%arg7 : memref<3200xi32, #tpu.memory_space<vmem>>) target_semaphore(%arg9 : memref<!tpu.dma_semaphore, #tpu.memory_space<semaphore_mem>>)
      "tpu.region"() ({
        %run_scoped3A = tpu.sem_alloc : memref<!tpu.dma_semaphore, #tpu.memory_space<semaphore_mem>>
        %dma_start3A_26 = arith.constant 0 : i32
        %dma_start3A_27 = tpu.memref_slice %arg2[%add3A_9, %dma_start3A_26] : memref<64x40960xi32, #tpu.memory_space<hbm>> -> memref<1x40960xi32, #tpu.memory_space<hbm>>
        %dma_start3A_28 = tpu.memref_squeeze %dma_start3A_27 : memref<1x40960xi32, #tpu.memory_space<hbm>> -> memref<40960xi32, #tpu.memory_space<hbm>>
        %dma_start3A_29 = arith.constant 0 : i32
        %dma_start3A_30 = tpu.memref_slice %arg2[%add3A_9, %dma_start3A_29] : memref<64x40960xi32, #tpu.memory_space<hbm>> -> memref<1x40960xi32, #tpu.memory_space<hbm>>
        %dma_start3A_31 = tpu.memref_squeeze %dma_start3A_30 : memref<1x40960xi32, #tpu.memory_space<hbm>> -> memref<40960xi32, #tpu.memory_space<hbm>>
        tpu.enqueue_dma source(%dma_start3A_31 : memref<40960xi32, #tpu.memory_space<hbm>>) target(%arg5 : memref<40960xi32, #tpu.memory_space<vmem>>) target_semaphore(%run_scoped3A : memref<!tpu.dma_semaphore, #tpu.memory_space<semaphore_mem>>)
        %dma_wait3A_32 = arith.constant 0 : i32
        %dma_wait3A_33 = tpu.memref_slice %arg2[%add3A_9, %dma_wait3A_32] : memref<64x40960xi32, #tpu.memory_space<hbm>> -> memref<1x40960xi32, #tpu.memory_space<hbm>>
        %dma_wait3A_34 = tpu.memref_squeeze %dma_wait3A_33 : memref<1x40960xi32, #tpu.memory_space<hbm>> -> memref<40960xi32, #tpu.memory_space<hbm>>
        %dma_wait3A_35 = arith.constant 0 : i32
        %dma_wait3A_36 = tpu.memref_slice %arg2[%add3A_9, %dma_wait3A_35] : memref<64x40960xi32, #tpu.memory_space<hbm>> -> memref<1x40960xi32, #tpu.memory_space<hbm>>
        %dma_wait3A_37 = tpu.memref_squeeze %dma_wait3A_36 : memref<1x40960xi32, #tpu.memory_space<hbm>> -> memref<40960xi32, #tpu.memory_space<hbm>>
        tpu.wait_dma2 semaphore(%run_scoped3A : memref<!tpu.dma_semaphore, #tpu.memory_space<semaphore_mem>>) src(%dma_wait3A_37 : memref<40960xi32, #tpu.memory_space<hbm>>) dst(%arg5 : memref<40960xi32, #tpu.memory_space<vmem>>)
        tpu.yield
      }) : () -> ()
      %parallel_loop3A = arith.constant 0 : i32
      %parallel_loop3A_13 = arith.constant 5120 : i32
      %parallel_loop3A_14 = arith.constant 1 : i32
      scf.for %parallel_loop3A_26 = %parallel_loop3A to %parallel_loop3A_13 step %parallel_loop3A_14  : i32 {
        %parallel_loop3A_27 = arith.constant 0.000000e+00 : f32
        %parallel_loop3A_28 = vector.broadcast %parallel_loop3A_27 : f32 to vector<16xf32>
        %parallel_loop3A_29 = arith.constant 16 : i32
        %parallel_loop3A_30 = arith.muli %parallel_loop3A_26, %parallel_loop3A_29 : i32
        %parallel_loop3A_31 = arith.index_cast %parallel_loop3A_30 : i32 to index
        %parallel_loop3A_32 = tpu.vector_load %arg6[%parallel_loop3A_31] {strides = array<i32>} : memref<81920xf32, #tpu.memory_space<vmem>>, vector<16xf32>,
        tpu.vector_store %arg6[%parallel_loop3A_31], %parallel_loop3A_28 {strides = array<i32>} : memref<81920xf32, #tpu.memory_space<vmem>>, vector<16xf32>,
      } {sc.loop_unroll_factor = 8 : i64, sc.parallel_access}
      %scan3A_15 = arith.constant 0 : i32
      %scan3A_16 = arith.constant 0 : i32
      %scan3A_17 = arith.constant 25 : i32
      %scan3A_18 = arith.addi %scan3A_16, %scan3A_17 : i32
      %scan3A_19 = arith.constant 1 : i32
      scf.for %scan3A_26 = %scan3A_16 to %scan3A_18 step %scan3A_19  : i32 {
        %mul3A_27 = arith.constant 2 : i32
        %mul3A_28 = arith.muli %scan3A_26, %mul3A_27 : i32
        %add3A_29 = arith.constant 1 : i32
        %add3A_30 = arith.addi %mul3A_28, %add3A_29 : i32
        %mul3A_31 = arith.constant 3200 : i32
        %mul3A_32 = arith.muli %add3A_30, %mul3A_31 : i32
        %dma_start3A_33 = tpu.memref_slice %arg3[%mul3A_32] : memref<163200xi32, #tpu.memory_space<hbm>> -> memref<3200xi32, #tpu.memory_space<hbm>>
        %dma_start3A_34 = tpu.memref_slice %arg3[%mul3A_32] : memref<163200xi32, #tpu.memory_space<hbm>> -> memref<3200xi32, #tpu.memory_space<hbm>>
        tpu.enqueue_dma source(%dma_start3A_34 : memref<3200xi32, #tpu.memory_space<hbm>>) target(%arg8 : memref<3200xi32, #tpu.memory_space<vmem>>) target_semaphore(%arg10 : memref<!tpu.dma_semaphore, #tpu.memory_space<semaphore_mem>>)
        %mul3A_35 = arith.constant 3200 : i32
        %mul3A_36 = arith.muli %mul3A_28, %mul3A_35 : i32
        %dma_wait3A_37 = tpu.memref_slice %arg3[%mul3A_36] : memref<163200xi32, #tpu.memory_space<hbm>> -> memref<3200xi32, #tpu.memory_space<hbm>>
        %dma_wait3A_38 = tpu.memref_slice %arg3[%mul3A_36] : memref<163200xi32, #tpu.memory_space<hbm>> -> memref<3200xi32, #tpu.memory_space<hbm>>
        tpu.wait_dma2 semaphore(%arg9 : memref<!tpu.dma_semaphore, #tpu.memory_space<semaphore_mem>>) src(%dma_wait3A_38 : memref<3200xi32, #tpu.memory_space<hbm>>) dst(%arg7 : memref<3200xi32, #tpu.memory_space<vmem>>)
        %parallel_loop3A_39 = arith.constant 0 : i32
        %parallel_loop3A_40 = arith.constant 200 : i32
        %parallel_loop3A_41 = arith.constant 1 : i32
        scf.for %parallel_loop3A_57 = %parallel_loop3A_39 to %parallel_loop3A_40 step %parallel_loop3A_41  : i32 {
          %parallel_loop3A_58 = arith.constant 16 : i32
          %parallel_loop3A_59 = arith.muli %parallel_loop3A_57, %parallel_loop3A_58 : i32
          %parallel_loop3A_60 = arith.index_cast %parallel_loop3A_59 : i32 to index
          %parallel_loop3A_61 = tpu.vector_load %arg7[%parallel_loop3A_60] {strides = array<i32>} : memref<3200xi32, #tpu.memory_space<vmem>>, vector<16xi32>,
          %parallel_loop3A_62 = arith.constant 16383 : i32
          %parallel_loop3A_63 = vector.broadcast %parallel_loop3A_62 : i32 to vector<16xi32>
          %parallel_loop3A_64 = arith.andi %parallel_loop3A_61, %parallel_loop3A_63 : vector<16xi32>
          %parallel_loop3A_65 = arith.constant 14 : i32
          %parallel_loop3A_66 = vector.broadcast %parallel_loop3A_65 : i32 to vector<16xi32>
          %parallel_loop3A_67 = arith.shrsi %parallel_loop3A_61, %parallel_loop3A_66 : vector<16xi32>
          %parallel_loop3A_68 = arith.constant 0 : i32
          %parallel_loop3A_69 = vector.broadcast %parallel_loop3A_68 : i32 to vector<16xi32>
          %parallel_loop3A_70 = arith.addi %parallel_loop3A_64, %parallel_loop3A_69 : vector<16xi32>
          %parallel_loop3A_71 = tpu.vector_load_idx %arg5[%parallel_loop3A_70] : memref<40960xi32, #tpu.memory_space<vmem>>[vector<16xi32>], vector<16xi32>,
          %parallel_loop3A_72 = arith.constant 16 : i32
          %parallel_loop3A_73 = vector.broadcast %parallel_loop3A_72 : i32 to vector<16xi32>
          %parallel_loop3A_74 = arith.shli %parallel_loop3A_71, %parallel_loop3A_73 : vector<16xi32>
          %parallel_loop3A_75 = vector.bitcast %parallel_loop3A_74 : vector<16xi32> to vector<16xf32>
          %parallel_loop3A_76 = arith.constant -65536 : i32
          %parallel_loop3A_77 = vector.broadcast %parallel_loop3A_76 : i32 to vector<16xi32>
          %parallel_loop3A_78 = arith.andi %parallel_loop3A_71, %parallel_loop3A_77 : vector<16xi32>
          %parallel_loop3A_79 = vector.bitcast %parallel_loop3A_78 : vector<16xi32> to vector<16xf32>
          %parallel_loop3A_80 = arith.constant 0 : i32
          %parallel_loop3A_81 = vector.broadcast %parallel_loop3A_80 : i32 to vector<16xi32>
          %parallel_loop3A_82 = arith.addi %parallel_loop3A_67, %parallel_loop3A_81 : vector<16xi32>
          tpu.vector_store_idx %arg6[%parallel_loop3A_82], %parallel_loop3A_75 {add = true} : memref<81920xf32, #tpu.memory_space<vmem>>[vector<16xi32>], vector<16xf32>,
          %parallel_loop3A_83 = arith.constant 40960 : i32
          %parallel_loop3A_84 = vector.broadcast %parallel_loop3A_83 : i32 to vector<16xi32>
          %parallel_loop3A_85 = arith.addi %parallel_loop3A_67, %parallel_loop3A_84 : vector<16xi32>
          tpu.vector_store_idx %arg6[%parallel_loop3A_85], %parallel_loop3A_79 {add = true} : memref<81920xf32, #tpu.memory_space<vmem>>[vector<16xi32>], vector<16xf32>,
          %parallel_loop3A_86 = arith.constant 10240 : i32
          %parallel_loop3A_87 = vector.broadcast %parallel_loop3A_86 : i32 to vector<16xi32>
          %parallel_loop3A_88 = arith.addi %parallel_loop3A_64, %parallel_loop3A_87 : vector<16xi32>
          %parallel_loop3A_89 = tpu.vector_load_idx %arg5[%parallel_loop3A_88] : memref<40960xi32, #tpu.memory_space<vmem>>[vector<16xi32>], vector<16xi32>,
          %parallel_loop3A_90 = arith.constant 16 : i32
          %parallel_loop3A_91 = vector.broadcast %parallel_loop3A_90 : i32 to vector<16xi32>
          %parallel_loop3A_92 = arith.shli %parallel_loop3A_89, %parallel_loop3A_91 : vector<16xi32>
          %parallel_loop3A_93 = vector.bitcast %parallel_loop3A_92 : vector<16xi32> to vector<16xf32>
          %parallel_loop3A_94 = arith.constant -65536 : i32
          %parallel_loop3A_95 = vector.broadcast %parallel_loop3A_94 : i32 to vector<16xi32>
          %parallel_loop3A_96 = arith.andi %parallel_loop3A_89, %parallel_loop3A_95 : vector<16xi32>
          %parallel_loop3A_97 = vector.bitcast %parallel_loop3A_96 : vector<16xi32> to vector<16xf32>
          %parallel_loop3A_98 = arith.constant 10240 : i32
          %parallel_loop3A_99 = vector.broadcast %parallel_loop3A_98 : i32 to vector<16xi32>
          %parallel_loop3A_100 = arith.addi %parallel_loop3A_67, %parallel_loop3A_99 : vector<16xi32>
          tpu.vector_store_idx %arg6[%parallel_loop3A_100], %parallel_loop3A_93 {add = true} : memref<81920xf32, #tpu.memory_space<vmem>>[vector<16xi32>], vector<16xf32>,
          %parallel_loop3A_101 = arith.constant 51200 : i32
          %parallel_loop3A_102 = vector.broadcast %parallel_loop3A_101 : i32 to vector<16xi32>
          %parallel_loop3A_103 = arith.addi %parallel_loop3A_67, %parallel_loop3A_102 : vector<16xi32>
          tpu.vector_store_idx %arg6[%parallel_loop3A_103], %parallel_loop3A_97 {add = true} : memref<81920xf32, #tpu.memory_space<vmem>>[vector<16xi32>], vector<16xf32>,
          %parallel_loop3A_104 = arith.constant 20480 : i32
          %parallel_loop3A_105 = vector.broadcast %parallel_loop3A_104 : i32 to vector<16xi32>
          %parallel_loop3A_106 = arith.addi %parallel_loop3A_64, %parallel_loop3A_105 : vector<16xi32>
          %parallel_loop3A_107 = tpu.vector_load_idx %arg5[%parallel_loop3A_106] : memref<40960xi32, #tpu.memory_space<vmem>>[vector<16xi32>], vector<16xi32>,
          %parallel_loop3A_108 = arith.constant 16 : i32
          %parallel_loop3A_109 = vector.broadcast %parallel_loop3A_108 : i32 to vector<16xi32>
          %parallel_loop3A_110 = arith.shli %parallel_loop3A_107, %parallel_loop3A_109 : vector<16xi32>
          %parallel_loop3A_111 = vector.bitcast %parallel_loop3A_110 : vector<16xi32> to vector<16xf32>
          %parallel_loop3A_112 = arith.constant -65536 : i32
          %parallel_loop3A_113 = vector.broadcast %parallel_loop3A_112 : i32 to vector<16xi32>
          %parallel_loop3A_114 = arith.andi %parallel_loop3A_107, %parallel_loop3A_113 : vector<16xi32>
          %parallel_loop3A_115 = vector.bitcast %parallel_loop3A_114 : vector<16xi32> to vector<16xf32>
          %parallel_loop3A_116 = arith.constant 20480 : i32
          %parallel_loop3A_117 = vector.broadcast %parallel_loop3A_116 : i32 to vector<16xi32>
          %parallel_loop3A_118 = arith.addi %parallel_loop3A_67, %parallel_loop3A_117 : vector<16xi32>
          tpu.vector_store_idx %arg6[%parallel_loop3A_118], %parallel_loop3A_111 {add = true} : memref<81920xf32, #tpu.memory_space<vmem>>[vector<16xi32>], vector<16xf32>,
          %parallel_loop3A_119 = arith.constant 61440 : i32
          %parallel_loop3A_120 = vector.broadcast %parallel_loop3A_119 : i32 to vector<16xi32>
          %parallel_loop3A_121 = arith.addi %parallel_loop3A_67, %parallel_loop3A_120 : vector<16xi32>
          tpu.vector_store_idx %arg6[%parallel_loop3A_121], %parallel_loop3A_115 {add = true} : memref<81920xf32, #tpu.memory_space<vmem>>[vector<16xi32>], vector<16xf32>,
          %parallel_loop3A_122 = arith.constant 30720 : i32
          %parallel_loop3A_123 = vector.broadcast %parallel_loop3A_122 : i32 to vector<16xi32>
          %parallel_loop3A_124 = arith.addi %parallel_loop3A_64, %parallel_loop3A_123 : vector<16xi32>
          %parallel_loop3A_125 = tpu.vector_load_idx %arg5[%parallel_loop3A_124] : memref<40960xi32, #tpu.memory_space<vmem>>[vector<16xi32>], vector<16xi32>,
          %parallel_loop3A_126 = arith.constant 16 : i32
          %parallel_loop3A_127 = vector.broadcast %parallel_loop3A_126 : i32 to vector<16xi32>
          %parallel_loop3A_128 = arith.shli %parallel_loop3A_125, %parallel_loop3A_127 : vector<16xi32>
          %parallel_loop3A_129 = vector.bitcast %parallel_loop3A_128 : vector<16xi32> to vector<16xf32>
          %parallel_loop3A_130 = arith.constant -65536 : i32
          %parallel_loop3A_131 = vector.broadcast %parallel_loop3A_130 : i32 to vector<16xi32>
          %parallel_loop3A_132 = arith.andi %parallel_loop3A_125, %parallel_loop3A_131 : vector<16xi32>
          %parallel_loop3A_133 = vector.bitcast %parallel_loop3A_132 : vector<16xi32> to vector<16xf32>
          %parallel_loop3A_134 = arith.constant 30720 : i32
          %parallel_loop3A_135 = vector.broadcast %parallel_loop3A_134 : i32 to vector<16xi32>
          %parallel_loop3A_136 = arith.addi %parallel_loop3A_67, %parallel_loop3A_135 : vector<16xi32>
          tpu.vector_store_idx %arg6[%parallel_loop3A_136], %parallel_loop3A_129 {add = true} : memref<81920xf32, #tpu.memory_space<vmem>>[vector<16xi32>], vector<16xf32>,
          %parallel_loop3A_137 = arith.constant 71680 : i32
          %parallel_loop3A_138 = vector.broadcast %parallel_loop3A_137 : i32 to vector<16xi32>
          %parallel_loop3A_139 = arith.addi %parallel_loop3A_67, %parallel_loop3A_138 : vector<16xi32>
          tpu.vector_store_idx %arg6[%parallel_loop3A_139], %parallel_loop3A_133 {add = true} : memref<81920xf32, #tpu.memory_space<vmem>>[vector<16xi32>], vector<16xf32>,
        } {sc.loop_unroll_factor = 4 : i64, sc.parallel_access}
        %add3A_42 = arith.constant 2 : i32
        %add3A_43 = arith.addi %mul3A_28, %add3A_42 : i32
        %mul3A_44 = arith.constant 3200 : i32
        %mul3A_45 = arith.muli %add3A_43, %mul3A_44 : i32
        %dma_start3A_46 = tpu.memref_slice %arg3[%mul3A_45] : memref<163200xi32, #tpu.memory_space<hbm>> -> memref<3200xi32, #tpu.memory_space<hbm>>
        %dma_start3A_47 = tpu.memref_slice %arg3[%mul3A_45] : memref<163200xi32, #tpu.memory_space<hbm>> -> memref<3200xi32, #tpu.memory_space<hbm>>
        tpu.enqueue_dma source(%dma_start3A_47 : memref<3200xi32, #tpu.memory_space<hbm>>) target(%arg7 : memref<3200xi32, #tpu.memory_space<vmem>>) target_semaphore(%arg9 : memref<!tpu.dma_semaphore, #tpu.memory_space<semaphore_mem>>)
        %add3A_48 = arith.constant 1 : i32
        %add3A_49 = arith.addi %mul3A_28, %add3A_48 : i32
        %mul3A_50 = arith.constant 3200 : i32
        %mul3A_51 = arith.muli %add3A_49, %mul3A_50 : i32
        %dma_wait3A_52 = tpu.memref_slice %arg3[%mul3A_51] : memref<163200xi32, #tpu.memory_space<hbm>> -> memref<3200xi32, #tpu.memory_space<hbm>>
        %dma_wait3A_53 = tpu.memref_slice %arg3[%mul3A_51] : memref<163200xi32, #tpu.memory_space<hbm>> -> memref<3200xi32, #tpu.memory_space<hbm>>
        tpu.wait_dma2 semaphore(%arg10 : memref<!tpu.dma_semaphore, #tpu.memory_space<semaphore_mem>>) src(%dma_wait3A_53 : memref<3200xi32, #tpu.memory_space<hbm>>) dst(%arg8 : memref<3200xi32, #tpu.memory_space<vmem>>)
        %parallel_loop3A_54 = arith.constant 0 : i32
        %parallel_loop3A_55 = arith.constant 200 : i32
        %parallel_loop3A_56 = arith.constant 1 : i32
        scf.for %parallel_loop3A_57 = %parallel_loop3A_54 to %parallel_loop3A_55 step %parallel_loop3A_56  : i32 {
          %parallel_loop3A_58 = arith.constant 16 : i32
          %parallel_loop3A_59 = arith.muli %parallel_loop3A_57, %parallel_loop3A_58 : i32
          %parallel_loop3A_60 = arith.index_cast %parallel_loop3A_59 : i32 to index
          %parallel_loop3A_61 = tpu.vector_load %arg8[%parallel_loop3A_60] {strides = array<i32>} : memref<3200xi32, #tpu.memory_space<vmem>>, vector<16xi32>,
          %parallel_loop3A_62 = arith.constant 16383 : i32
          %parallel_loop3A_63 = vector.broadcast %parallel_loop3A_62 : i32 to vector<16xi32>
          %parallel_loop3A_64 = arith.andi %parallel_loop3A_61, %parallel_loop3A_63 : vector<16xi32>
          %parallel_loop3A_65 = arith.constant 14 : i32
          %parallel_loop3A_66 = vector.broadcast %parallel_loop3A_65 : i32 to vector<16xi32>
          %parallel_loop3A_67 = arith.shrsi %parallel_loop3A_61, %parallel_loop3A_66 : vector<16xi32>
          %parallel_loop3A_68 = arith.constant 0 : i32
          %parallel_loop3A_69 = vector.broadcast %parallel_loop3A_68 : i32 to vector<16xi32>
          %parallel_loop3A_70 = arith.addi %parallel_loop3A_64, %parallel_loop3A_69 : vector<16xi32>
          %parallel_loop3A_71 = tpu.vector_load_idx %arg5[%parallel_loop3A_70] : memref<40960xi32, #tpu.memory_space<vmem>>[vector<16xi32>], vector<16xi32>,
          %parallel_loop3A_72 = arith.constant 16 : i32
          %parallel_loop3A_73 = vector.broadcast %parallel_loop3A_72 : i32 to vector<16xi32>
          %parallel_loop3A_74 = arith.shli %parallel_loop3A_71, %parallel_loop3A_73 : vector<16xi32>
          %parallel_loop3A_75 = vector.bitcast %parallel_loop3A_74 : vector<16xi32> to vector<16xf32>
          %parallel_loop3A_76 = arith.constant -65536 : i32
          %parallel_loop3A_77 = vector.broadcast %parallel_loop3A_76 : i32 to vector<16xi32>
          %parallel_loop3A_78 = arith.andi %parallel_loop3A_71, %parallel_loop3A_77 : vector<16xi32>
          %parallel_loop3A_79 = vector.bitcast %parallel_loop3A_78 : vector<16xi32> to vector<16xf32>
          %parallel_loop3A_80 = arith.constant 0 : i32
          %parallel_loop3A_81 = vector.broadcast %parallel_loop3A_80 : i32 to vector<16xi32>
          %parallel_loop3A_82 = arith.addi %parallel_loop3A_67, %parallel_loop3A_81 : vector<16xi32>
          tpu.vector_store_idx %arg6[%parallel_loop3A_82], %parallel_loop3A_75 {add = true} : memref<81920xf32, #tpu.memory_space<vmem>>[vector<16xi32>], vector<16xf32>,
          %parallel_loop3A_83 = arith.constant 40960 : i32
          %parallel_loop3A_84 = vector.broadcast %parallel_loop3A_83 : i32 to vector<16xi32>
          %parallel_loop3A_85 = arith.addi %parallel_loop3A_67, %parallel_loop3A_84 : vector<16xi32>
          tpu.vector_store_idx %arg6[%parallel_loop3A_85], %parallel_loop3A_79 {add = true} : memref<81920xf32, #tpu.memory_space<vmem>>[vector<16xi32>], vector<16xf32>,
          %parallel_loop3A_86 = arith.constant 10240 : i32
          %parallel_loop3A_87 = vector.broadcast %parallel_loop3A_86 : i32 to vector<16xi32>
          %parallel_loop3A_88 = arith.addi %parallel_loop3A_64, %parallel_loop3A_87 : vector<16xi32>
          %parallel_loop3A_89 = tpu.vector_load_idx %arg5[%parallel_loop3A_88] : memref<40960xi32, #tpu.memory_space<vmem>>[vector<16xi32>], vector<16xi32>,
          %parallel_loop3A_90 = arith.constant 16 : i32
          %parallel_loop3A_91 = vector.broadcast %parallel_loop3A_90 : i32 to vector<16xi32>
          %parallel_loop3A_92 = arith.shli %parallel_loop3A_89, %parallel_loop3A_91 : vector<16xi32>
          %parallel_loop3A_93 = vector.bitcast %parallel_loop3A_92 : vector<16xi32> to vector<16xf32>
          %parallel_loop3A_94 = arith.constant -65536 : i32
          %parallel_loop3A_95 = vector.broadcast %parallel_loop3A_94 : i32 to vector<16xi32>
          %parallel_loop3A_96 = arith.andi %parallel_loop3A_89, %parallel_loop3A_95 : vector<16xi32>
          %parallel_loop3A_97 = vector.bitcast %parallel_loop3A_96 : vector<16xi32> to vector<16xf32>
          %parallel_loop3A_98 = arith.constant 10240 : i32
          %parallel_loop3A_99 = vector.broadcast %parallel_loop3A_98 : i32 to vector<16xi32>
          %parallel_loop3A_100 = arith.addi %parallel_loop3A_67, %parallel_loop3A_99 : vector<16xi32>
          tpu.vector_store_idx %arg6[%parallel_loop3A_100], %parallel_loop3A_93 {add = true} : memref<81920xf32, #tpu.memory_space<vmem>>[vector<16xi32>], vector<16xf32>,
          %parallel_loop3A_101 = arith.constant 51200 : i32
          %parallel_loop3A_102 = vector.broadcast %parallel_loop3A_101 : i32 to vector<16xi32>
          %parallel_loop3A_103 = arith.addi %parallel_loop3A_67, %parallel_loop3A_102 : vector<16xi32>
          tpu.vector_store_idx %arg6[%parallel_loop3A_103], %parallel_loop3A_97 {add = true} : memref<81920xf32, #tpu.memory_space<vmem>>[vector<16xi32>], vector<16xf32>,
          %parallel_loop3A_104 = arith.constant 20480 : i32
          %parallel_loop3A_105 = vector.broadcast %parallel_loop3A_104 : i32 to vector<16xi32>
          %parallel_loop3A_106 = arith.addi %parallel_loop3A_64, %parallel_loop3A_105 : vector<16xi32>
          %parallel_loop3A_107 = tpu.vector_load_idx %arg5[%parallel_loop3A_106] : memref<40960xi32, #tpu.memory_space<vmem>>[vector<16xi32>], vector<16xi32>,
          %parallel_loop3A_108 = arith.constant 16 : i32
          %parallel_loop3A_109 = vector.broadcast %parallel_loop3A_108 : i32 to vector<16xi32>
          %parallel_loop3A_110 = arith.shli %parallel_loop3A_107, %parallel_loop3A_109 : vector<16xi32>
          %parallel_loop3A_111 = vector.bitcast %parallel_loop3A_110 : vector<16xi32> to vector<16xf32>
          %parallel_loop3A_112 = arith.constant -65536 : i32
          %parallel_loop3A_113 = vector.broadcast %parallel_loop3A_112 : i32 to vector<16xi32>
          %parallel_loop3A_114 = arith.andi %parallel_loop3A_107, %parallel_loop3A_113 : vector<16xi32>
          %parallel_loop3A_115 = vector.bitcast %parallel_loop3A_114 : vector<16xi32> to vector<16xf32>
          %parallel_loop3A_116 = arith.constant 20480 : i32
          %parallel_loop3A_117 = vector.broadcast %parallel_loop3A_116 : i32 to vector<16xi32>
          %parallel_loop3A_118 = arith.addi %parallel_loop3A_67, %parallel_loop3A_117 : vector<16xi32>
          tpu.vector_store_idx %arg6[%parallel_loop3A_118], %parallel_loop3A_111 {add = true} : memref<81920xf32, #tpu.memory_space<vmem>>[vector<16xi32>], vector<16xf32>,
          %parallel_loop3A_119 = arith.constant 61440 : i32
          %parallel_loop3A_120 = vector.broadcast %parallel_loop3A_119 : i32 to vector<16xi32>
          %parallel_loop3A_121 = arith.addi %parallel_loop3A_67, %parallel_loop3A_120 : vector<16xi32>
          tpu.vector_store_idx %arg6[%parallel_loop3A_121], %parallel_loop3A_115 {add = true} : memref<81920xf32, #tpu.memory_space<vmem>>[vector<16xi32>], vector<16xf32>,
          %parallel_loop3A_122 = arith.constant 30720 : i32
          %parallel_loop3A_123 = vector.broadcast %parallel_loop3A_122 : i32 to vector<16xi32>
          %parallel_loop3A_124 = arith.addi %parallel_loop3A_64, %parallel_loop3A_123 : vector<16xi32>
          %parallel_loop3A_125 = tpu.vector_load_idx %arg5[%parallel_loop3A_124] : memref<40960xi32, #tpu.memory_space<vmem>>[vector<16xi32>], vector<16xi32>,
          %parallel_loop3A_126 = arith.constant 16 : i32
          %parallel_loop3A_127 = vector.broadcast %parallel_loop3A_126 : i32 to vector<16xi32>
          %parallel_loop3A_128 = arith.shli %parallel_loop3A_125, %parallel_loop3A_127 : vector<16xi32>
          %parallel_loop3A_129 = vector.bitcast %parallel_loop3A_128 : vector<16xi32> to vector<16xf32>
          %parallel_loop3A_130 = arith.constant -65536 : i32
          %parallel_loop3A_131 = vector.broadcast %parallel_loop3A_130 : i32 to vector<16xi32>
          %parallel_loop3A_132 = arith.andi %parallel_loop3A_125, %parallel_loop3A_131 : vector<16xi32>
          %parallel_loop3A_133 = vector.bitcast %parallel_loop3A_132 : vector<16xi32> to vector<16xf32>
          %parallel_loop3A_134 = arith.constant 30720 : i32
          %parallel_loop3A_135 = vector.broadcast %parallel_loop3A_134 : i32 to vector<16xi32>
          %parallel_loop3A_136 = arith.addi %parallel_loop3A_67, %parallel_loop3A_135 : vector<16xi32>
          tpu.vector_store_idx %arg6[%parallel_loop3A_136], %parallel_loop3A_129 {add = true} : memref<81920xf32, #tpu.memory_space<vmem>>[vector<16xi32>], vector<16xf32>,
          %parallel_loop3A_137 = arith.constant 71680 : i32
          %parallel_loop3A_138 = vector.broadcast %parallel_loop3A_137 : i32 to vector<16xi32>
          %parallel_loop3A_139 = arith.addi %parallel_loop3A_67, %parallel_loop3A_138 : vector<16xi32>
          tpu.vector_store_idx %arg6[%parallel_loop3A_139], %parallel_loop3A_133 {add = true} : memref<81920xf32, #tpu.memory_space<vmem>>[vector<16xi32>], vector<16xf32>,
        } {sc.loop_unroll_factor = 4 : i64, sc.parallel_access}
      }
      %scan3A_20 = arith.constant 25 : i32
      %dma_wait3A = arith.constant 160000 : i32
      %dma_wait3A_21 = tpu.memref_slice %arg3[%dma_wait3A] : memref<163200xi32, #tpu.memory_space<hbm>> -> memref<3200xi32, #tpu.memory_space<hbm>>
      %dma_wait3A_22 = arith.constant 160000 : i32
      %dma_wait3A_23 = tpu.memref_slice %arg3[%dma_wait3A_22] : memref<163200xi32, #tpu.memory_space<hbm>> -> memref<3200xi32, #tpu.memory_space<hbm>>
      tpu.wait_dma2 semaphore(%arg9 : memref<!tpu.dma_semaphore, #tpu.memory_space<semaphore_mem>>) src(%dma_wait3A_23 : memref<3200xi32, #tpu.memory_space<hbm>>) dst(%arg7 : memref<3200xi32, #tpu.memory_space<vmem>>)
      "tpu.region"() ({
        %run_scoped3A = tpu.sem_alloc : memref<!tpu.dma_semaphore, #tpu.memory_space<semaphore_mem>>
        %dma_start3A_26 = arith.constant 0 : i32
        %dma_start3A_27 = tpu.memref_slice %arg6[%dma_start3A_26] : memref<81920xf32, #tpu.memory_space<vmem>> -> memref<40960xf32, #tpu.memory_space<vmem>>
        %dma_start3A_28 = arith.constant 0 : i32
        %dma_start3A_29 = tpu.memref_slice %arg4[%add3A_9, %dma_start3A_28] : memref<128x40960xf32, #tpu.memory_space<hbm>> -> memref<1x40960xf32, #tpu.memory_space<hbm>>
        %dma_start3A_30 = tpu.memref_squeeze %dma_start3A_29 : memref<1x40960xf32, #tpu.memory_space<hbm>> -> memref<40960xf32, #tpu.memory_space<hbm>>
        %dma_start3A_31 = arith.constant 0 : i32
        %dma_start3A_32 = tpu.memref_slice %arg4[%add3A_9, %dma_start3A_31] : memref<128x40960xf32, #tpu.memory_space<hbm>> -> memref<1x40960xf32, #tpu.memory_space<hbm>>
        %dma_start3A_33 = tpu.memref_squeeze %dma_start3A_32 : memref<1x40960xf32, #tpu.memory_space<hbm>> -> memref<40960xf32, #tpu.memory_space<hbm>>
        %dma_start3A_34 = arith.constant 0 : i32
        %dma_start3A_35 = tpu.memref_slice %arg6[%dma_start3A_34] : memref<81920xf32, #tpu.memory_space<vmem>> -> memref<40960xf32, #tpu.memory_space<vmem>>
        tpu.enqueue_dma source(%dma_start3A_35 : memref<40960xf32, #tpu.memory_space<vmem>>) target(%dma_start3A_33 : memref<40960xf32, #tpu.memory_space<hbm>>) target_semaphore(%run_scoped3A : memref<!tpu.dma_semaphore, #tpu.memory_space<semaphore_mem>>)
        %dma_wait3A_36 = arith.constant 0 : i32
        %dma_wait3A_37 = tpu.memref_slice %arg6[%dma_wait3A_36] : memref<81920xf32, #tpu.memory_space<vmem>> -> memref<40960xf32, #tpu.memory_space<vmem>>
        %dma_wait3A_38 = arith.constant 0 : i32
        %dma_wait3A_39 = tpu.memref_slice %arg4[%add3A_9, %dma_wait3A_38] : memref<128x40960xf32, #tpu.memory_space<hbm>> -> memref<1x40960xf32, #tpu.memory_space<hbm>>
        %dma_wait3A_40 = tpu.memref_squeeze %dma_wait3A_39 : memref<1x40960xf32, #tpu.memory_space<hbm>> -> memref<40960xf32, #tpu.memory_space<hbm>>
        %dma_wait3A_41 = arith.constant 0 : i32
        %dma_wait3A_42 = tpu.memref_slice %arg4[%add3A_9, %dma_wait3A_41] : memref<128x40960xf32, #tpu.memory_space<hbm>> -> memref<1x40960xf32, #tpu.memory_space<hbm>>
        %dma_wait3A_43 = tpu.memref_squeeze %dma_wait3A_42 : memref<1x40960xf32, #tpu.memory_space<hbm>> -> memref<40960xf32, #tpu.memory_space<hbm>>
        %dma_wait3A_44 = arith.constant 0 : i32
        %dma_wait3A_45 = tpu.memref_slice %arg6[%dma_wait3A_44] : memref<81920xf32, #tpu.memory_space<vmem>> -> memref<40960xf32, #tpu.memory_space<vmem>>
        tpu.wait_dma2 semaphore(%run_scoped3A : memref<!tpu.dma_semaphore, #tpu.memory_space<semaphore_mem>>) src(%dma_wait3A_45 : memref<40960xf32, #tpu.memory_space<vmem>>) dst(%dma_wait3A_43 : memref<40960xf32, #tpu.memory_space<hbm>>)
        tpu.yield
      }) : () -> ()
      %add3A_24 = arith.constant 64 : i32
      %add3A_25 = arith.addi %add3A_24, %add3A_9 : i32
      "tpu.region"() ({
        %run_scoped3A = tpu.sem_alloc : memref<!tpu.dma_semaphore, #tpu.memory_space<semaphore_mem>>
        %dma_start3A_26 = arith.constant 40960 : i32
        %dma_start3A_27 = tpu.memref_slice %arg6[%dma_start3A_26] : memref<81920xf32, #tpu.memory_space<vmem>> -> memref<40960xf32, #tpu.memory_space<vmem>>
        %dma_start3A_28 = arith.constant 0 : i32
        %dma_start3A_29 = tpu.memref_slice %arg4[%add3A_25, %dma_start3A_28] : memref<128x40960xf32, #tpu.memory_space<hbm>> -> memref<1x40960xf32, #tpu.memory_space<hbm>>
        %dma_start3A_30 = tpu.memref_squeeze %dma_start3A_29 : memref<1x40960xf32, #tpu.memory_space<hbm>> -> memref<40960xf32, #tpu.memory_space<hbm>>
        %dma_start3A_31 = arith.constant 0 : i32
        %dma_start3A_32 = tpu.memref_slice %arg4[%add3A_25, %dma_start3A_31] : memref<128x40960xf32, #tpu.memory_space<hbm>> -> memref<1x40960xf32, #tpu.memory_space<hbm>>
        %dma_start3A_33 = tpu.memref_squeeze %dma_start3A_32 : memref<1x40960xf32, #tpu.memory_space<hbm>> -> memref<40960xf32, #tpu.memory_space<hbm>>
        %dma_start3A_34 = arith.constant 40960 : i32
        %dma_start3A_35 = tpu.memref_slice %arg6[%dma_start3A_34] : memref<81920xf32, #tpu.memory_space<vmem>> -> memref<40960xf32, #tpu.memory_space<vmem>>
        tpu.enqueue_dma source(%dma_start3A_35 : memref<40960xf32, #tpu.memory_space<vmem>>) target(%dma_start3A_33 : memref<40960xf32, #tpu.memory_space<hbm>>) target_semaphore(%run_scoped3A : memref<!tpu.dma_semaphore, #tpu.memory_space<semaphore_mem>>)
        %dma_wait3A_36 = arith.constant 40960 : i32
        %dma_wait3A_37 = tpu.memref_slice %arg6[%dma_wait3A_36] : memref<81920xf32, #tpu.memory_space<vmem>> -> memref<40960xf32, #tpu.memory_space<vmem>>
        %dma_wait3A_38 = arith.constant 0 : i32
        %dma_wait3A_39 = tpu.memref_slice %arg4[%add3A_25, %dma_wait3A_38] : memref<128x40960xf32, #tpu.memory_space<hbm>> -> memref<1x40960xf32, #tpu.memory_space<hbm>>
        %dma_wait3A_40 = tpu.memref_squeeze %dma_wait3A_39 : memref<1x40960xf32, #tpu.memory_space<hbm>> -> memref<40960xf32, #tpu.memory_space<hbm>>
        %dma_wait3A_41 = arith.constant 0 : i32
        %dma_wait3A_42 = tpu.memref_slice %arg4[%add3A_25, %dma_wait3A_41] : memref<128x40960xf32, #tpu.memory_space<hbm>> -> memref<1x40960xf32, #tpu.memory_space<hbm>>
        %dma_wait3A_43 = tpu.memref_squeeze %dma_wait3A_42 : memref<1x40960xf32, #tpu.memory_space<hbm>> -> memref<40960xf32, #tpu.memory_space<hbm>>
        %dma_wait3A_44 = arith.constant 40960 : i32
        %dma_wait3A_45 = tpu.memref_slice %arg6[%dma_wait3A_44] : memref<81920xf32, #tpu.memory_space<vmem>> -> memref<40960xf32, #tpu.memory_space<vmem>>
        tpu.wait_dma2 semaphore(%run_scoped3A : memref<!tpu.dma_semaphore, #tpu.memory_space<semaphore_mem>>) src(%dma_wait3A_45 : memref<40960xf32, #tpu.memory_space<vmem>>) dst(%dma_wait3A_43 : memref<40960xf32, #tpu.memory_space<hbm>>)
        tpu.yield
      }) : () -> ()
    }
    %scan3A_5 = arith.constant 2 : i32
    return
  }
}

#map = affine_map<(d0, d1) -> (0, 0)>
#map1 = affine_map<(d0, d1) -> (0)>
module attributes {stable_mosaic.version = 14 : i64} {
  func.func @_sc_agg_body(%arg0: i32, %arg1: i32, %arg2: memref<64x40960xi32, #tpu.memory_space<hbm>>, %arg3: memref<163200xi32, #tpu.memory_space<hbm>>, %arg4: memref<128x40960xf32, #tpu.memory_space<hbm>>, %arg5: memref<40960xi32, #tpu.memory_space<vmem>>, %arg6: memref<81920xf32, #tpu.memory_space<vmem>>, %arg7: memref<3200xi32, #tpu.memory_space<vmem>>, %arg8: memref<3200xi32, #tpu.memory_space<vmem>>, %arg9: memref<!tpu.dma_semaphore, #tpu.memory_space<semaphore_mem>>, %arg10: memref<!tpu.dma_semaphore, #tpu.memory_space<semaphore_mem>>) attributes {dimension_semantics = [#tpu.dimension_semantics<core_parallel>, #tpu.dimension_semantics<subcore_parallel>], iteration_bounds = array<i64: 2, 16>, scalar_prefetch = 0 : i64, scratch_operands = 6 : i64, tpu.core_type = #tpu.core_type<sc_vector_subcore>, window_params = [{transform_indices = #map}, {transform_indices = #map1}, {transform_indices = #map}]} {
    %mul3A = arith.constant 2 : i32
    %mul3A_0 = arith.muli %arg1, %mul3A : i32
    %add3A = arith.addi %mul3A_0, %arg0 : i32
    %scan3A = arith.constant 0 : i32
    %scan3A_1 = arith.constant 0 : i32
    %scan3A_2 = arith.constant 2 : i32
    %scan3A_3 = arith.addi %scan3A_1, %scan3A_2 : i32
    %scan3A_4 = arith.constant 1 : i32
    scf.for %scan3A_6 = %scan3A_1 to %scan3A_3 step %scan3A_4  : i32 {
      %mul3A_7 = arith.constant 2 : i32
      %mul3A_8 = arith.muli %add3A, %mul3A_7 : i32
      %add3A_9 = arith.addi %mul3A_8, %scan3A_6 : i32
      %dma_start3A = arith.constant 0 : i32
      %dma_start3A_10 = tpu.memref_slice %arg3[%dma_start3A] : memref<163200xi32, #tpu.memory_space<hbm>> -> memref<3200xi32, #tpu.memory_space<hbm>>
      %dma_start3A_11 = arith.constant 0 : i32
      %dma_start3A_12 = tpu.memref_slice %arg3[%dma_start3A_11] : memref<163200xi32, #tpu.memory_space<hbm>> -> memref<3200xi32, #tpu.memory_space<hbm>>
      tpu.enqueue_dma source(%dma_start3A_12 : memref<3200xi32, #tpu.memory_space<hbm>>) target(%arg7 : memref<3200xi32, #tpu.memory_space<vmem>>) target_semaphore(%arg9 : memref<!tpu.dma_semaphore, #tpu.memory_space<semaphore_mem>>)
      "tpu.region"() ({
        %run_scoped3A = tpu.sem_alloc : memref<!tpu.dma_semaphore, #tpu.memory_space<semaphore_mem>>
        %dma_start3A_26 = arith.constant 0 : i32
        %dma_start3A_27 = tpu.memref_slice %arg2[%add3A_9, %dma_start3A_26] : memref<64x40960xi32, #tpu.memory_space<hbm>> -> memref<1x40960xi32, #tpu.memory_space<hbm>>
        %dma_start3A_28 = tpu.memref_squeeze %dma_start3A_27 : memref<1x40960xi32, #tpu.memory_space<hbm>> -> memref<40960xi32, #tpu.memory_space<hbm>>
        %dma_start3A_29 = arith.constant 0 : i32
        %dma_start3A_30 = tpu.memref_slice %arg2[%add3A_9, %dma_start3A_29] : memref<64x40960xi32, #tpu.memory_space<hbm>> -> memref<1x40960xi32, #tpu.memory_space<hbm>>
        %dma_start3A_31 = tpu.memref_squeeze %dma_start3A_30 : memref<1x40960xi32, #tpu.memory_space<hbm>> -> memref<40960xi32, #tpu.memory_space<hbm>>
        tpu.enqueue_dma source(%dma_start3A_31 : memref<40960xi32, #tpu.memory_space<hbm>>) target(%arg5 : memref<40960xi32, #tpu.memory_space<vmem>>) target_semaphore(%run_scoped3A : memref<!tpu.dma_semaphore, #tpu.memory_space<semaphore_mem>>)
        %dma_wait3A_32 = arith.constant 0 : i32
        %dma_wait3A_33 = tpu.memref_slice %arg2[%add3A_9, %dma_wait3A_32] : memref<64x40960xi32, #tpu.memory_space<hbm>> -> memref<1x40960xi32, #tpu.memory_space<hbm>>
        %dma_wait3A_34 = tpu.memref_squeeze %dma_wait3A_33 : memref<1x40960xi32, #tpu.memory_space<hbm>> -> memref<40960xi32, #tpu.memory_space<hbm>>
        %dma_wait3A_35 = arith.constant 0 : i32
        %dma_wait3A_36 = tpu.memref_slice %arg2[%add3A_9, %dma_wait3A_35] : memref<64x40960xi32, #tpu.memory_space<hbm>> -> memref<1x40960xi32, #tpu.memory_space<hbm>>
        %dma_wait3A_37 = tpu.memref_squeeze %dma_wait3A_36 : memref<1x40960xi32, #tpu.memory_space<hbm>> -> memref<40960xi32, #tpu.memory_space<hbm>>
        tpu.wait_dma2 semaphore(%run_scoped3A : memref<!tpu.dma_semaphore, #tpu.memory_space<semaphore_mem>>) src(%dma_wait3A_37 : memref<40960xi32, #tpu.memory_space<hbm>>) dst(%arg5 : memref<40960xi32, #tpu.memory_space<vmem>>)
        tpu.yield
      }) : () -> ()
      %parallel_loop3A = arith.constant 0 : i32
      %parallel_loop3A_13 = arith.constant 5120 : i32
      %parallel_loop3A_14 = arith.constant 1 : i32
      scf.for %parallel_loop3A_26 = %parallel_loop3A to %parallel_loop3A_13 step %parallel_loop3A_14  : i32 {
        %parallel_loop3A_27 = arith.constant 0.000000e+00 : f32
        %parallel_loop3A_28 = vector.broadcast %parallel_loop3A_27 : f32 to vector<16xf32>
        %parallel_loop3A_29 = arith.constant 16 : i32
        %parallel_loop3A_30 = arith.muli %parallel_loop3A_26, %parallel_loop3A_29 : i32
        %parallel_loop3A_31 = arith.index_cast %parallel_loop3A_30 : i32 to index
        %parallel_loop3A_32 = tpu.vector_load %arg6[%parallel_loop3A_31] {strides = array<i32>} : memref<81920xf32, #tpu.memory_space<vmem>>, vector<16xf32>,
        tpu.vector_store %arg6[%parallel_loop3A_31], %parallel_loop3A_28 {strides = array<i32>} : memref<81920xf32, #tpu.memory_space<vmem>>, vector<16xf32>,
      } {sc.loop_unroll_factor = 8 : i64, sc.parallel_access}
      %scan3A_15 = arith.constant 0 : i32
      %scan3A_16 = arith.constant 0 : i32
      %scan3A_17 = arith.constant 25 : i32
      %scan3A_18 = arith.addi %scan3A_16, %scan3A_17 : i32
      %scan3A_19 = arith.constant 1 : i32
      scf.for %scan3A_26 = %scan3A_16 to %scan3A_18 step %scan3A_19  : i32 {
        %mul3A_27 = arith.constant 2 : i32
        %mul3A_28 = arith.muli %scan3A_26, %mul3A_27 : i32
        %add3A_29 = arith.constant 1 : i32
        %add3A_30 = arith.addi %mul3A_28, %add3A_29 : i32
        %mul3A_31 = arith.constant 3200 : i32
        %mul3A_32 = arith.muli %add3A_30, %mul3A_31 : i32
        %dma_start3A_33 = tpu.memref_slice %arg3[%mul3A_32] : memref<163200xi32, #tpu.memory_space<hbm>> -> memref<3200xi32, #tpu.memory_space<hbm>>
        %dma_start3A_34 = tpu.memref_slice %arg3[%mul3A_32] : memref<163200xi32, #tpu.memory_space<hbm>> -> memref<3200xi32, #tpu.memory_space<hbm>>
        tpu.enqueue_dma source(%dma_start3A_34 : memref<3200xi32, #tpu.memory_space<hbm>>) target(%arg8 : memref<3200xi32, #tpu.memory_space<vmem>>) target_semaphore(%arg10 : memref<!tpu.dma_semaphore, #tpu.memory_space<semaphore_mem>>)
        %mul3A_35 = arith.constant 3200 : i32
        %mul3A_36 = arith.muli %mul3A_28, %mul3A_35 : i32
        %dma_wait3A_37 = tpu.memref_slice %arg3[%mul3A_36] : memref<163200xi32, #tpu.memory_space<hbm>> -> memref<3200xi32, #tpu.memory_space<hbm>>
        %dma_wait3A_38 = tpu.memref_slice %arg3[%mul3A_36] : memref<163200xi32, #tpu.memory_space<hbm>> -> memref<3200xi32, #tpu.memory_space<hbm>>
        tpu.wait_dma2 semaphore(%arg9 : memref<!tpu.dma_semaphore, #tpu.memory_space<semaphore_mem>>) src(%dma_wait3A_38 : memref<3200xi32, #tpu.memory_space<hbm>>) dst(%arg7 : memref<3200xi32, #tpu.memory_space<vmem>>)
        %parallel_loop3A_39 = arith.constant 0 : i32
        %parallel_loop3A_40 = arith.constant 200 : i32
        %parallel_loop3A_41 = arith.constant 1 : i32
        scf.for %parallel_loop3A_57 = %parallel_loop3A_39 to %parallel_loop3A_40 step %parallel_loop3A_41  : i32 {
          %parallel_loop3A_58 = arith.constant 16 : i32
          %parallel_loop3A_59 = arith.muli %parallel_loop3A_57, %parallel_loop3A_58 : i32
          %parallel_loop3A_60 = arith.index_cast %parallel_loop3A_59 : i32 to index
          %parallel_loop3A_61 = tpu.vector_load %arg7[%parallel_loop3A_60] {strides = array<i32>} : memref<3200xi32, #tpu.memory_space<vmem>>, vector<16xi32>,
          %parallel_loop3A_62 = arith.constant 16383 : i32
          %parallel_loop3A_63 = vector.broadcast %parallel_loop3A_62 : i32 to vector<16xi32>
          %parallel_loop3A_64 = arith.andi %parallel_loop3A_61, %parallel_loop3A_63 : vector<16xi32>
          %parallel_loop3A_65 = arith.constant 14 : i32
          %parallel_loop3A_66 = vector.broadcast %parallel_loop3A_65 : i32 to vector<16xi32>
          %parallel_loop3A_67 = arith.shrsi %parallel_loop3A_61, %parallel_loop3A_66 : vector<16xi32>
          %parallel_loop3A_68 = arith.constant 0 : i32
          %parallel_loop3A_69 = vector.broadcast %parallel_loop3A_68 : i32 to vector<16xi32>
          %parallel_loop3A_70 = arith.addi %parallel_loop3A_64, %parallel_loop3A_69 : vector<16xi32>
          %parallel_loop3A_71 = tpu.vector_load_idx %arg5[%parallel_loop3A_70] : memref<40960xi32, #tpu.memory_space<vmem>>[vector<16xi32>], vector<16xi32>,
          %parallel_loop3A_72 = arith.constant 16 : i32
          %parallel_loop3A_73 = vector.broadcast %parallel_loop3A_72 : i32 to vector<16xi32>
          %parallel_loop3A_74 = arith.shli %parallel_loop3A_71, %parallel_loop3A_73 : vector<16xi32>
          %parallel_loop3A_75 = vector.bitcast %parallel_loop3A_74 : vector<16xi32> to vector<16xf32>
          %parallel_loop3A_76 = arith.constant -65536 : i32
          %parallel_loop3A_77 = vector.broadcast %parallel_loop3A_76 : i32 to vector<16xi32>
          %parallel_loop3A_78 = arith.andi %parallel_loop3A_71, %parallel_loop3A_77 : vector<16xi32>
          %parallel_loop3A_79 = vector.bitcast %parallel_loop3A_78 : vector<16xi32> to vector<16xf32>
          %parallel_loop3A_80 = arith.constant 0 : i32
          %parallel_loop3A_81 = vector.broadcast %parallel_loop3A_80 : i32 to vector<16xi32>
          %parallel_loop3A_82 = arith.addi %parallel_loop3A_67, %parallel_loop3A_81 : vector<16xi32>
          tpu.vector_store_idx %arg6[%parallel_loop3A_82], %parallel_loop3A_75 {add = true} : memref<81920xf32, #tpu.memory_space<vmem>>[vector<16xi32>], vector<16xf32>,
          %parallel_loop3A_83 = arith.constant 40960 : i32
          %parallel_loop3A_84 = vector.broadcast %parallel_loop3A_83 : i32 to vector<16xi32>
          %parallel_loop3A_85 = arith.addi %parallel_loop3A_67, %parallel_loop3A_84 : vector<16xi32>
          tpu.vector_store_idx %arg6[%parallel_loop3A_85], %parallel_loop3A_79 {add = true} : memref<81920xf32, #tpu.memory_space<vmem>>[vector<16xi32>], vector<16xf32>,
          %parallel_loop3A_86 = arith.constant 10240 : i32
          %parallel_loop3A_87 = vector.broadcast %parallel_loop3A_86 : i32 to vector<16xi32>
          %parallel_loop3A_88 = arith.addi %parallel_loop3A_64, %parallel_loop3A_87 : vector<16xi32>
          %parallel_loop3A_89 = tpu.vector_load_idx %arg5[%parallel_loop3A_88] : memref<40960xi32, #tpu.memory_space<vmem>>[vector<16xi32>], vector<16xi32>,
          %parallel_loop3A_90 = arith.constant 16 : i32
          %parallel_loop3A_91 = vector.broadcast %parallel_loop3A_90 : i32 to vector<16xi32>
          %parallel_loop3A_92 = arith.shli %parallel_loop3A_89, %parallel_loop3A_91 : vector<16xi32>
          %parallel_loop3A_93 = vector.bitcast %parallel_loop3A_92 : vector<16xi32> to vector<16xf32>
          %parallel_loop3A_94 = arith.constant -65536 : i32
          %parallel_loop3A_95 = vector.broadcast %parallel_loop3A_94 : i32 to vector<16xi32>
          %parallel_loop3A_96 = arith.andi %parallel_loop3A_89, %parallel_loop3A_95 : vector<16xi32>
          %parallel_loop3A_97 = vector.bitcast %parallel_loop3A_96 : vector<16xi32> to vector<16xf32>
          %parallel_loop3A_98 = arith.constant 10240 : i32
          %parallel_loop3A_99 = vector.broadcast %parallel_loop3A_98 : i32 to vector<16xi32>
          %parallel_loop3A_100 = arith.addi %parallel_loop3A_67, %parallel_loop3A_99 : vector<16xi32>
          tpu.vector_store_idx %arg6[%parallel_loop3A_100], %parallel_loop3A_93 {add = true} : memref<81920xf32, #tpu.memory_space<vmem>>[vector<16xi32>], vector<16xf32>,
          %parallel_loop3A_101 = arith.constant 51200 : i32
          %parallel_loop3A_102 = vector.broadcast %parallel_loop3A_101 : i32 to vector<16xi32>
          %parallel_loop3A_103 = arith.addi %parallel_loop3A_67, %parallel_loop3A_102 : vector<16xi32>
          tpu.vector_store_idx %arg6[%parallel_loop3A_103], %parallel_loop3A_97 {add = true} : memref<81920xf32, #tpu.memory_space<vmem>>[vector<16xi32>], vector<16xf32>,
          %parallel_loop3A_104 = arith.constant 20480 : i32
          %parallel_loop3A_105 = vector.broadcast %parallel_loop3A_104 : i32 to vector<16xi32>
          %parallel_loop3A_106 = arith.addi %parallel_loop3A_64, %parallel_loop3A_105 : vector<16xi32>
          %parallel_loop3A_107 = tpu.vector_load_idx %arg5[%parallel_loop3A_106] : memref<40960xi32, #tpu.memory_space<vmem>>[vector<16xi32>], vector<16xi32>,
          %parallel_loop3A_108 = arith.constant 16 : i32
          %parallel_loop3A_109 = vector.broadcast %parallel_loop3A_108 : i32 to vector<16xi32>
          %parallel_loop3A_110 = arith.shli %parallel_loop3A_107, %parallel_loop3A_109 : vector<16xi32>
          %parallel_loop3A_111 = vector.bitcast %parallel_loop3A_110 : vector<16xi32> to vector<16xf32>
          %parallel_loop3A_112 = arith.constant -65536 : i32
          %parallel_loop3A_113 = vector.broadcast %parallel_loop3A_112 : i32 to vector<16xi32>
          %parallel_loop3A_114 = arith.andi %parallel_loop3A_107, %parallel_loop3A_113 : vector<16xi32>
          %parallel_loop3A_115 = vector.bitcast %parallel_loop3A_114 : vector<16xi32> to vector<16xf32>
          %parallel_loop3A_116 = arith.constant 20480 : i32
          %parallel_loop3A_117 = vector.broadcast %parallel_loop3A_116 : i32 to vector<16xi32>
          %parallel_loop3A_118 = arith.addi %parallel_loop3A_67, %parallel_loop3A_117 : vector<16xi32>
          tpu.vector_store_idx %arg6[%parallel_loop3A_118], %parallel_loop3A_111 {add = true} : memref<81920xf32, #tpu.memory_space<vmem>>[vector<16xi32>], vector<16xf32>,
          %parallel_loop3A_119 = arith.constant 61440 : i32
          %parallel_loop3A_120 = vector.broadcast %parallel_loop3A_119 : i32 to vector<16xi32>
          %parallel_loop3A_121 = arith.addi %parallel_loop3A_67, %parallel_loop3A_120 : vector<16xi32>
          tpu.vector_store_idx %arg6[%parallel_loop3A_121], %parallel_loop3A_115 {add = true} : memref<81920xf32, #tpu.memory_space<vmem>>[vector<16xi32>], vector<16xf32>,
          %parallel_loop3A_122 = arith.constant 30720 : i32
          %parallel_loop3A_123 = vector.broadcast %parallel_loop3A_122 : i32 to vector<16xi32>
          %parallel_loop3A_124 = arith.addi %parallel_loop3A_64, %parallel_loop3A_123 : vector<16xi32>
          %parallel_loop3A_125 = tpu.vector_load_idx %arg5[%parallel_loop3A_124] : memref<40960xi32, #tpu.memory_space<vmem>>[vector<16xi32>], vector<16xi32>,
          %parallel_loop3A_126 = arith.constant 16 : i32
          %parallel_loop3A_127 = vector.broadcast %parallel_loop3A_126 : i32 to vector<16xi32>
          %parallel_loop3A_128 = arith.shli %parallel_loop3A_125, %parallel_loop3A_127 : vector<16xi32>
          %parallel_loop3A_129 = vector.bitcast %parallel_loop3A_128 : vector<16xi32> to vector<16xf32>
          %parallel_loop3A_130 = arith.constant -65536 : i32
          %parallel_loop3A_131 = vector.broadcast %parallel_loop3A_130 : i32 to vector<16xi32>
          %parallel_loop3A_132 = arith.andi %parallel_loop3A_125, %parallel_loop3A_131 : vector<16xi32>
          %parallel_loop3A_133 = vector.bitcast %parallel_loop3A_132 : vector<16xi32> to vector<16xf32>
          %parallel_loop3A_134 = arith.constant 30720 : i32
          %parallel_loop3A_135 = vector.broadcast %parallel_loop3A_134 : i32 to vector<16xi32>
          %parallel_loop3A_136 = arith.addi %parallel_loop3A_67, %parallel_loop3A_135 : vector<16xi32>
          tpu.vector_store_idx %arg6[%parallel_loop3A_136], %parallel_loop3A_129 {add = true} : memref<81920xf32, #tpu.memory_space<vmem>>[vector<16xi32>], vector<16xf32>,
          %parallel_loop3A_137 = arith.constant 71680 : i32
          %parallel_loop3A_138 = vector.broadcast %parallel_loop3A_137 : i32 to vector<16xi32>
          %parallel_loop3A_139 = arith.addi %parallel_loop3A_67, %parallel_loop3A_138 : vector<16xi32>
          tpu.vector_store_idx %arg6[%parallel_loop3A_139], %parallel_loop3A_133 {add = true} : memref<81920xf32, #tpu.memory_space<vmem>>[vector<16xi32>], vector<16xf32>,
        } {sc.loop_unroll_factor = 4 : i64, sc.parallel_access}
        %add3A_42 = arith.constant 2 : i32
        %add3A_43 = arith.addi %mul3A_28, %add3A_42 : i32
        %mul3A_44 = arith.constant 3200 : i32
        %mul3A_45 = arith.muli %add3A_43, %mul3A_44 : i32
        %dma_start3A_46 = tpu.memref_slice %arg3[%mul3A_45] : memref<163200xi32, #tpu.memory_space<hbm>> -> memref<3200xi32, #tpu.memory_space<hbm>>
        %dma_start3A_47 = tpu.memref_slice %arg3[%mul3A_45] : memref<163200xi32, #tpu.memory_space<hbm>> -> memref<3200xi32, #tpu.memory_space<hbm>>
        tpu.enqueue_dma source(%dma_start3A_47 : memref<3200xi32, #tpu.memory_space<hbm>>) target(%arg7 : memref<3200xi32, #tpu.memory_space<vmem>>) target_semaphore(%arg9 : memref<!tpu.dma_semaphore, #tpu.memory_space<semaphore_mem>>)
        %add3A_48 = arith.constant 1 : i32
        %add3A_49 = arith.addi %mul3A_28, %add3A_48 : i32
        %mul3A_50 = arith.constant 3200 : i32
        %mul3A_51 = arith.muli %add3A_49, %mul3A_50 : i32
        %dma_wait3A_52 = tpu.memref_slice %arg3[%mul3A_51] : memref<163200xi32, #tpu.memory_space<hbm>> -> memref<3200xi32, #tpu.memory_space<hbm>>
        %dma_wait3A_53 = tpu.memref_slice %arg3[%mul3A_51] : memref<163200xi32, #tpu.memory_space<hbm>> -> memref<3200xi32, #tpu.memory_space<hbm>>
        tpu.wait_dma2 semaphore(%arg10 : memref<!tpu.dma_semaphore, #tpu.memory_space<semaphore_mem>>) src(%dma_wait3A_53 : memref<3200xi32, #tpu.memory_space<hbm>>) dst(%arg8 : memref<3200xi32, #tpu.memory_space<vmem>>)
        %parallel_loop3A_54 = arith.constant 0 : i32
        %parallel_loop3A_55 = arith.constant 200 : i32
        %parallel_loop3A_56 = arith.constant 1 : i32
        scf.for %parallel_loop3A_57 = %parallel_loop3A_54 to %parallel_loop3A_55 step %parallel_loop3A_56  : i32 {
          %parallel_loop3A_58 = arith.constant 16 : i32
          %parallel_loop3A_59 = arith.muli %parallel_loop3A_57, %parallel_loop3A_58 : i32
          %parallel_loop3A_60 = arith.index_cast %parallel_loop3A_59 : i32 to index
          %parallel_loop3A_61 = tpu.vector_load %arg8[%parallel_loop3A_60] {strides = array<i32>} : memref<3200xi32, #tpu.memory_space<vmem>>, vector<16xi32>,
          %parallel_loop3A_62 = arith.constant 16383 : i32
          %parallel_loop3A_63 = vector.broadcast %parallel_loop3A_62 : i32 to vector<16xi32>
          %parallel_loop3A_64 = arith.andi %parallel_loop3A_61, %parallel_loop3A_63 : vector<16xi32>
          %parallel_loop3A_65 = arith.constant 14 : i32
          %parallel_loop3A_66 = vector.broadcast %parallel_loop3A_65 : i32 to vector<16xi32>
          %parallel_loop3A_67 = arith.shrsi %parallel_loop3A_61, %parallel_loop3A_66 : vector<16xi32>
          %parallel_loop3A_68 = arith.constant 0 : i32
          %parallel_loop3A_69 = vector.broadcast %parallel_loop3A_68 : i32 to vector<16xi32>
          %parallel_loop3A_70 = arith.addi %parallel_loop3A_64, %parallel_loop3A_69 : vector<16xi32>
          %parallel_loop3A_71 = tpu.vector_load_idx %arg5[%parallel_loop3A_70] : memref<40960xi32, #tpu.memory_space<vmem>>[vector<16xi32>], vector<16xi32>,
          %parallel_loop3A_72 = arith.constant 16 : i32
          %parallel_loop3A_73 = vector.broadcast %parallel_loop3A_72 : i32 to vector<16xi32>
          %parallel_loop3A_74 = arith.shli %parallel_loop3A_71, %parallel_loop3A_73 : vector<16xi32>
          %parallel_loop3A_75 = vector.bitcast %parallel_loop3A_74 : vector<16xi32> to vector<16xf32>
          %parallel_loop3A_76 = arith.constant -65536 : i32
          %parallel_loop3A_77 = vector.broadcast %parallel_loop3A_76 : i32 to vector<16xi32>
          %parallel_loop3A_78 = arith.andi %parallel_loop3A_71, %parallel_loop3A_77 : vector<16xi32>
          %parallel_loop3A_79 = vector.bitcast %parallel_loop3A_78 : vector<16xi32> to vector<16xf32>
          %parallel_loop3A_80 = arith.constant 0 : i32
          %parallel_loop3A_81 = vector.broadcast %parallel_loop3A_80 : i32 to vector<16xi32>
          %parallel_loop3A_82 = arith.addi %parallel_loop3A_67, %parallel_loop3A_81 : vector<16xi32>
          tpu.vector_store_idx %arg6[%parallel_loop3A_82], %parallel_loop3A_75 {add = true} : memref<81920xf32, #tpu.memory_space<vmem>>[vector<16xi32>], vector<16xf32>,
          %parallel_loop3A_83 = arith.constant 40960 : i32
          %parallel_loop3A_84 = vector.broadcast %parallel_loop3A_83 : i32 to vector<16xi32>
          %parallel_loop3A_85 = arith.addi %parallel_loop3A_67, %parallel_loop3A_84 : vector<16xi32>
          tpu.vector_store_idx %arg6[%parallel_loop3A_85], %parallel_loop3A_79 {add = true} : memref<81920xf32, #tpu.memory_space<vmem>>[vector<16xi32>], vector<16xf32>,
          %parallel_loop3A_86 = arith.constant 10240 : i32
          %parallel_loop3A_87 = vector.broadcast %parallel_loop3A_86 : i32 to vector<16xi32>
          %parallel_loop3A_88 = arith.addi %parallel_loop3A_64, %parallel_loop3A_87 : vector<16xi32>
          %parallel_loop3A_89 = tpu.vector_load_idx %arg5[%parallel_loop3A_88] : memref<40960xi32, #tpu.memory_space<vmem>>[vector<16xi32>], vector<16xi32>,
          %parallel_loop3A_90 = arith.constant 16 : i32
          %parallel_loop3A_91 = vector.broadcast %parallel_loop3A_90 : i32 to vector<16xi32>
          %parallel_loop3A_92 = arith.shli %parallel_loop3A_89, %parallel_loop3A_91 : vector<16xi32>
          %parallel_loop3A_93 = vector.bitcast %parallel_loop3A_92 : vector<16xi32> to vector<16xf32>
          %parallel_loop3A_94 = arith.constant -65536 : i32
          %parallel_loop3A_95 = vector.broadcast %parallel_loop3A_94 : i32 to vector<16xi32>
          %parallel_loop3A_96 = arith.andi %parallel_loop3A_89, %parallel_loop3A_95 : vector<16xi32>
          %parallel_loop3A_97 = vector.bitcast %parallel_loop3A_96 : vector<16xi32> to vector<16xf32>
          %parallel_loop3A_98 = arith.constant 10240 : i32
          %parallel_loop3A_99 = vector.broadcast %parallel_loop3A_98 : i32 to vector<16xi32>
          %parallel_loop3A_100 = arith.addi %parallel_loop3A_67, %parallel_loop3A_99 : vector<16xi32>
          tpu.vector_store_idx %arg6[%parallel_loop3A_100], %parallel_loop3A_93 {add = true} : memref<81920xf32, #tpu.memory_space<vmem>>[vector<16xi32>], vector<16xf32>,
          %parallel_loop3A_101 = arith.constant 51200 : i32
          %parallel_loop3A_102 = vector.broadcast %parallel_loop3A_101 : i32 to vector<16xi32>
          %parallel_loop3A_103 = arith.addi %parallel_loop3A_67, %parallel_loop3A_102 : vector<16xi32>
          tpu.vector_store_idx %arg6[%parallel_loop3A_103], %parallel_loop3A_97 {add = true} : memref<81920xf32, #tpu.memory_space<vmem>>[vector<16xi32>], vector<16xf32>,
          %parallel_loop3A_104 = arith.constant 20480 : i32
          %parallel_loop3A_105 = vector.broadcast %parallel_loop3A_104 : i32 to vector<16xi32>
          %parallel_loop3A_106 = arith.addi %parallel_loop3A_64, %parallel_loop3A_105 : vector<16xi32>
          %parallel_loop3A_107 = tpu.vector_load_idx %arg5[%parallel_loop3A_106] : memref<40960xi32, #tpu.memory_space<vmem>>[vector<16xi32>], vector<16xi32>,
          %parallel_loop3A_108 = arith.constant 16 : i32
          %parallel_loop3A_109 = vector.broadcast %parallel_loop3A_108 : i32 to vector<16xi32>
          %parallel_loop3A_110 = arith.shli %parallel_loop3A_107, %parallel_loop3A_109 : vector<16xi32>
          %parallel_loop3A_111 = vector.bitcast %parallel_loop3A_110 : vector<16xi32> to vector<16xf32>
          %parallel_loop3A_112 = arith.constant -65536 : i32
          %parallel_loop3A_113 = vector.broadcast %parallel_loop3A_112 : i32 to vector<16xi32>
          %parallel_loop3A_114 = arith.andi %parallel_loop3A_107, %parallel_loop3A_113 : vector<16xi32>
          %parallel_loop3A_115 = vector.bitcast %parallel_loop3A_114 : vector<16xi32> to vector<16xf32>
          %parallel_loop3A_116 = arith.constant 20480 : i32
          %parallel_loop3A_117 = vector.broadcast %parallel_loop3A_116 : i32 to vector<16xi32>
          %parallel_loop3A_118 = arith.addi %parallel_loop3A_67, %parallel_loop3A_117 : vector<16xi32>
          tpu.vector_store_idx %arg6[%parallel_loop3A_118], %parallel_loop3A_111 {add = true} : memref<81920xf32, #tpu.memory_space<vmem>>[vector<16xi32>], vector<16xf32>,
          %parallel_loop3A_119 = arith.constant 61440 : i32
          %parallel_loop3A_120 = vector.broadcast %parallel_loop3A_119 : i32 to vector<16xi32>
          %parallel_loop3A_121 = arith.addi %parallel_loop3A_67, %parallel_loop3A_120 : vector<16xi32>
          tpu.vector_store_idx %arg6[%parallel_loop3A_121], %parallel_loop3A_115 {add = true} : memref<81920xf32, #tpu.memory_space<vmem>>[vector<16xi32>], vector<16xf32>,
          %parallel_loop3A_122 = arith.constant 30720 : i32
          %parallel_loop3A_123 = vector.broadcast %parallel_loop3A_122 : i32 to vector<16xi32>
          %parallel_loop3A_124 = arith.addi %parallel_loop3A_64, %parallel_loop3A_123 : vector<16xi32>
          %parallel_loop3A_125 = tpu.vector_load_idx %arg5[%parallel_loop3A_124] : memref<40960xi32, #tpu.memory_space<vmem>>[vector<16xi32>], vector<16xi32>,
          %parallel_loop3A_126 = arith.constant 16 : i32
          %parallel_loop3A_127 = vector.broadcast %parallel_loop3A_126 : i32 to vector<16xi32>
          %parallel_loop3A_128 = arith.shli %parallel_loop3A_125, %parallel_loop3A_127 : vector<16xi32>
          %parallel_loop3A_129 = vector.bitcast %parallel_loop3A_128 : vector<16xi32> to vector<16xf32>
          %parallel_loop3A_130 = arith.constant -65536 : i32
          %parallel_loop3A_131 = vector.broadcast %parallel_loop3A_130 : i32 to vector<16xi32>
          %parallel_loop3A_132 = arith.andi %parallel_loop3A_125, %parallel_loop3A_131 : vector<16xi32>
          %parallel_loop3A_133 = vector.bitcast %parallel_loop3A_132 : vector<16xi32> to vector<16xf32>
          %parallel_loop3A_134 = arith.constant 30720 : i32
          %parallel_loop3A_135 = vector.broadcast %parallel_loop3A_134 : i32 to vector<16xi32>
          %parallel_loop3A_136 = arith.addi %parallel_loop3A_67, %parallel_loop3A_135 : vector<16xi32>
          tpu.vector_store_idx %arg6[%parallel_loop3A_136], %parallel_loop3A_129 {add = true} : memref<81920xf32, #tpu.memory_space<vmem>>[vector<16xi32>], vector<16xf32>,
          %parallel_loop3A_137 = arith.constant 71680 : i32
          %parallel_loop3A_138 = vector.broadcast %parallel_loop3A_137 : i32 to vector<16xi32>
          %parallel_loop3A_139 = arith.addi %parallel_loop3A_67, %parallel_loop3A_138 : vector<16xi32>
          tpu.vector_store_idx %arg6[%parallel_loop3A_139], %parallel_loop3A_133 {add = true} : memref<81920xf32, #tpu.memory_space<vmem>>[vector<16xi32>], vector<16xf32>,
        } {sc.loop_unroll_factor = 4 : i64, sc.parallel_access}
      }
      %scan3A_20 = arith.constant 25 : i32
      %dma_wait3A = arith.constant 160000 : i32
      %dma_wait3A_21 = tpu.memref_slice %arg3[%dma_wait3A] : memref<163200xi32, #tpu.memory_space<hbm>> -> memref<3200xi32, #tpu.memory_space<hbm>>
      %dma_wait3A_22 = arith.constant 160000 : i32
      %dma_wait3A_23 = tpu.memref_slice %arg3[%dma_wait3A_22] : memref<163200xi32, #tpu.memory_space<hbm>> -> memref<3200xi32, #tpu.memory_space<hbm>>
      tpu.wait_dma2 semaphore(%arg9 : memref<!tpu.dma_semaphore, #tpu.memory_space<semaphore_mem>>) src(%dma_wait3A_23 : memref<3200xi32, #tpu.memory_space<hbm>>) dst(%arg7 : memref<3200xi32, #tpu.memory_space<vmem>>)
      "tpu.region"() ({
        %run_scoped3A = tpu.sem_alloc : memref<!tpu.dma_semaphore, #tpu.memory_space<semaphore_mem>>
        %dma_start3A_26 = arith.constant 0 : i32
        %dma_start3A_27 = tpu.memref_slice %arg6[%dma_start3A_26] : memref<81920xf32, #tpu.memory_space<vmem>> -> memref<40960xf32, #tpu.memory_space<vmem>>
        %dma_start3A_28 = arith.constant 0 : i32
        %dma_start3A_29 = tpu.memref_slice %arg4[%add3A_9, %dma_start3A_28] : memref<128x40960xf32, #tpu.memory_space<hbm>> -> memref<1x40960xf32, #tpu.memory_space<hbm>>
        %dma_start3A_30 = tpu.memref_squeeze %dma_start3A_29 : memref<1x40960xf32, #tpu.memory_space<hbm>> -> memref<40960xf32, #tpu.memory_space<hbm>>
        %dma_start3A_31 = arith.constant 0 : i32
        %dma_start3A_32 = tpu.memref_slice %arg4[%add3A_9, %dma_start3A_31] : memref<128x40960xf32, #tpu.memory_space<hbm>> -> memref<1x40960xf32, #tpu.memory_space<hbm>>
        %dma_start3A_33 = tpu.memref_squeeze %dma_start3A_32 : memref<1x40960xf32, #tpu.memory_space<hbm>> -> memref<40960xf32, #tpu.memory_space<hbm>>
        %dma_start3A_34 = arith.constant 0 : i32
        %dma_start3A_35 = tpu.memref_slice %arg6[%dma_start3A_34] : memref<81920xf32, #tpu.memory_space<vmem>> -> memref<40960xf32, #tpu.memory_space<vmem>>
        tpu.enqueue_dma source(%dma_start3A_35 : memref<40960xf32, #tpu.memory_space<vmem>>) target(%dma_start3A_33 : memref<40960xf32, #tpu.memory_space<hbm>>) target_semaphore(%run_scoped3A : memref<!tpu.dma_semaphore, #tpu.memory_space<semaphore_mem>>)
        %dma_wait3A_36 = arith.constant 0 : i32
        %dma_wait3A_37 = tpu.memref_slice %arg6[%dma_wait3A_36] : memref<81920xf32, #tpu.memory_space<vmem>> -> memref<40960xf32, #tpu.memory_space<vmem>>
        %dma_wait3A_38 = arith.constant 0 : i32
        %dma_wait3A_39 = tpu.memref_slice %arg4[%add3A_9, %dma_wait3A_38] : memref<128x40960xf32, #tpu.memory_space<hbm>> -> memref<1x40960xf32, #tpu.memory_space<hbm>>
        %dma_wait3A_40 = tpu.memref_squeeze %dma_wait3A_39 : memref<1x40960xf32, #tpu.memory_space<hbm>> -> memref<40960xf32, #tpu.memory_space<hbm>>
        %dma_wait3A_41 = arith.constant 0 : i32
        %dma_wait3A_42 = tpu.memref_slice %arg4[%add3A_9, %dma_wait3A_41] : memref<128x40960xf32, #tpu.memory_space<hbm>> -> memref<1x40960xf32, #tpu.memory_space<hbm>>
        %dma_wait3A_43 = tpu.memref_squeeze %dma_wait3A_42 : memref<1x40960xf32, #tpu.memory_space<hbm>> -> memref<40960xf32, #tpu.memory_space<hbm>>
        %dma_wait3A_44 = arith.constant 0 : i32
        %dma_wait3A_45 = tpu.memref_slice %arg6[%dma_wait3A_44] : memref<81920xf32, #tpu.memory_space<vmem>> -> memref<40960xf32, #tpu.memory_space<vmem>>
        tpu.wait_dma2 semaphore(%run_scoped3A : memref<!tpu.dma_semaphore, #tpu.memory_space<semaphore_mem>>) src(%dma_wait3A_45 : memref<40960xf32, #tpu.memory_space<vmem>>) dst(%dma_wait3A_43 : memref<40960xf32, #tpu.memory_space<hbm>>)
        tpu.yield
      }) : () -> ()
      %add3A_24 = arith.constant 64 : i32
      %add3A_25 = arith.addi %add3A_24, %add3A_9 : i32
      "tpu.region"() ({
        %run_scoped3A = tpu.sem_alloc : memref<!tpu.dma_semaphore, #tpu.memory_space<semaphore_mem>>
        %dma_start3A_26 = arith.constant 40960 : i32
        %dma_start3A_27 = tpu.memref_slice %arg6[%dma_start3A_26] : memref<81920xf32, #tpu.memory_space<vmem>> -> memref<40960xf32, #tpu.memory_space<vmem>>
        %dma_start3A_28 = arith.constant 0 : i32
        %dma_start3A_29 = tpu.memref_slice %arg4[%add3A_25, %dma_start3A_28] : memref<128x40960xf32, #tpu.memory_space<hbm>> -> memref<1x40960xf32, #tpu.memory_space<hbm>>
        %dma_start3A_30 = tpu.memref_squeeze %dma_start3A_29 : memref<1x40960xf32, #tpu.memory_space<hbm>> -> memref<40960xf32, #tpu.memory_space<hbm>>
        %dma_start3A_31 = arith.constant 0 : i32
        %dma_start3A_32 = tpu.memref_slice %arg4[%add3A_25, %dma_start3A_31] : memref<128x40960xf32, #tpu.memory_space<hbm>> -> memref<1x40960xf32, #tpu.memory_space<hbm>>
        %dma_start3A_33 = tpu.memref_squeeze %dma_start3A_32 : memref<1x40960xf32, #tpu.memory_space<hbm>> -> memref<40960xf32, #tpu.memory_space<hbm>>
        %dma_start3A_34 = arith.constant 40960 : i32
        %dma_start3A_35 = tpu.memref_slice %arg6[%dma_start3A_34] : memref<81920xf32, #tpu.memory_space<vmem>> -> memref<40960xf32, #tpu.memory_space<vmem>>
        tpu.enqueue_dma source(%dma_start3A_35 : memref<40960xf32, #tpu.memory_space<vmem>>) target(%dma_start3A_33 : memref<40960xf32, #tpu.memory_space<hbm>>) target_semaphore(%run_scoped3A : memref<!tpu.dma_semaphore, #tpu.memory_space<semaphore_mem>>)
        %dma_wait3A_36 = arith.constant 40960 : i32
        %dma_wait3A_37 = tpu.memref_slice %arg6[%dma_wait3A_36] : memref<81920xf32, #tpu.memory_space<vmem>> -> memref<40960xf32, #tpu.memory_space<vmem>>
        %dma_wait3A_38 = arith.constant 0 : i32
        %dma_wait3A_39 = tpu.memref_slice %arg4[%add3A_25, %dma_wait3A_38] : memref<128x40960xf32, #tpu.memory_space<hbm>> -> memref<1x40960xf32, #tpu.memory_space<hbm>>
        %dma_wait3A_40 = tpu.memref_squeeze %dma_wait3A_39 : memref<1x40960xf32, #tpu.memory_space<hbm>> -> memref<40960xf32, #tpu.memory_space<hbm>>
        %dma_wait3A_41 = arith.constant 0 : i32
        %dma_wait3A_42 = tpu.memref_slice %arg4[%add3A_25, %dma_wait3A_41] : memref<128x40960xf32, #tpu.memory_space<hbm>> -> memref<1x40960xf32, #tpu.memory_space<hbm>>
        %dma_wait3A_43 = tpu.memref_squeeze %dma_wait3A_42 : memref<1x40960xf32, #tpu.memory_space<hbm>> -> memref<40960xf32, #tpu.memory_space<hbm>>
        %dma_wait3A_44 = arith.constant 40960 : i32
        %dma_wait3A_45 = tpu.memref_slice %arg6[%dma_wait3A_44] : memref<81920xf32, #tpu.memory_space<vmem>> -> memref<40960xf32, #tpu.memory_space<vmem>>
        tpu.wait_dma2 semaphore(%run_scoped3A : memref<!tpu.dma_semaphore, #tpu.memory_space<semaphore_mem>>) src(%dma_wait3A_45 : memref<40960xf32, #tpu.memory_space<vmem>>) dst(%dma_wait3A_43 : memref<40960xf32, #tpu.memory_space<hbm>>)
        tpu.yield
      }) : () -> ()
    }
    %scan3A_5 = arith.constant 2 : i32
    return
  }
}

module attributes {stable_mosaic.version = 14 : i64} {
  func.func @_tc_first_body(%arg0: i32, %arg1: memref<1024x256xf32, #tpu.memory_space<vmem>>, %arg2: memref<256x512xf32, #tpu.memory_space<vmem>>, %arg3: memref<32x1024xf32, #tpu.memory_space<vmem>>, %arg4: memref<256x1024xi32, #tpu.memory_space<vmem>>, %arg5: memref<1x1024xf32, #tpu.memory_space<vmem>>) attributes {dimension_semantics = [#tpu.dimension_semantics<arbitrary>], iteration_bounds = array<i64: 10>, scalar_prefetch = 0 : i64, scratch_operands = 0 : i64, tpu.core_type = #tpu.core_type<tc>, window_params = [{transform_indices = @transform_0, window_bounds = array<i64: 1024, 256>}, {pipeline_mode = #tpu.pipeline_mode<synchronous>, transform_indices = @transform_1, window_bounds = array<i64: 256, 512>}, {transform_indices = @transform_2, window_bounds = array<i64: 32, 1024>}, {transform_indices = @transform_3, window_bounds = array<i64: 256, 1024>}, {transform_indices = @transform_4, window_bounds = array<i64: 1, 1024>}]} {
    %get3A = arith.constant 0 : index
    %get3A_0 = arith.constant 0 : index
    %get3A_1 = vector.load %arg3[%get3A, %get3A_0] : memref<32x1024xf32, #tpu.memory_space<vmem>>, vector<32x1024xf32>
    %reduce_sum3A = arith.constant dense<0.000000e+00> : vector<1024xf32>
    %reduce_sum3A_2 = vector.multi_reduction <add>, %get3A_1, %reduce_sum3A [0] : vector<32x1024xf32> to vector<1024xf32>
    %broadcast_in_dim3A = vector.shape_cast %reduce_sum3A_2 : vector<1024xf32> to vector<1x1024xf32>
    %add3A = arith.constant 1.000000e+00 : f32
    %add3A_3 = vector.broadcast %add3A : f32 to vector<1x1024xf32>
    %add3A_4 = arith.addf %broadcast_in_dim3A, %add3A_3 : vector<1x1024xf32>
    %rsqrt3A = math.rsqrt %add3A_4 : vector<1x1024xf32>
    %get3A_5 = arith.constant 0 : index
    %get3A_6 = arith.constant 0 : index
    %get3A_7 = vector.load %arg2[%get3A_5, %get3A_6] : memref<256x512xf32, #tpu.memory_space<vmem>>, vector<256x512xf32>
    %get3A_8 = arith.constant 0 : index
    %get3A_9 = arith.constant 0 : index
    %get3A_10 = vector.load %arg1[%get3A_8, %get3A_9] : memref<1024x256xf32, #tpu.memory_space<vmem>>, vector<1024x256xf32>
    %dot_general3A = arith.constant dense<0.000000e+00> : vector<512x1024xf32>
    %dot_general3A_11 = tpu.matmul %get3A_7, %get3A_10, %dot_general3A {dimension_numbers = #tpu.dot_dimension_numbers<[0], [1], [1], [0], [0, 1, 1, 0], [], []>, transpose_lhs_hint = false} : vector<256x512xf32>, vector<1024x256xf32>, vector<512x1024xf32> -> vector<512x1024xf32>
    %mul3A = vector.broadcast %rsqrt3A : vector<1x1024xf32> to vector<512x1024xf32>
    %mul3A_12 = arith.mulf %dot_general3A_11, %mul3A : vector<512x1024xf32>
    %bitcast_convert_type3A = tpu.bitcast %mul3A_12 : vector<512x1024xf32> -> vector<512x1024xi32>
    %add3A_13 = arith.constant 32767 : i32
    %add3A_14 = vector.broadcast %add3A_13 : i32 to vector<512x1024xi32>
    %add3A_15 = arith.addi %bitcast_convert_type3A, %add3A_14 : vector<512x1024xi32>
    %shift_right_logical3A = arith.constant 16 : i32
    %shift_right_logical3A_16 = vector.broadcast %shift_right_logical3A : i32 to vector<512x1024xi32>
    %shift_right_logical3A_17 = arith.shrui %bitcast_convert_type3A, %shift_right_logical3A_16 : vector<512x1024xi32>
    %and3A = arith.constant 1 : i32
    %and3A_18 = vector.broadcast %and3A : i32 to vector<512x1024xi32>
    %and3A_19 = arith.andi %shift_right_logical3A_17, %and3A_18 : vector<512x1024xi32>
    %add3A_20 = arith.addi %add3A_15, %and3A_19 : vector<512x1024xi32>
    %shift_right_logical3A_21 = arith.constant 16 : i32
    %shift_right_logical3A_22 = vector.broadcast %shift_right_logical3A_21 : i32 to vector<512x1024xi32>
    %shift_right_logical3A_23 = arith.shrui %add3A_20, %shift_right_logical3A_22 : vector<512x1024xi32>
    %slice3A = vector.extract_strided_slice %shift_right_logical3A_23 {offsets = [0, 0], sizes = [256, 1024], strides = [1, 1]} : vector<512x1024xi32> to vector<256x1024xi32>
    %slice3A_24 = vector.extract_strided_slice %shift_right_logical3A_23 {offsets = [256, 0], sizes = [256, 1024], strides = [1, 1]} : vector<512x1024xi32> to vector<256x1024xi32>
    %shift_left3A = arith.constant 16 : i32
    %shift_left3A_25 = vector.broadcast %shift_left3A : i32 to vector<256x1024xi32>
    %shift_left3A_26 = arith.shli %slice3A_24, %shift_left3A_25 : vector<256x1024xi32>
    %or3A = arith.ori %slice3A, %shift_left3A_26 : vector<256x1024xi32>
    %bitcast_convert_type3A_27 = tpu.bitcast %or3A : vector<256x1024xi32> -> vector<256x1024xi32>
    %swap3A = arith.constant 0 : index
    %swap3A_28 = arith.constant 0 : index
    %swap3A_29 = vector.load %arg4[%swap3A, %swap3A_28] : memref<256x1024xi32, #tpu.memory_space<vmem>>, vector<256x1024xi32>
    tpu.vector_store %arg4[%swap3A, %swap3A_28], %bitcast_convert_type3A_27 {strides = array<i32>} : memref<256x1024xi32, #tpu.memory_space<vmem>>, vector<256x1024xi32>,
    %swap3A_30 = arith.constant 0 : index
    %swap3A_31 = arith.constant 0 : index
    %swap3A_32 = vector.load %arg5[%swap3A_30, %swap3A_31] : memref<1x1024xf32, #tpu.memory_space<vmem>>, vector<1x1024xf32>
    tpu.vector_store %arg5[%swap3A_30, %swap3A_31], %rsqrt3A {strides = array<i32>} : memref<1x1024xf32, #tpu.memory_space<vmem>>, vector<1x1024xf32>,
    return
  }
  func.func @transform_0(%arg0: i32) -> (i32, i32) {
    %c0_i32 = arith.constant 0 : i32
    %c0_i32_0 = arith.constant 0 : i32
    return %arg0, %c0_i32 : i32, i32
  }
  func.func @transform_1(%arg0: i32) -> (i32, i32) {
    %c0_i32 = arith.constant 0 : i32
    %c0_i32_0 = arith.constant 0 : i32
    %c0_i32_1 = arith.constant 0 : i32
    return %c0_i32, %c0_i32_0 : i32, i32
  }
  func.func @transform_2(%arg0: i32) -> (i32, i32) {
    %c0_i32 = arith.constant 0 : i32
    %c0_i32_0 = arith.constant 0 : i32
    return %c0_i32, %arg0 : i32, i32
  }
  func.func @transform_3(%arg0: i32) -> (i32, i32) {
    %c0_i32 = arith.constant 0 : i32
    %c0_i32_0 = arith.constant 0 : i32
    return %c0_i32, %arg0 : i32, i32
  }
  func.func @transform_4(%arg0: i32) -> (i32, i32) {
    %c0_i32 = arith.constant 0 : i32
    %c0_i32_0 = arith.constant 0 : i32
    return %c0_i32, %arg0 : i32, i32
  }
}

module attributes {stable_mosaic.version = 14 : i64} {
  func.func @_tc_mid_body(%arg0: i32, %arg1: memref<512x1024xf32, #tpu.memory_space<vmem>>, %arg2: memref<256x1024xi32, #tpu.memory_space<vmem>>, %arg3: memref<1x1024xf32, #tpu.memory_space<vmem>>, %arg4: memref<512x1xf32, #tpu.memory_space<vmem>>, %arg5: memref<512x512xf32, #tpu.memory_space<vmem>>, %arg6: memref<256x1024xi32, #tpu.memory_space<vmem>>) attributes {dimension_semantics = [#tpu.dimension_semantics<arbitrary>], iteration_bounds = array<i64: 10>, scalar_prefetch = 0 : i64, scratch_operands = 0 : i64, tpu.core_type = #tpu.core_type<tc>, window_params = [{transform_indices = @transform_0, window_bounds = array<i64: 512, 1024>}, {transform_indices = @transform_1, window_bounds = array<i64: 256, 1024>}, {transform_indices = @transform_2, window_bounds = array<i64: 1, 1024>}, {pipeline_mode = #tpu.pipeline_mode<synchronous>, transform_indices = @transform_3, window_bounds = array<i64: 512, 1>}, {pipeline_mode = #tpu.pipeline_mode<synchronous>, transform_indices = @transform_4, window_bounds = array<i64: 512, 512>}, {transform_indices = @transform_5, window_bounds = array<i64: 256, 1024>}]} {
    %get3A = arith.constant 0 : index
    %get3A_0 = arith.constant 0 : index
    %get3A_1 = vector.load %arg3[%get3A, %get3A_0] : memref<1x1024xf32, #tpu.memory_space<vmem>>, vector<1x1024xf32>
    %get3A_2 = arith.constant 0 : index
    %get3A_3 = arith.constant 0 : index
    %get3A_4 = vector.load %arg2[%get3A_2, %get3A_3] : memref<256x1024xi32, #tpu.memory_space<vmem>>, vector<256x1024xi32>
    %bitcast_convert_type3A = tpu.bitcast %get3A_4 : vector<256x1024xi32> -> vector<256x1024xi32>
    %shift_left3A = arith.constant 16 : i32
    %shift_left3A_5 = vector.broadcast %shift_left3A : i32 to vector<256x1024xi32>
    %shift_left3A_6 = arith.shli %bitcast_convert_type3A, %shift_left3A_5 : vector<256x1024xi32>
    %bitcast_convert_type3A_7 = tpu.bitcast %shift_left3A_6 : vector<256x1024xi32> -> vector<256x1024xf32>
    %and3A = arith.constant -65536 : i32
    %and3A_8 = vector.broadcast %and3A : i32 to vector<256x1024xi32>
    %and3A_9 = arith.andi %bitcast_convert_type3A, %and3A_8 : vector<256x1024xi32>
    %bitcast_convert_type3A_10 = tpu.bitcast %and3A_9 : vector<256x1024xi32> -> vector<256x1024xf32>
    %concatenate3A = tpu.concatenate %bitcast_convert_type3A_7, %bitcast_convert_type3A_10 in 0 : vector<256x1024xf32>, vector<256x1024xf32> -> vector<512x1024xf32>
    %get3A_11 = arith.constant 0 : index
    %get3A_12 = arith.constant 0 : index
    %get3A_13 = vector.load %arg1[%get3A_11, %get3A_12] : memref<512x1024xf32, #tpu.memory_space<vmem>>, vector<512x1024xf32>
    %add3A = arith.addf %get3A_13, %concatenate3A : vector<512x1024xf32>
    %mul3A = vector.broadcast %get3A_1 : vector<1x1024xf32> to vector<512x1024xf32>
    %mul3A_14 = arith.mulf %add3A, %mul3A : vector<512x1024xf32>
    %get3A_15 = arith.constant 0 : index
    %get3A_16 = arith.constant 0 : index
    %get3A_17 = vector.load %arg4[%get3A_15, %get3A_16] : memref<512x1xf32, #tpu.memory_space<vmem>>, vector<512x1xf32>
    %add3A_18 = vector.broadcast %get3A_17 : vector<512x1xf32> to vector<512x1024xf32>
    %add3A_19 = arith.addf %mul3A_14, %add3A_18 : vector<512x1024xf32>
    %integer_pow3A = arith.mulf %add3A_19, %add3A_19 : vector<512x1024xf32>
    %integer_pow3A_20 = arith.mulf %add3A_19, %integer_pow3A : vector<512x1024xf32>
    %mul3A_21 = arith.constant 4.471500e-02 : f32
    %mul3A_22 = vector.broadcast %mul3A_21 : f32 to vector<512x1024xf32>
    %mul3A_23 = arith.mulf %mul3A_22, %integer_pow3A_20 : vector<512x1024xf32>
    %add3A_24 = arith.addf %add3A_19, %mul3A_23 : vector<512x1024xf32>
    %mul3A_25 = arith.constant 0.797884583 : f32
    %mul3A_26 = vector.broadcast %mul3A_25 : f32 to vector<512x1024xf32>
    %mul3A_27 = arith.mulf %mul3A_26, %add3A_24 : vector<512x1024xf32>
    %tanh3A = math.tanh %mul3A_27 : vector<512x1024xf32>
    %add3A_28 = arith.constant 1.000000e+00 : f32
    %add3A_29 = vector.broadcast %add3A_28 : f32 to vector<512x1024xf32>
    %add3A_30 = arith.addf %add3A_29, %tanh3A : vector<512x1024xf32>
    %mul3A_31 = arith.constant 5.000000e-01 : f32
    %mul3A_32 = vector.broadcast %mul3A_31 : f32 to vector<512x1024xf32>
    %mul3A_33 = arith.mulf %mul3A_32, %add3A_30 : vector<512x1024xf32>
    %mul3A_34 = arith.mulf %add3A_19, %mul3A_33 : vector<512x1024xf32>
    %get3A_35 = arith.constant 0 : index
    %get3A_36 = arith.constant 0 : index
    %get3A_37 = vector.load %arg5[%get3A_35, %get3A_36] : memref<512x512xf32, #tpu.memory_space<vmem>>, vector<512x512xf32>
    %dot_general3A = arith.constant dense<0.000000e+00> : vector<512x1024xf32>
    %dot_general3A_38 = tpu.matmul %get3A_37, %mul3A_34, %dot_general3A {dimension_numbers = #tpu.dot_dimension_numbers<[0], [0], [1], [1], [0, 1, 1, 1], [], []>, transpose_lhs_hint = false} : vector<512x512xf32>, vector<512x1024xf32>, vector<512x1024xf32> -> vector<512x1024xf32>
    %mul3A_39 = vector.broadcast %get3A_1 : vector<1x1024xf32> to vector<512x1024xf32>
    %mul3A_40 = arith.mulf %dot_general3A_38, %mul3A_39 : vector<512x1024xf32>
    %bitcast_convert_type3A_41 = tpu.bitcast %mul3A_40 : vector<512x1024xf32> -> vector<512x1024xi32>
    %add3A_42 = arith.constant 32767 : i32
    %add3A_43 = vector.broadcast %add3A_42 : i32 to vector<512x1024xi32>
    %add3A_44 = arith.addi %bitcast_convert_type3A_41, %add3A_43 : vector<512x1024xi32>
    %shift_right_logical3A = arith.constant 16 : i32
    %shift_right_logical3A_45 = vector.broadcast %shift_right_logical3A : i32 to vector<512x1024xi32>
    %shift_right_logical3A_46 = arith.shrui %bitcast_convert_type3A_41, %shift_right_logical3A_45 : vector<512x1024xi32>
    %and3A_47 = arith.constant 1 : i32
    %and3A_48 = vector.broadcast %and3A_47 : i32 to vector<512x1024xi32>
    %and3A_49 = arith.andi %shift_right_logical3A_46, %and3A_48 : vector<512x1024xi32>
    %add3A_50 = arith.addi %add3A_44, %and3A_49 : vector<512x1024xi32>
    %shift_right_logical3A_51 = arith.constant 16 : i32
    %shift_right_logical3A_52 = vector.broadcast %shift_right_logical3A_51 : i32 to vector<512x1024xi32>
    %shift_right_logical3A_53 = arith.shrui %add3A_50, %shift_right_logical3A_52 : vector<512x1024xi32>
    %slice3A = vector.extract_strided_slice %shift_right_logical3A_53 {offsets = [0, 0], sizes = [256, 1024], strides = [1, 1]} : vector<512x1024xi32> to vector<256x1024xi32>
    %slice3A_54 = vector.extract_strided_slice %shift_right_logical3A_53 {offsets = [256, 0], sizes = [256, 1024], strides = [1, 1]} : vector<512x1024xi32> to vector<256x1024xi32>
    %shift_left3A_55 = arith.constant 16 : i32
    %shift_left3A_56 = vector.broadcast %shift_left3A_55 : i32 to vector<256x1024xi32>
    %shift_left3A_57 = arith.shli %slice3A_54, %shift_left3A_56 : vector<256x1024xi32>
    %or3A = arith.ori %slice3A, %shift_left3A_57 : vector<256x1024xi32>
    %bitcast_convert_type3A_58 = tpu.bitcast %or3A : vector<256x1024xi32> -> vector<256x1024xi32>
    %swap3A = arith.constant 0 : index
    %swap3A_59 = arith.constant 0 : index
    %swap3A_60 = vector.load %arg6[%swap3A, %swap3A_59] : memref<256x1024xi32, #tpu.memory_space<vmem>>, vector<256x1024xi32>
    tpu.vector_store %arg6[%swap3A, %swap3A_59], %bitcast_convert_type3A_58 {strides = array<i32>} : memref<256x1024xi32, #tpu.memory_space<vmem>>, vector<256x1024xi32>,
    return
  }
  func.func @transform_0(%arg0: i32) -> (i32, i32) {
    %c0_i32 = arith.constant 0 : i32
    %c0_i32_0 = arith.constant 0 : i32
    return %c0_i32, %arg0 : i32, i32
  }
  func.func @transform_1(%arg0: i32) -> (i32, i32) {
    %c0_i32 = arith.constant 0 : i32
    %c0_i32_0 = arith.constant 0 : i32
    return %c0_i32, %arg0 : i32, i32
  }
  func.func @transform_2(%arg0: i32) -> (i32, i32) {
    %c0_i32 = arith.constant 0 : i32
    %c0_i32_0 = arith.constant 0 : i32
    return %c0_i32, %arg0 : i32, i32
  }
  func.func @transform_3(%arg0: i32) -> (i32, i32) {
    %c0_i32 = arith.constant 0 : i32
    %c0_i32_0 = arith.constant 0 : i32
    %c0_i32_1 = arith.constant 0 : i32
    return %c0_i32, %c0_i32_0 : i32, i32
  }
  func.func @transform_4(%arg0: i32) -> (i32, i32) {
    %c0_i32 = arith.constant 0 : i32
    %c0_i32_0 = arith.constant 0 : i32
    %c0_i32_1 = arith.constant 0 : i32
    return %c0_i32, %c0_i32_0 : i32, i32
  }
  func.func @transform_5(%arg0: i32) -> (i32, i32) {
    %c0_i32 = arith.constant 0 : i32
    %c0_i32_0 = arith.constant 0 : i32
    return %c0_i32, %arg0 : i32, i32
  }
}

module attributes {stable_mosaic.version = 14 : i64} {
  func.func @_tc_tail_body(%arg0: i32, %arg1: memref<512x1024xf32, #tpu.memory_space<vmem>>, %arg2: memref<256x1024xi32, #tpu.memory_space<vmem>>, %arg3: memref<1x1024xf32, #tpu.memory_space<vmem>>, %arg4: memref<512x1xf32, #tpu.memory_space<vmem>>, %arg5: memref<1x1024xi32, #tpu.memory_space<vmem>>, %arg6: memref<512x1024xf32, #tpu.memory_space<vmem>>, %arg7: memref<1x1024xf32, #tpu.memory_space<vmem>>, %arg8: memref<1024x128xf32, #tpu.memory_space<vmem>>, %arg9: memref<1x128xf32, #tpu.memory_space<vmem>>, %arg10: memref<64x128xf32, #tpu.memory_space<vmem>>, %arg11: memref<512x64xf32, #tpu.memory_space<vmem>>, %arg12: memref<1x64xf32, #tpu.memory_space<vmem>>) attributes {dimension_semantics = [#tpu.dimension_semantics<arbitrary>], iteration_bounds = array<i64: 10>, scalar_prefetch = 0 : i64, scratch_operands = 2 : i64, tpu.core_type = #tpu.core_type<tc>, window_params = [{transform_indices = @transform_0, window_bounds = array<i64: 512, 1024>}, {transform_indices = @transform_1, window_bounds = array<i64: 256, 1024>}, {transform_indices = @transform_2, window_bounds = array<i64: 1, 1024>}, {pipeline_mode = #tpu.pipeline_mode<synchronous>, transform_indices = @transform_3, window_bounds = array<i64: 512, 1>}, {transform_indices = @transform_4, window_bounds = array<i64: 1, 1024>}, {pipeline_mode = #tpu.pipeline_mode<synchronous>, transform_indices = @transform_5, window_bounds = array<i64: 512, 1024>}, {pipeline_mode = #tpu.pipeline_mode<synchronous>, transform_indices = @transform_6, window_bounds = array<i64: 1, 1024>}, {pipeline_mode = #tpu.pipeline_mode<synchronous>, transform_indices = @transform_7, window_bounds = array<i64: 1024, 128>}, {pipeline_mode = #tpu.pipeline_mode<synchronous>, transform_indices = @transform_8, window_bounds = array<i64: 1, 128>}, {pipeline_mode = #tpu.pipeline_mode<synchronous>, transform_indices = @transform_9, window_bounds = array<i64: 64, 128>}]} {
    %get3A = arith.constant 0 : index
    %get3A_0 = arith.constant 0 : index
    %get3A_1 = vector.load %arg3[%get3A, %get3A_0] : memref<1x1024xf32, #tpu.memory_space<vmem>>, vector<1x1024xf32>
    %get3A_2 = arith.constant 0 : index
    %get3A_3 = arith.constant 0 : index
    %get3A_4 = vector.load %arg2[%get3A_2, %get3A_3] : memref<256x1024xi32, #tpu.memory_space<vmem>>, vector<256x1024xi32>
    %bitcast_convert_type3A = tpu.bitcast %get3A_4 : vector<256x1024xi32> -> vector<256x1024xi32>
    %shift_left3A = arith.constant 16 : i32
    %shift_left3A_5 = vector.broadcast %shift_left3A : i32 to vector<256x1024xi32>
    %shift_left3A_6 = arith.shli %bitcast_convert_type3A, %shift_left3A_5 : vector<256x1024xi32>
    %bitcast_convert_type3A_7 = tpu.bitcast %shift_left3A_6 : vector<256x1024xi32> -> vector<256x1024xf32>
    %and3A = arith.constant -65536 : i32
    %and3A_8 = vector.broadcast %and3A : i32 to vector<256x1024xi32>
    %and3A_9 = arith.andi %bitcast_convert_type3A, %and3A_8 : vector<256x1024xi32>
    %bitcast_convert_type3A_10 = tpu.bitcast %and3A_9 : vector<256x1024xi32> -> vector<256x1024xf32>
    %concatenate3A = tpu.concatenate %bitcast_convert_type3A_7, %bitcast_convert_type3A_10 in 0 : vector<256x1024xf32>, vector<256x1024xf32> -> vector<512x1024xf32>
    %get3A_11 = arith.constant 0 : index
    %get3A_12 = arith.constant 0 : index
    %get3A_13 = vector.load %arg1[%get3A_11, %get3A_12] : memref<512x1024xf32, #tpu.memory_space<vmem>>, vector<512x1024xf32>
    %add3A = arith.addf %get3A_13, %concatenate3A : vector<512x1024xf32>
    %mul3A = vector.broadcast %get3A_1 : vector<1x1024xf32> to vector<512x1024xf32>
    %mul3A_14 = arith.mulf %add3A, %mul3A : vector<512x1024xf32>
    %get3A_15 = arith.constant 0 : index
    %get3A_16 = arith.constant 0 : index
    %get3A_17 = vector.load %arg4[%get3A_15, %get3A_16] : memref<512x1xf32, #tpu.memory_space<vmem>>, vector<512x1xf32>
    %add3A_18 = vector.broadcast %get3A_17 : vector<512x1xf32> to vector<512x1024xf32>
    %add3A_19 = arith.addf %mul3A_14, %add3A_18 : vector<512x1024xf32>
    %integer_pow3A = arith.mulf %add3A_19, %add3A_19 : vector<512x1024xf32>
    %integer_pow3A_20 = arith.mulf %add3A_19, %integer_pow3A : vector<512x1024xf32>
    %mul3A_21 = arith.constant 4.471500e-02 : f32
    %mul3A_22 = vector.broadcast %mul3A_21 : f32 to vector<512x1024xf32>
    %mul3A_23 = arith.mulf %mul3A_22, %integer_pow3A_20 : vector<512x1024xf32>
    %add3A_24 = arith.addf %add3A_19, %mul3A_23 : vector<512x1024xf32>
    %mul3A_25 = arith.constant 0.797884583 : f32
    %mul3A_26 = vector.broadcast %mul3A_25 : f32 to vector<512x1024xf32>
    %mul3A_27 = arith.mulf %mul3A_26, %add3A_24 : vector<512x1024xf32>
    %tanh3A = math.tanh %mul3A_27 : vector<512x1024xf32>
    %add3A_28 = arith.constant 1.000000e+00 : f32
    %add3A_29 = vector.broadcast %add3A_28 : f32 to vector<512x1024xf32>
    %add3A_30 = arith.addf %add3A_29, %tanh3A : vector<512x1024xf32>
    %mul3A_31 = arith.constant 5.000000e-01 : f32
    %mul3A_32 = vector.broadcast %mul3A_31 : f32 to vector<512x1024xf32>
    %mul3A_33 = arith.mulf %mul3A_32, %add3A_30 : vector<512x1024xf32>
    %mul3A_34 = arith.mulf %add3A_19, %mul3A_33 : vector<512x1024xf32>
    %get3A_35 = arith.constant 0 : index
    %get3A_36 = arith.constant 0 : index
    %get3A_37 = vector.load %arg5[%get3A_35, %get3A_36] : memref<1x1024xi32, #tpu.memory_space<vmem>>, vector<1x1024xi32>
    %iota3A = tpu.iota {dimensions = array<i32: 0>} : vector<64x1024xi32>
    %eq3A = vector.broadcast %get3A_37 : vector<1x1024xi32> to vector<64x1024xi32>
    %eq3A_38 = arith.cmpi eq, %iota3A, %eq3A : vector<64x1024xi32>
    %convert_element_type3A = arith.extui %eq3A_38 : vector<64x1024xi1> to vector<64x1024xi32>
    %convert_element_type3A_39 = arith.sitofp %convert_element_type3A : vector<64x1024xi32> to vector<64x1024xf32>
    %dot_general3A = arith.constant dense<0.000000e+00> : vector<512x64xf32>
    %dot_general3A_40 = tpu.matmul %mul3A_34, %convert_element_type3A_39, %dot_general3A {dimension_numbers = #tpu.dot_dimension_numbers<[1], [1], [0], [0], [0, 0, 1, 0], [], []>, transpose_lhs_hint = false} : vector<512x1024xf32>, vector<64x1024xf32>, vector<512x64xf32> -> vector<512x64xf32>
    %broadcast_in_dim3A = arith.constant 1.000000e+00 : f32
    %broadcast_in_dim3A_41 = vector.broadcast %broadcast_in_dim3A : f32 to vector<1x1024xf32>
    %dot_general3A_42 = arith.constant dense<0.000000e+00> : vector<1x64xf32>
    %dot_general3A_43 = tpu.matmul %broadcast_in_dim3A_41, %convert_element_type3A_39, %dot_general3A_42 {dimension_numbers = #tpu.dot_dimension_numbers<[1], [1], [0], [0], [0, 0, 1, 0], [], []>, transpose_lhs_hint = false} : vector<1x1024xf32>, vector<64x1024xf32>, vector<1x64xf32> -> vector<1x64xf32>
    %eq3A_44 = arith.constant 0 : i32
    %eq3A_45 = arith.cmpi eq, %arg0, %eq3A_44 : i32
    %convert_element_type3A_46 = arith.extui %eq3A_45 : i1 to i32
    %cond3A = arith.constant 0 : i32
    %cond3A_47 = arith.cmpi ne, %convert_element_type3A_46, %cond3A : i32
    scf.if %cond3A_47 {
      %swap3A = arith.constant 0 : index
      %swap3A_57 = arith.constant 0 : index
      %swap3A_58 = vector.load %arg11[%swap3A, %swap3A_57] : memref<512x64xf32, #tpu.memory_space<vmem>>, vector<512x64xf32>
      tpu.vector_store %arg11[%swap3A, %swap3A_57], %dot_general3A_40 {strides = array<i32>} : memref<512x64xf32, #tpu.memory_space<vmem>>, vector<512x64xf32>,
      %swap3A_59 = arith.constant 0 : index
      %swap3A_60 = arith.constant 0 : index
      %swap3A_61 = vector.load %arg12[%swap3A_59, %swap3A_60] : memref<1x64xf32, #tpu.memory_space<vmem>>, vector<1x64xf32>
      tpu.vector_store %arg12[%swap3A_59, %swap3A_60], %dot_general3A_43 {strides = array<i32>} : memref<1x64xf32, #tpu.memory_space<vmem>>, vector<1x64xf32>,
    } else {
    }
    %ne3A = arith.constant 0 : i32
    %ne3A_48 = arith.cmpi ne, %arg0, %ne3A : i32
    %convert_element_type3A_49 = arith.extui %ne3A_48 : i1 to i32
    %cond3A_50 = arith.constant 0 : i32
    %cond3A_51 = arith.cmpi ne, %convert_element_type3A_49, %cond3A_50 : i32
    scf.if %cond3A_51 {
      %get3A_57 = arith.constant 0 : index
      %get3A_58 = arith.constant 0 : index
      %get3A_59 = vector.load %arg11[%get3A_57, %get3A_58] : memref<512x64xf32, #tpu.memory_space<vmem>>, vector<512x64xf32>
      %add3A_60 = arith.addf %get3A_59, %dot_general3A_40 : vector<512x64xf32>
      %swap3A = arith.constant 0 : index
      %swap3A_61 = arith.constant 0 : index
      %swap3A_62 = vector.load %arg11[%swap3A, %swap3A_61] : memref<512x64xf32, #tpu.memory_space<vmem>>, vector<512x64xf32>
      tpu.vector_store %arg11[%swap3A, %swap3A_61], %add3A_60 {strides = array<i32>} : memref<512x64xf32, #tpu.memory_space<vmem>>, vector<512x64xf32>,
      %get3A_63 = arith.constant 0 : index
      %get3A_64 = arith.constant 0 : index
      %get3A_65 = vector.load %arg12[%get3A_63, %get3A_64] : memref<1x64xf32, #tpu.memory_space<vmem>>, vector<1x64xf32>
      %add3A_66 = arith.addf %get3A_65, %dot_general3A_43 : vector<1x64xf32>
      %swap3A_67 = arith.constant 0 : index
      %swap3A_68 = arith.constant 0 : index
      %swap3A_69 = vector.load %arg12[%swap3A_67, %swap3A_68] : memref<1x64xf32, #tpu.memory_space<vmem>>, vector<1x64xf32>
      tpu.vector_store %arg12[%swap3A_67, %swap3A_68], %add3A_66 {strides = array<i32>} : memref<1x64xf32, #tpu.memory_space<vmem>>, vector<1x64xf32>,
    } else {
    }
    %eq3A_52 = arith.constant 9 : i32
    %eq3A_53 = arith.cmpi eq, %arg0, %eq3A_52 : i32
    %convert_element_type3A_54 = arith.extui %eq3A_53 : i1 to i32
    %cond3A_55 = arith.constant 0 : i32
    %cond3A_56 = arith.cmpi ne, %convert_element_type3A_54, %cond3A_55 : i32
    scf.if %cond3A_56 {
      %get3A_57 = arith.constant 0 : index
      %get3A_58 = arith.constant 0 : index
      %get3A_59 = vector.load %arg11[%get3A_57, %get3A_58] : memref<512x64xf32, #tpu.memory_space<vmem>>, vector<512x64xf32>
      %get3A_60 = arith.constant 0 : index
      %get3A_61 = arith.constant 0 : index
      %get3A_62 = vector.load %arg12[%get3A_60, %get3A_61] : memref<1x64xf32, #tpu.memory_space<vmem>>, vector<1x64xf32>
      %max3A = arith.constant 1.000000e+00 : f32
      %max3A_63 = vector.broadcast %max3A : f32 to vector<1x64xf32>
      %max3A_64 = arith.maximumf %get3A_62, %max3A_63 : vector<1x64xf32>
      %div3A = vector.broadcast %max3A_64 : vector<1x64xf32> to vector<512x64xf32>
      %div3A_65 = arith.divf %get3A_59, %div3A : vector<512x64xf32>
      %get3A_66 = arith.constant 0 : index
      %get3A_67 = arith.constant 0 : index
      %get3A_68 = vector.load %arg6[%get3A_66, %get3A_67] : memref<512x1024xf32, #tpu.memory_space<vmem>>, vector<512x1024xf32>
      %dot_general3A_69 = arith.constant dense<0.000000e+00> : vector<64x1024xf32>
      %dot_general3A_70 = tpu.matmul %div3A_65, %get3A_68, %dot_general3A_69 {dimension_numbers = #tpu.dot_dimension_numbers<[0], [0], [1], [1], [0, 1, 1, 1], [], []>, transpose_lhs_hint = false} : vector<512x64xf32>, vector<512x1024xf32>, vector<64x1024xf32> -> vector<64x1024xf32>
      %get3A_71 = arith.constant 0 : index
      %get3A_72 = arith.constant 0 : index
      %get3A_73 = vector.load %arg7[%get3A_71, %get3A_72] : memref<1x1024xf32, #tpu.memory_space<vmem>>, vector<1x1024xf32>
      %add3A_74 = vector.broadcast %get3A_73 : vector<1x1024xf32> to vector<64x1024xf32>
      %add3A_75 = arith.addf %dot_general3A_70, %add3A_74 : vector<64x1024xf32>
      %integer_pow3A_76 = arith.mulf %add3A_75, %add3A_75 : vector<64x1024xf32>
      %integer_pow3A_77 = arith.mulf %add3A_75, %integer_pow3A_76 : vector<64x1024xf32>
      %mul3A_78 = arith.constant 4.471500e-02 : f32
      %mul3A_79 = vector.broadcast %mul3A_78 : f32 to vector<64x1024xf32>
      %mul3A_80 = arith.mulf %mul3A_79, %integer_pow3A_77 : vector<64x1024xf32>
      %add3A_81 = arith.addf %add3A_75, %mul3A_80 : vector<64x1024xf32>
      %mul3A_82 = arith.constant 0.797884583 : f32
      %mul3A_83 = vector.broadcast %mul3A_82 : f32 to vector<64x1024xf32>
      %mul3A_84 = arith.mulf %mul3A_83, %add3A_81 : vector<64x1024xf32>
      %tanh3A_85 = math.tanh %mul3A_84 : vector<64x1024xf32>
      %add3A_86 = arith.constant 1.000000e+00 : f32
      %add3A_87 = vector.broadcast %add3A_86 : f32 to vector<64x1024xf32>
      %add3A_88 = arith.addf %add3A_87, %tanh3A_85 : vector<64x1024xf32>
      %mul3A_89 = arith.constant 5.000000e-01 : f32
      %mul3A_90 = vector.broadcast %mul3A_89 : f32 to vector<64x1024xf32>
      %mul3A_91 = arith.mulf %mul3A_90, %add3A_88 : vector<64x1024xf32>
      %mul3A_92 = arith.mulf %add3A_75, %mul3A_91 : vector<64x1024xf32>
      %get3A_93 = arith.constant 0 : index
      %get3A_94 = arith.constant 0 : index
      %get3A_95 = vector.load %arg8[%get3A_93, %get3A_94] : memref<1024x128xf32, #tpu.memory_space<vmem>>, vector<1024x128xf32>
      %dot_general3A_96 = arith.constant dense<0.000000e+00> : vector<64x128xf32>
      %dot_general3A_97 = tpu.matmul %mul3A_92, %get3A_95, %dot_general3A_96 {dimension_numbers = #tpu.dot_dimension_numbers<[1], [0], [0], [1], [0, 0, 1, 1], [], []>, transpose_lhs_hint = false} : vector<64x1024xf32>, vector<1024x128xf32>, vector<64x128xf32> -> vector<64x128xf32>
      %get3A_98 = arith.constant 0 : index
      %get3A_99 = arith.constant 0 : index
      %get3A_100 = vector.load %arg9[%get3A_98, %get3A_99] : memref<1x128xf32, #tpu.memory_space<vmem>>, vector<1x128xf32>
      %add3A_101 = vector.broadcast %get3A_100 : vector<1x128xf32> to vector<64x128xf32>
      %add3A_102 = arith.addf %dot_general3A_97, %add3A_101 : vector<64x128xf32>
      %swap3A = arith.constant 0 : index
      %swap3A_103 = arith.constant 0 : index
      %swap3A_104 = vector.load %arg10[%swap3A, %swap3A_103] : memref<64x128xf32, #tpu.memory_space<vmem>>, vector<64x128xf32>
      tpu.vector_store %arg10[%swap3A, %swap3A_103], %add3A_102 {strides = array<i32>} : memref<64x128xf32, #tpu.memory_space<vmem>>, vector<64x128xf32>,
    } else {
    }
    return
  }
  func.func @transform_0(%arg0: i32) -> (i32, i32) {
    %c0_i32 = arith.constant 0 : i32
    %c0_i32_0 = arith.constant 0 : i32
    return %c0_i32, %arg0 : i32, i32
  }
  func.func @transform_1(%arg0: i32) -> (i32, i32) {
    %c0_i32 = arith.constant 0 : i32
    %c0_i32_0 = arith.constant 0 : i32
    return %c0_i32, %arg0 : i32, i32
  }
  func.func @transform_2(%arg0: i32) -> (i32, i32) {
    %c0_i32 = arith.constant 0 : i32
    %c0_i32_0 = arith.constant 0 : i32
    return %c0_i32, %arg0 : i32, i32
  }
  func.func @transform_3(%arg0: i32) -> (i32, i32) {
    %c0_i32 = arith.constant 0 : i32
    %c0_i32_0 = arith.constant 0 : i32
    %c0_i32_1 = arith.constant 0 : i32
    return %c0_i32, %c0_i32_0 : i32, i32
  }
  func.func @transform_4(%arg0: i32) -> (i32, i32) {
    %c0_i32 = arith.constant 0 : i32
    %c0_i32_0 = arith.constant 0 : i32
    return %c0_i32, %arg0 : i32, i32
  }
  func.func @transform_5(%arg0: i32) -> (i32, i32) {
    %c0_i32 = arith.constant 0 : i32
    %c0_i32_0 = arith.constant 0 : i32
    %c0_i32_1 = arith.constant 0 : i32
    return %c0_i32, %c0_i32_0 : i32, i32
  }
  func.func @transform_6(%arg0: i32) -> (i32, i32) {
    %c0_i32 = arith.constant 0 : i32
    %c0_i32_0 = arith.constant 0 : i32
    %c0_i32_1 = arith.constant 0 : i32
    return %c0_i32, %c0_i32_0 : i32, i32
  }
  func.func @transform_7(%arg0: i32) -> (i32, i32) {
    %c0_i32 = arith.constant 0 : i32
    %c0_i32_0 = arith.constant 0 : i32
    %c0_i32_1 = arith.constant 0 : i32
    return %c0_i32, %c0_i32_0 : i32, i32
  }
  func.func @transform_8(%arg0: i32) -> (i32, i32) {
    %c0_i32 = arith.constant 0 : i32
    %c0_i32_0 = arith.constant 0 : i32
    %c0_i32_1 = arith.constant 0 : i32
    return %c0_i32, %c0_i32_0 : i32, i32
  }
  func.func @transform_9(%arg0: i32) -> (i32, i32) {
    %c0_i32 = arith.constant 0 : i32
    %c0_i32_0 = arith.constant 0 : i32
    %c0_i32_1 = arith.constant 0 : i32
    return %c0_i32, %c0_i32_0 : i32, i32
  }
}

</mosaic_0001>

<sc_bundles>
// kernel: kernel.10.cloned.1.call-start
scs
__scs_entry_jumppad:
0x0: {  	(pc) =	sbr.rel $0x88, $3  }
0x1: {  	(tag) =	ssettag $0x0;
	lr =	simm.s32 $0x1  }
0x2: {  	[smem:$0x3F94] =	sst lr;
	_ =	strace $0xD0000000  }
0x3: {  	_ = 	snop  }
0x4: {  	_ = 	snop  }
0x5: {  	_ = 	snop  }
0x6: {  	_ = 	snop  }
0x7: {  	_ = 	snop  }
__scs_overlays_trampoline_lowered:
0x8: {  	[smem:$0x3FA3] =	sst s0  }
0x9: {  	[smem:$0x3FA4] =	sst s1  }
0xa: {  	[smem:$0x3FA5] =	sst s2  }
0xb: {  	[smem:$0x3FA6] =	sst s3  }
0xc: {  	[smem:$0x3FA7] =	sst s4  }
0xd: {  	[smem:$0x3FA8] =	sst s5  }
0xe: {  	[smem:$0x3FA9] =	sst s6  }
0xf: {  	[smem:$0x3FAA] =	sst s7  }
0x10: {  	[smem:$0x3FAB] =	sst s8  }
0x11: {  	[smem:$0x3FAC] =	sst s9;
	s0 =	simm.s32 @!p0 $0x0  }
0x12: {  	s1 =	sld [smem:$0x3F92];
	s0 =	simm.s32 @p0 $0x1  }
0x13: {  	[smem:$0x3FAD] =	sst s0;
	s0 =	simm.s32 @!p1 $0x0  }
0x14: {  	s2 =	sld [smem:$0x3F91];
	s0 =	simm.s32 @p1 $0x1  }
0x15: {  	[smem:$0x3FAE] =	sst s0;
	s0 =	simm.s32 @!p2 $0x0  }
0x16: {  	s3 =	sld [smem:$0x3FDB];
	s0 =	simm.s32 @p2 $0x1  }
0x17: {  	s4 =	simm.s32 $0x1BF5;
	[smem:$0x3FB0] =	sst s0  }
0x18: {  	s0 =	sld [smem:$0x3F93];
	_ =	swait.ge [sflag:s4], $0x0  }
0x19: {  	s7 =	sld [smem:$0x3F94]  }
0x1a: {  	s8 =	sadd.s32 $0xFFFFE003, lr  }
0x1b: {  	s9 =	sadd.s32 $0xFFFFFEF7, lr;
	s5 =	simm.s32 $0xFFFFFFFF;
	p2 =	slt.u32 s8, $0xFFFFF086  }
0x1c: {  	p1 =	slt.u32 s9, $0xF7A;
	s5 =	simm.s32 @!p2 $0x0  }
0x1d: {  	s5 =	simm.s32 @p1 $0x1;
	p0 =	seq.s32 s7, s2  }
0x1e: {  	s7 =	smul.u32 @!p0 $0xF7A, s2;
	p2 =	seq.s32 @!p0 s5, $0x0  }
0x1f: {  	s9 =	smul.u32 $0xF7A, s1;
	s8 =	simm.s32 @!p0 $0x1BF5;
	p2 =	por !p2, p0  }
0x20: {  	[sflag:s8] =	ssyncset.s32 @!p0 $0xFFFFF086;
	s6 =	sadd.s32 @!p0 s3, s7;
	s7 =	simm.s32 @!p0 $0x108  }
0x21: {  	s3 =	sadd.s32 s3, s9;
	s6 =	sadd.s32 @!p0 $0x88, s6;
	s7 =	simm.s32 @p2 $0x1082  }
0x22: {  	[simem:s7], [sflag:s8] =	dma.local @!p0 [hbm:s6], $0xF7A  }
0x23: {  	s9 =	sor.u32 $0xD0000000, s2;
	s6 =	simm.s32 $0x108;
	_ =	swait.ge @!p0 [sflag:s8], $0x0  }
0x24: {  	s3 =	sadd.s32 $0x88, s3;
	s6 =	simm.s32 @!p1 $0x1082;
	[sflag:s4] =	ssyncset.s32 $0xFFFFF086  }
0x25: {  	[simem:s6], [sflag:s4] =	dma.local [hbm:s3], $0xF7A  }
0x26: {  	[smem:$0x3F94] =	sst s1;
	(tag) =	ssettag s2;
	_ =	strace s9  }
0x27: {  	s1 =	sld [smem:$0x3FA4]  }
0x28: {  	s2 =	sld [smem:$0x3FA5]  }
0x29: {  	s4 =	sld [smem:$0x3FA7]  }
0x2a: {  	p0 =	seq.s32 s5, $0x0;
	s5 =	sld [smem:$0x3FA8]  }
0x2b: {  	s6 =	sld [smem:$0x3FA9]  }
0x2c: {  	s7 =	sld [smem:$0x3FAA]  }
0x2d: {  	s3 =	simm.s32 $0x108;
	s8 =	sld [smem:$0x3FAB]  }
0x2e: {  	s3 =	simm.s32 @!p0 $0x1082;
	s9 =	sld [smem:$0x3FAC]  }
0x2f: {  	lr =	sadd.s32 s0, s3;
	s0 =	sld [smem:$0x3FA3]  }
0x30: {  	s3 =	sld [smem:$0x3FA6]  }
0x31: {  	[smem:$0x3FAF] =	sst s10  }
0x32: {  	s10 =	sld [smem:$0x3FAD];
	_ =	sdelay $0x3  }
0x33: {  	p0 =	seq.s32 s10, $0x1;
	s10 =	sld [smem:$0x3FAF];
	_ =	sdelay $0x3  }
0x34: {  	[smem:$0x3FAF] =	sst s10  }
0x35: {  	s10 =	sld [smem:$0x3FAE];
	_ =	sdelay $0x3  }
0x36: {  	p1 =	seq.s32 s10, $0x1;
	s10 =	sld [smem:$0x3FAF];
	_ =	sdelay $0x3  }
0x37: {  	[smem:$0x3FAF] =	sst s10  }
0x38: {  	s10 =	sld [smem:$0x3FB0]  }
0x39: {  	_ = 	snop;
	(pc) =	sbr.ind lr, $3  }
0x3a: {  	_ = 	snop  }
0x3b: {  	_ = 	snop  }
0x3c: {  	p2 =	seq.s32 s10, $0x1;
	s10 =	sld [smem:$0x3FAF]  }
0x3d: {  	_ =	shalt  }
0x3e: {  	_ =	shalt  }
0x3f: {  	_ =	shalt  }
0x40: {  	_ =	shalt  }
0x41: {  	_ =	shalt  }
0x42: {  	_ =	shalt  }
0x43: {  	_ =	shalt  }
0x44: {  	_ =	shalt  }
0x45: {  	_ =	shalt  }
0x46: {  	_ =	shalt  }
0x47: {  	_ =	shalt  }
0x48: {  	_ =	shalt  }
0x49: {  	_ =	shalt  }
0x4a: {  	_ =	shalt  }
0x4b: {  	_ =	shalt  }
0x4c: {  	_ =	shalt  }
0x4d: {  	_ =	shalt  }
0x4e: {  	_ =	shalt  }
0x4f: {  	_ =	shalt  }
0x50: {  	_ =	shalt  }
0x51: {  	_ =	shalt  }
0x52: {  	_ =	shalt  }
0x53: {  	_ =	shalt  }
0x54: {  	_ =	shalt  }
0x55: {  	_ =	shalt  }
0x56: {  	_ =	shalt  }
0x57: {  	_ =	shalt  }
0x58: {  	_ =	shalt  }
0x59: {  	_ =	shalt  }
0x5a: {  	_ =	shalt  }
0x5b: {  	_ =	shalt  }
0x5c: {  	_ =	shalt  }
0x5d: {  	_ =	shalt  }
0x5e: {  	_ =	shalt  }
0x5f: {  	_ =	shalt  }
0x60: {  	_ =	shalt  }
0x61: {  	_ =	shalt  }
0x62: {  	_ =	shalt  }
0x63: {  	_ =	shalt  }
0x64: {  	_ =	shalt  }
0x65: {  	_ =	shalt  }
0x66: {  	_ =	shalt  }
0x67: {  	_ =	shalt  }
0x68: {  	_ =	shalt  }
0x69: {  	_ =	shalt  }
0x6a: {  	_ =	shalt  }
0x6b: {  	_ =	shalt  }
0x6c: {  	_ =	shalt  }
0x6d: {  	_ =	shalt  }
0x6e: {  	_ =	shalt  }
0x6f: {  	_ =	shalt  }
0x70: {  	_ =	shalt  }
0x71: {  	_ =	shalt  }
0x72: {  	_ =	shalt  }
0x73: {  	_ =	shalt  }
0x74: {  	_ =	shalt  }
0x75: {  	_ =	shalt  }
0x76: {  	_ =	shalt  }
0x77: {  	_ =	shalt  }
0x78: {  	_ =	shalt  }
0x79: {  	_ =	shalt  }
0x7a: {  	_ =	shalt  }
0x7b: {  	_ =	shalt  }
0x7c: {  	_ =	shalt  }
0x7d: {  	_ =	shalt  }
0x7e: {  	_ =	shalt  }
0x7f: {  	_ =	shalt  }
0x80: {  	_ =	shalt  }
0x81: {  	_ =	shalt  }
0x82: {  	_ =	shalt  }
0x83: {  	_ =	shalt  }
0x84: {  	_ =	shalt  }
0x85: {  	_ =	shalt  }
0x86: {  	_ =	shalt  }
0x87: {  	_ =	shalt  }
.Lfunc_end0:
.L_simem_size_0:
called_computation_lowered:
.L_overlay_start_0:
0x88: {  	s2 =	sld [smem:$0x3FD9]  }
0x89: {  	s3 =	sld [smem:$0x3FFE];
	_ =	sdelay $0x1  }
0x8a: {  	s1 =	srdreg.scid  }
0x8b: {  	s0 =	sand.u32 $0x1, s1  }
0x8c: {  	s16 =	sshll.u32 s0, $0xA;
	s2 =	sadd.s32 s3, s2  }
0x8d: {  	s2 =	sadd.s32 s2, s16  }
0x8e: {  	[smem:$0x3FBB] =	sst s2  }
0x8f: {  	_ = 	snop  }
0x90: {  	(tm) =	ssettm $0x1  }
0x91: {  	s17 =	sld [smem:$0x3FFB];
	_ =	sdelay $0x3  }
0x92: {  	_ =	strace s17  }
0x93: {  	s2 =	sld [smem:$0x3FFC];
	_ =	sdelay $0x3  }
0x94: {  	_ =	strace s2  }
0x95: {  	s2 =	sld [smem:$0x3FFD];
	_ =	sdelay $0x3  }
0x96: {  	_ =	strace s2  }
0x97: {  	_ =	strace $0x8FFFFFFF  }
0x98: {  	s18 =	sld [smem:$0x3FDB];
	_ =	sdelay $0x1  }
0x99: {  	s19 =	simm.s32 $_scs_section_size  }
0x9a: {  	s4 =	simm.s32 $_size__tile_overlayer_lowered;
	s5 =	simm.s32 $_tile_overlayer_lowered  }
0x9b: {  	s22 =	simm.s32 $0x1BFF;
	s21 =	sshll.u32 s5, $0x1;
	s2 =	sadd.s32 s19, s18  }
0x9c: {  	s6 =	simm.s32 $0x0;
	s20 =	sshll.u32 s4, $0x1;
	s4 =	sadd.s32 s21, s2  }
0x9d: {  	[timem:s6], [sflag:s22] =	dma.local [hbm:s4], s20  }
0x9e: {  	_ =	swait.ge [sflag:s22], s20  }
0x9f: {  	s3 =	ssub.s32 $0x0, s20;
	[sflag:s22] =	ssyncset.done $0x0  }
0xa0: {  	[sflag:s22] =	ssyncadd.s32 s3;
	_ =	sdelay $0x1  }
0xa1: {  	s23 =	simm.s32 $0x1B8B  }
0xa2: {  	_ =	swait.ge [sflag:s23], $0x1  }
0xa3: {  	[sflag:s23] =	ssyncset.done $0x0  }
0xa4: {  	s25 =	simm.s32 $0x1B8E;
	s24 =	sld [smem:$0x3FFE];
	[sflag:s23] =	ssyncadd.s32 $0xFFFFFFFF  }
0xa5: {  	s26 =	simm.s32 $execute0_lowered;
	[smem:$0x3FD2] =	sst s25  }
0xa6: {  	s4 =	sshll.u32 s26, $0x1;
	_ =	strace $0x80000046;
	[dreg:$0x1] =	wrdreg $0xFFFFFFFF  }
0xa7: {  	s28 =	simm.s32 $_size_execute0_lowered;
	s2 =	sadd.s32 s2, s4;
	[dreg:$0x0] =	wrdreg $0x0  }
0xa8: {  	s4 =	sshll.u32 s28, $0x1;
	[dreg:$0x2] =	wrdreg s2  }
0xa9: {  	[dreg:$0x3] =	wrdreg s4  }
0xaa: {  	[dreg:$0x4] =	wrdreg $0xC0  }
0xab: {  	_ =	task [dreg:s6], $0x5FFFF  }
0xac: {  	[dreg:$0x1] =	wrdreg $0xFFFFFFFF  }
0xad: {  	[dreg:$0x0] =	wrdreg $0x60  }
0xae: {  	[dreg:$0x2] =	wrdreg s24  }
0xaf: {  	[dreg:$0x3] =	wrdreg $0x9  }
0xb0: {  	_ =	task.clear_ibuf [dreg:s6], $0x4FFFF;
	_ =	strace $0x90000046  }
0xb1: {  	s29 =	simm.s32 $0x9;
	_ =	strace $0x80000048  }
0xb2: {  	_ =	swait.ge [sflag:s29], $0x1  }
0xb3: {  	[sflag:s29] =	ssyncadd.s32 $0xFFFFFFFF  }
0xb4: {  	_ =	strace $0x90000048  }
0xb5: {  	_ =	sfence  }
0xb6: {  	s30 =	sld [smem:$0x0];
	_ =	sdelay $0x2  }
0xb7: {  	s31 =	sshll.u32 s1, $0xD;
	s1 =	sshrl.u32 s1, $0x2  }
0xb8: {  	s3 =	sand.u32 $0x4000, s31;
	s1 =	sadd.s32 s1, s30  }
0xb9: {  	s0 =	sor.u32 s3, s0;
	s1 =	sshll.u32 s1, $0x11  }
0xba: {  	s0 =	sor.u32 s1, s0  }
0xbb: {  	s0 =	sadd.s32 $0x8F2B, s0  }
0xbc: {  	[sflag:s0] =	ssyncadd.remote.s32 $0x1  }
0xbd: {  	_ =	sfence.sel $0xFFFF  }
0xbe: {  	[dreg:$0x0] =	wrdreg $0xFFFFFFFF;
	(pc) =	sbr.abs _section_cstart, $3  }
0xbf: {  	[dreg:$0x1] =	wrdreg $0xFFFFFFFF  }
0xc0: {  	_ =	task.clear_ibuf [dreg:s6], $0x2FFFF;
	_ =	strace $0x9FFFFFFF  }
0xc1: {  	(tm) =	ssettm $0x7FFFFFFF  }
tec
execute0_lowered:
.L_overlay_start_1:
0x0: {  	(tag) =	ssettag $0x1  }
0x1: {  	s1 =	srdreg.scid  }
0x2: {  	s0 =	stileid.u32;
	s5 =	rddreg [dreg:$0x0]  }
0x3: {  	s2 =	simm.s32 $0x0;
	s8 =	simm.s32 $0x80;
	s9 =	simm.s32 $0x400  }
0x4: {  	s10 =	simm.s32 $0x0;
	s3 =	sand.u32 $0x1, s1;
	s29 =	sshll.u32 s0, $0x1  }
0x5: {  	s30 =	sshrl.u32 s0, $0x2;
	s1 =	rddreg [dreg:$0x1];
	s4 =	sor.u32 s3, s29  }
0x6: {  	[smem:$0x7FF] =	sst s2;
	s6 =	smul.u32 $0x14000, s30;
	s7 =	sshll.u32 s4, $0x7  }
0x7: {  	s3 =	ssub.s32 $0x2, s3;
	s4 =	smul.u32 $0x271, s4;
	s7 =	sand.u32 $0x380, s7  }
0x8: {  	_ =	strace $0x80000047;
	s31 =	sshrl.u32 s3, $0x1;
	s6 =	sor.u32 s6, s7  }
0x9: {  	s4 =	sadd.s32 s4, s5;
	s7 =	simm.s32 $0x1;
	s6 =	sshrl.u32 s6, $0x3  }
0xa: {  	s5 =	sadd.s32 s6, s5;
	s6 =	ssub.s32 s3, s31;
	s3 =	sadd.s32 $0x3200, s4  }
0xb: {  	v0 =	vimm.f32 $0.0e+00;
	v1 =	vimm.s32 $0x0;
	v2 =	vimm.f32 $1.000000000e+00;
	s4 =	sadd.s32 $0x8200, s5;
	s5 =	smax.u32 s6, $0x1;
	s6 =	simm.s32 $0x2800  }
.LBB2_1:
0xc: {  	s11 =	simm.s32 $0x40;
	s12 =	simm.s32 $0x0  }
.LBB2_2:
0xd: {  	p0 =	sne.s32 s11, $0x9FC0;
	[tilespmem:s12+$0x0] =	vst v0;
	s12 =	smov.u32 s11;
	s11 =	sadd.s32 $0x40, s11  }
.Ltmp0:
0xe: {  	(pc) =	sbr.rel @p0 .LBB2_2-.Ltmp0, $2  }
0xf: {  	_ =	sdelay $0x2  }
0x10: {  	s12 =	sshra.s32 s12, $0x2  }
0x11: {  	[tilespmem:s12+$0x0] =	vst v0  }
0x12: {  	s11 =	simm.s32 $0x0;
	[tilespmem:$0x3B80] =	vst v1  }
0x13: {  	[tilespmem:s6], [sflag:$0x1] =	stream.linear.gather [hbm4b:s3+s11], $0x1388, $0x38;
	[tilespmem:$0x3C00] =	vst v63  }
0x14: {  	_ =	swait.ge [sflag:s7], $0x1388  }
0x15: {  	[sflag:s7] =	ssyncset.done $0x0  }
0x16: {  	s12 =	simm.s32 $0x0;
	s11 =	simm.s32 $0x40;
	[sflag:s7] =	ssyncadd.s32 $0xFFFFEC78  }
.LBB2_4:
0x17: {  	p0 =	sne.s32 s11, $0x4DC0;
	v3 =	vld [tilespmem:s12+$0x2800];
	_ =	sdelay $0x3  }
.Ltmp1:
0x18: {  	(pc) =	sbr.rel @p0 .LBB2_4-.Ltmp1, $2  }
0x19: {  	_ =	sdelay $0x2  }
0x1a: {  	s12 =	sshra.s32 s11, $0x2;
	s11 =	sadd.s32 $0x40, s11;
	[tilespmem:v3+s2+$0x0] =	vst.idx.add.f32.msk $0xffff, v2  }
0x1b: {  	v3 =	vld [tilespmem:s12+$0x2800];
	_ =	sdelay $0x7  }
0x1c: {  	[tilespmem:v3+s2+$0x0] =	vst.idx.add.f32.msk $0xffff, v2  }
0x1d: {  	v3 =	vld [tilespmem:$0x3B80];
	_ =	sdelay $0x5  }
0x1e: {  	s10 =	sadd.s32 $0x1, s10  }
0x1f: {  	p0 =	sne.s32 s10, s5  }
.Ltmp2:
0x20: {  	[tilespmem:v3+s2+$0x0] =	vst.idx.add.f32.msk $0xff, v2;
	(pc) =	sbr.rel @p0 .LBB2_1-.Ltmp2, $4  }
0x21: {  	[hbm4b:s4+s8] =	stream.strided.scatter [tilespmem:s2], [sflag:$0x1], $0x2800, s9, s8, $0x38;
	[tilespmem:$0x3C00] =	vst v63  }
0x22: {  	_ =	swait.ge [sflag:s7], $0x2800  }
0x23: {  	[sflag:s7] =	ssyncset.done $0x0  }
0x24: {  	[sflag:s7] =	ssyncadd.s32 $0xFFFFD800  }
0x25: {  	_ =	sfence.sel $0x180000  }
0x26: {  	[bflag:$0x0] =	sbarrier.arrive $0xFFFF  }
0x27: {  	p0 =	sne.s32 s0, $0x0;
	_ =	strace $0x90000047  }
0x28: {  	s0 =	sadd.s32 @!p0 $0x100000, s1;
	[bflag:$0x2] =	sbarrier.arrive $0xFFFF  }
0x29: {  	[sflag:s0] =	ssyncadd.tile.s32 @!p0 $0x1;
	_ =	shalt  }
.Lfunc_end2:
_tile_overlayer_lowered:
.L_overlay_start_2:
0x2a: {  	(tag) =	ssettag $0x2  }
0x2b: {  	s0 =	rddreg [dreg:$0x0];
	s2 =	stileid.u32  }
0x2c: {  	s1 =	rddreg [dreg:$0x1];
	p0 =	sne.s32 s2, $0x0  }
0x2d: {  	s3 =	rddreg [dreg:$0x2];
	[bflag:$0x3] =	sbarrier.arrive $0xFFFF;
	s2 =	simm.s32 @!p0 $0x1C01  }
0x2e: {  	[timem:s3], [sflag:s2] =	dma.local @!p0 [hbm:s0], s1  }
0x2f: {  	s0 =	simm.s32 @!p0 $0x1  }
0x30: {  	_ =	swait.ge @!p0 [sflag:s0], s1  }
0x31: {  	s1 =	ssub.s32 @!p0 $0x0, s1;
	[sflag:s0] =	ssyncset.done @!p0 $0x0  }
0x32: {  	[sflag:s0] =	ssyncadd.s32 @!p0 s1  }
0x33: {  	[bflag:$0x3] =	sbarrier.arrive $0xFFFF  }
0x34: {  	_ =	shalt  }

// kernel: kernel.13.cloned.1.call-start
scs
__scs_entry_jumppad:
0x0: {  	(pc) =	sbr.rel $0x88, $3  }
0x1: {  	(tag) =	ssettag $0x0;
	lr =	simm.s32 $0x1  }
0x2: {  	[smem:$0x3F94] =	sst lr;
	_ =	strace $0xD0000000  }
0x3: {  	_ = 	snop  }
0x4: {  	_ = 	snop  }
0x5: {  	_ = 	snop  }
0x6: {  	_ = 	snop  }
0x7: {  	_ = 	snop  }
__scs_overlays_trampoline_lowered:
0x8: {  	[smem:$0x3FA3] =	sst s0  }
0x9: {  	[smem:$0x3FA4] =	sst s1  }
0xa: {  	[smem:$0x3FA5] =	sst s2  }
0xb: {  	[smem:$0x3FA6] =	sst s3  }
0xc: {  	[smem:$0x3FA7] =	sst s4  }
0xd: {  	[smem:$0x3FA8] =	sst s5  }
0xe: {  	[smem:$0x3FA9] =	sst s6  }
0xf: {  	[smem:$0x3FAA] =	sst s7  }
0x10: {  	[smem:$0x3FAB] =	sst s8  }
0x11: {  	[smem:$0x3FAC] =	sst s9;
	s0 =	simm.s32 @!p0 $0x0  }
0x12: {  	s1 =	sld [smem:$0x3F92];
	s0 =	simm.s32 @p0 $0x1  }
0x13: {  	[smem:$0x3FAD] =	sst s0;
	s0 =	simm.s32 @!p1 $0x0  }
0x14: {  	s2 =	sld [smem:$0x3F91];
	s0 =	simm.s32 @p1 $0x1  }
0x15: {  	[smem:$0x3FAE] =	sst s0;
	s0 =	simm.s32 @!p2 $0x0  }
0x16: {  	s3 =	sld [smem:$0x3FDB];
	s0 =	simm.s32 @p2 $0x1  }
0x17: {  	s4 =	simm.s32 $0x1BF5;
	[smem:$0x3FB0] =	sst s0  }
0x18: {  	s0 =	sld [smem:$0x3F93];
	_ =	swait.ge [sflag:s4], $0x0  }
0x19: {  	s7 =	sld [smem:$0x3F94]  }
0x1a: {  	s8 =	sadd.s32 $0xFFFFE003, lr  }
0x1b: {  	s9 =	sadd.s32 $0xFFFFFEF7, lr;
	s5 =	simm.s32 $0xFFFFFFFF;
	p2 =	slt.u32 s8, $0xFFFFF086  }
0x1c: {  	p1 =	slt.u32 s9, $0xF7A;
	s5 =	simm.s32 @!p2 $0x0  }
0x1d: {  	s5 =	simm.s32 @p1 $0x1;
	p0 =	seq.s32 s7, s2  }
0x1e: {  	s7 =	smul.u32 @!p0 $0xF7A, s2;
	p2 =	seq.s32 @!p0 s5, $0x0  }
0x1f: {  	s9 =	smul.u32 $0xF7A, s1;
	s8 =	simm.s32 @!p0 $0x1BF5;
	p2 =	por !p2, p0  }
0x20: {  	[sflag:s8] =	ssyncset.s32 @!p0 $0xFFFFF086;
	s6 =	sadd.s32 @!p0 s3, s7;
	s7 =	simm.s32 @!p0 $0x108  }
0x21: {  	s3 =	sadd.s32 s3, s9;
	s6 =	sadd.s32 @!p0 $0x88, s6;
	s7 =	simm.s32 @p2 $0x1082  }
0x22: {  	[simem:s7], [sflag:s8] =	dma.local @!p0 [hbm:s6], $0xF7A  }
0x23: {  	s9 =	sor.u32 $0xD0000000, s2;
	s6 =	simm.s32 $0x108;
	_ =	swait.ge @!p0 [sflag:s8], $0x0  }
0x24: {  	s3 =	sadd.s32 $0x88, s3;
	s6 =	simm.s32 @!p1 $0x1082;
	[sflag:s4] =	ssyncset.s32 $0xFFFFF086  }
0x25: {  	[simem:s6], [sflag:s4] =	dma.local [hbm:s3], $0xF7A  }
0x26: {  	[smem:$0x3F94] =	sst s1;
	(tag) =	ssettag s2;
	_ =	strace s9  }
0x27: {  	s1 =	sld [smem:$0x3FA4]  }
0x28: {  	s2 =	sld [smem:$0x3FA5]  }
0x29: {  	s4 =	sld [smem:$0x3FA7]  }
0x2a: {  	p0 =	seq.s32 s5, $0x0;
	s5 =	sld [smem:$0x3FA8]  }
0x2b: {  	s6 =	sld [smem:$0x3FA9]  }
0x2c: {  	s7 =	sld [smem:$0x3FAA]  }
0x2d: {  	s3 =	simm.s32 $0x108;
	s8 =	sld [smem:$0x3FAB]  }
0x2e: {  	s3 =	simm.s32 @!p0 $0x1082;
	s9 =	sld [smem:$0x3FAC]  }
0x2f: {  	lr =	sadd.s32 s0, s3;
	s0 =	sld [smem:$0x3FA3]  }
0x30: {  	s3 =	sld [smem:$0x3FA6]  }
0x31: {  	[smem:$0x3FAF] =	sst s10  }
0x32: {  	s10 =	sld [smem:$0x3FAD];
	_ =	sdelay $0x3  }
0x33: {  	p0 =	seq.s32 s10, $0x1;
	s10 =	sld [smem:$0x3FAF];
	_ =	sdelay $0x3  }
0x34: {  	[smem:$0x3FAF] =	sst s10  }
0x35: {  	s10 =	sld [smem:$0x3FAE];
	_ =	sdelay $0x3  }
0x36: {  	p1 =	seq.s32 s10, $0x1;
	s10 =	sld [smem:$0x3FAF];
	_ =	sdelay $0x3  }
0x37: {  	[smem:$0x3FAF] =	sst s10  }
0x38: {  	s10 =	sld [smem:$0x3FB0]  }
0x39: {  	_ = 	snop;
	(pc) =	sbr.ind lr, $3  }
0x3a: {  	_ = 	snop  }
0x3b: {  	_ = 	snop  }
0x3c: {  	p2 =	seq.s32 s10, $0x1;
	s10 =	sld [smem:$0x3FAF]  }
0x3d: {  	_ =	shalt  }
0x3e: {  	_ =	shalt  }
0x3f: {  	_ =	shalt  }
0x40: {  	_ =	shalt  }
0x41: {  	_ =	shalt  }
0x42: {  	_ =	shalt  }
0x43: {  	_ =	shalt  }
0x44: {  	_ =	shalt  }
0x45: {  	_ =	shalt  }
0x46: {  	_ =	shalt  }
0x47: {  	_ =	shalt  }
0x48: {  	_ =	shalt  }
0x49: {  	_ =	shalt  }
0x4a: {  	_ =	shalt  }
0x4b: {  	_ =	shalt  }
0x4c: {  	_ =	shalt  }
0x4d: {  	_ =	shalt  }
0x4e: {  	_ =	shalt  }
0x4f: {  	_ =	shalt  }
0x50: {  	_ =	shalt  }
0x51: {  	_ =	shalt  }
0x52: {  	_ =	shalt  }
0x53: {  	_ =	shalt  }
0x54: {  	_ =	shalt  }
0x55: {  	_ =	shalt  }
0x56: {  	_ =	shalt  }
0x57: {  	_ =	shalt  }
0x58: {  	_ =	shalt  }
0x59: {  	_ =	shalt  }
0x5a: {  	_ =	shalt  }
0x5b: {  	_ =	shalt  }
0x5c: {  	_ =	shalt  }
0x5d: {  	_ =	shalt  }
0x5e: {  	_ =	shalt  }
0x5f: {  	_ =	shalt  }
0x60: {  	_ =	shalt  }
0x61: {  	_ =	shalt  }
0x62: {  	_ =	shalt  }
0x63: {  	_ =	shalt  }
0x64: {  	_ =	shalt  }
0x65: {  	_ =	shalt  }
0x66: {  	_ =	shalt  }
0x67: {  	_ =	shalt  }
0x68: {  	_ =	shalt  }
0x69: {  	_ =	shalt  }
0x6a: {  	_ =	shalt  }
0x6b: {  	_ =	shalt  }
0x6c: {  	_ =	shalt  }
0x6d: {  	_ =	shalt  }
0x6e: {  	_ =	shalt  }
0x6f: {  	_ =	shalt  }
0x70: {  	_ =	shalt  }
0x71: {  	_ =	shalt  }
0x72: {  	_ =	shalt  }
0x73: {  	_ =	shalt  }
0x74: {  	_ =	shalt  }
0x75: {  	_ =	shalt  }
0x76: {  	_ =	shalt  }
0x77: {  	_ =	shalt  }
0x78: {  	_ =	shalt  }
0x79: {  	_ =	shalt  }
0x7a: {  	_ =	shalt  }
0x7b: {  	_ =	shalt  }
0x7c: {  	_ =	shalt  }
0x7d: {  	_ =	shalt  }
0x7e: {  	_ =	shalt  }
0x7f: {  	_ =	shalt  }
0x80: {  	_ =	shalt  }
0x81: {  	_ =	shalt  }
0x82: {  	_ =	shalt  }
0x83: {  	_ =	shalt  }
0x84: {  	_ =	shalt  }
0x85: {  	_ =	shalt  }
0x86: {  	_ =	shalt  }
0x87: {  	_ =	shalt  }
.Lfunc_end0:
.L_simem_size_0:
called_computation.1_lowered:
.L_overlay_start_0:
0x88: {  	s2 =	sld [smem:$0x3FD9]  }
0x89: {  	s3 =	sld [smem:$0x3FFE];
	_ =	sdelay $0x1  }
0x8a: {  	s1 =	srdreg.scid  }
0x8b: {  	s0 =	sand.u32 $0x1, s1  }
0x8c: {  	s16 =	sshll.u32 s0, $0xA;
	s2 =	sadd.s32 s3, s2  }
0x8d: {  	s2 =	sadd.s32 s2, s16  }
0x8e: {  	[smem:$0x3FBB] =	sst s2  }
0x8f: {  	_ = 	snop  }
0x90: {  	(tm) =	ssettm $0x1  }
0x91: {  	s17 =	sld [smem:$0x3FFB];
	_ =	sdelay $0x3  }
0x92: {  	_ =	strace s17  }
0x93: {  	s2 =	sld [smem:$0x3FFC];
	_ =	sdelay $0x3  }
0x94: {  	_ =	strace s2  }
0x95: {  	s2 =	sld [smem:$0x3FFD];
	_ =	sdelay $0x3  }
0x96: {  	_ =	strace s2  }
0x97: {  	_ =	strace $0x8FFFFFFF  }
0x98: {  	s18 =	sld [smem:$0x3FDB];
	_ =	sdelay $0x1  }
0x99: {  	s19 =	simm.s32 $_scs_section_size  }
0x9a: {  	s4 =	simm.s32 $_size__tile_overlayer_lowered;
	s5 =	simm.s32 $_tile_overlayer_lowered  }
0x9b: {  	s22 =	simm.s32 $0x1BFF;
	s21 =	sshll.u32 s5, $0x1;
	s2 =	sadd.s32 s19, s18  }
0x9c: {  	s6 =	simm.s32 $0x0;
	s20 =	sshll.u32 s4, $0x1;
	s4 =	sadd.s32 s21, s2  }
0x9d: {  	[timem:s6], [sflag:s22] =	dma.local [hbm:s4], s20  }
0x9e: {  	_ =	swait.ge [sflag:s22], s20  }
0x9f: {  	s3 =	ssub.s32 $0x0, s20;
	[sflag:s22] =	ssyncset.done $0x0  }
0xa0: {  	[sflag:s22] =	ssyncadd.s32 s3;
	_ =	sdelay $0x1  }
0xa1: {  	s23 =	simm.s32 $0x1B8B  }
0xa2: {  	_ =	swait.ge [sflag:s23], $0x1  }
0xa3: {  	[sflag:s23] =	ssyncset.done $0x0  }
0xa4: {  	s25 =	simm.s32 $0x1B8E;
	s24 =	sld [smem:$0x3FFE];
	[sflag:s23] =	ssyncadd.s32 $0xFFFFFFFF  }
0xa5: {  	s26 =	simm.s32 $execute0_lowered;
	[smem:$0x3FD2] =	sst s25  }
0xa6: {  	s4 =	sshll.u32 s26, $0x1;
	_ =	strace $0x80000049;
	[dreg:$0x1] =	wrdreg $0xFFFFFFFF  }
0xa7: {  	s28 =	simm.s32 $_size_execute0_lowered;
	s2 =	sadd.s32 s2, s4;
	[dreg:$0x0] =	wrdreg $0x0  }
0xa8: {  	s4 =	sshll.u32 s28, $0x1;
	[dreg:$0x2] =	wrdreg s2  }
0xa9: {  	[dreg:$0x3] =	wrdreg s4  }
0xaa: {  	[dreg:$0x4] =	wrdreg $0xC0  }
0xab: {  	_ =	task [dreg:s6], $0x5FFFF  }
0xac: {  	[dreg:$0x1] =	wrdreg $0xFFFFFFFF  }
0xad: {  	[dreg:$0x0] =	wrdreg $0x60  }
0xae: {  	[dreg:$0x2] =	wrdreg s24  }
0xaf: {  	[dreg:$0x3] =	wrdreg $0x9  }
0xb0: {  	_ =	task.clear_ibuf [dreg:s6], $0x4FFFF;
	_ =	strace $0x90000049  }
0xb1: {  	s29 =	simm.s32 $0x9;
	_ =	strace $0x8000004B  }
0xb2: {  	_ =	swait.ge [sflag:s29], $0x1  }
0xb3: {  	[sflag:s29] =	ssyncadd.s32 $0xFFFFFFFF  }
0xb4: {  	_ =	strace $0x9000004B  }
0xb5: {  	_ =	sfence  }
0xb6: {  	s30 =	sld [smem:$0x0];
	_ =	sdelay $0x2  }
0xb7: {  	s31 =	sshll.u32 s1, $0xD;
	s1 =	sshrl.u32 s1, $0x2  }
0xb8: {  	s3 =	sand.u32 $0x4000, s31;
	s1 =	sadd.s32 s1, s30  }
0xb9: {  	s0 =	sor.u32 s3, s0;
	s1 =	sshll.u32 s1, $0x11  }
0xba: {  	s0 =	sor.u32 s1, s0  }
0xbb: {  	s0 =	sadd.s32 $0x8F2B, s0  }
0xbc: {  	[sflag:s0] =	ssyncadd.remote.s32 $0x1  }
0xbd: {  	_ =	sfence.sel $0xFFFF  }
0xbe: {  	[dreg:$0x0] =	wrdreg $0xFFFFFFFF;
	(pc) =	sbr.abs _section_cstart, $3  }
0xbf: {  	[dreg:$0x1] =	wrdreg $0xFFFFFFFF  }
0xc0: {  	_ =	task.clear_ibuf [dreg:s6], $0x2FFFF;
	_ =	strace $0x9FFFFFFF  }
0xc1: {  	(tm) =	ssettm $0x7FFFFFFF  }
tec
execute0_lowered:
.L_overlay_start_1:
0x0: {  	(tag) =	ssettag $0x1  }
0x1: {  	s6 =	rddreg [dreg:$0x0]  }
0x2: {  	s0 =	rddreg [dreg:$0x1]  }
0x3: {  	s2 =	simm.s32 $0x0;
	s3 =	srdreg.scid;
	s1 =	stileid.u32  }
0x4: {  	s11 =	simm.s32 $0x80;
	s12 =	simm.s32 $0x400;
	s13 =	simm.s32 $0x3  }
0x5: {  	s14 =	simm.s32 $0x1EC80;
	s15 =	simm.s32 $0x1;
	s16 =	simm.s32 $0xA000  }
0x6: {  	s17 =	simm.s32 $0x2;
	s18 =	simm.s32 $0x14000;
	s19 =	simm.s32 $0x0  }
0x7: {  	[smem:$0x7FF] =	sst s2;
	s7 =	sand.u32 $0x1, s3;
	s3 =	sadd.s32 $0x67200, s6  }
0x8: {  	s5 =	sshrl.u32 s1, $0x1;
	s4 =	sadd.s32 $0x12200, s6;
	s6 =	sadd.s32 $0xB7200, s6  }
0x9: {  	s31 =	sshll.u32 s1, $0x9;
	s8 =	ssub.s32 $0x2, s7;
	s5 =	smul.u32 $0x50000, s5  }
0xa: {  	_ =	strace $0x8000004A;
	s10 =	sshll.u32 s7, $0x8;
	s9 =	sshrl.u32 s8, $0x1  }
0xb: {  	s8 =	ssub.s32 s8, s9;
	s7 =	sadd.s32 $0x280000, s5;
	s9 =	sand.u32 $0x200, s31  }
0xc: {  	v0 =	vimm.f32 $0.0e+00;
	s8 =	smax.u32 s8, $0x1;
	s9 =	sor.u32 s10, s9;
	s10 =	simm.s32 $0x1E000  }
.LBB2_1:
0xd: {  	p1 =	por $0x1, $0x1;
	s21 =	simm.s32 $0x0  }
.LBB2_2:
0xe: {  	[tilespmem:s10], [sflag:$0x1] =	stream.linear.gather [hbm4b:s4+s2], $0xC80, $0x38;
	[tilespmem:$0x1F900] =	vst v63  }
0xf: {  	s20 =	sor.u32 s9, s21  }
0x10: {  	s21 =	sor.u32 s5, s20  }
0x11: {  	s21 =	sshrl.u32 s21, $0x3  }
0x12: {  	s22 =	sadd.s32 s3, s21  }
0x13: {  	[tilespmem:s2], [sflag:$0x3] =	stream.strided.gather [hbm4b:s22+s11], $0xA000, s12, s11, $0x38;
	[tilespmem:$0x1F900] =	vst v63  }
0x14: {  	_ =	swait.ge [sflag:s13], $0xA000  }
0x15: {  	[sflag:s13] =	ssyncset.done $0x0  }
0x16: {  	s22 =	simm.s32 $0xA040;
	[sflag:s13] =	ssyncadd.s32 $0xFFFF6000  }
0x17: {  	[tilespmem:s22+$0xFFFFFFC0] =	vst v0  }
0x18: {  	[tilespmem:s22+$0x30] =	vst v0  }
0x19: {  	[tilespmem:s22+$0x20] =	vst v0  }
0x1a: {  	[tilespmem:s22+$0x10] =	vst v0  }
0x1b: {  	[tilespmem:s22+$0x0] =	vst v0  }
0x1c: {  	[tilespmem:s22+$0xFFFFFFF0] =	vst v0  }
0x1d: {  	p0 =	por p1, p1;
	s23 =	simm.s32 $0x0;
	[tilespmem:s22+$0xFFFFFFE0] =	vst v0  }
.LBB2_3:
0x1e: {  	s23 =	sadd.s32 $0x8, s23;
	[tilespmem:s22+$0xFFFFFFD0] =	vst v0;
	s22 =	sadd.s32 $0x80, s22  }
0x1f: {  	[tilespmem:s22+$0xFFFFFFC0] =	vst v0;
	p1 =	slt.u32 s23, $0x13F8  }
0x20: {  	[tilespmem:s22+$0x30] =	vst v0  }
.Ltmp0:
0x21: {  	[tilespmem:s22+$0x20] =	vst v0;
	(pc) =	sbr.rel @p1 .LBB2_3-.Ltmp0, $4  }
0x22: {  	[tilespmem:s22+$0x10] =	vst v0  }
0x23: {  	[tilespmem:s22+$0x0] =	vst v0  }
0x24: {  	[tilespmem:s22+$0xFFFFFFF0] =	vst v0  }
0x25: {  	[tilespmem:s22+$0xFFFFFFE0] =	vst v0  }
0x26: {  	[tilespmem:s22+$0xFFFFFFD0] =	vst v0;
	s22 =	simm.s32 $0x0  }
.LBB2_5:
0x27: {  	s23 =	smul.u32 $0x1900, s22;
	_ =	sdelay $0x1  }
0x28: {  	s23 =	sshrl.u32 s23, $0x3  }
0x29: {  	s23 =	sadd.s32 s4, s23  }
0x2a: {  	s24 =	sadd.s32 $0x190, s23  }
0x2b: {  	[tilespmem:s14], [sflag:$0x2] =	stream.linear.gather [hbm4b:s24+s2], $0xC80, $0x38;
	[tilespmem:$0x1F900] =	vst v63  }
0x2c: {  	_ =	swait.ge [sflag:s15], $0xC80  }
0x2d: {  	[sflag:s15] =	ssyncset.done $0x0  }
0x2e: {  	s31 =	simm.s32 $0x1E020;
	[sflag:s15] =	ssyncadd.s32 $0xFFFFF380  }
0x2f: {  	v1 =	vld [tilespmem:s31+$0x10];
	_ =	sdelay $0x3  }
0x30: {  	v2 =	vld [tilespmem:s31+$0xFFFFFFE0]  }
0x31: {  	v3 =	vld [tilespmem:s31+$0xFFFFFFF0];
	v4 =	vand.u32 $0x3FFF, v1;
	_ =	sdelay $0x3  }
0x32: {  	v5 =	vld [tilespmem:s31+$0x0];
	v6 =	vand.u32 $0x3FFF, v2  }
0x33: {  	v7 =	vand.u32 $0x3FFF, v3;
	v8 =	vld.idx.msk [tilespmem:v4+s2+$0x0], $0xffff  }
0x34: {  	v9 =	vshra.s32 v1, $0xE;
	v10 =	vadd.s32 $0x2800, v4  }
0x35: {  	v1 =	vand.u32 $0x7F, v1;
	v11 =	vadd.s32 $0xA000, v9;
	v10 =	vand.u32 $0x7F80, v10  }
0x36: {  	v10 =	vor.u32 v1, v10  }
0x37: {  	v12 =	vand.u32 $0x3FFF, v5;
	v13 =	vld.idx.msk [tilespmem:v6+s2+$0x0], $0xffff  }
0x38: {  	v19 =	vshra.s32 v2, $0xE;
	v14 =	vld.idx.msk [tilespmem:v7+s2+$0x0], $0xffff;
	v15 =	vshll.u32 v8, $0x10  }
0x39: {  	v16 =	vadd.s32 $0xA000, v19;
	v8 =	vand.u32 $0xFFFF0000, v8;
	[tilespmem:v9+s16+$0x0] =	vst.idx.add.f32.msk $0xffff, v15  }
0x3a: {  	v20 =	vshra.s32 v3, $0xE;
	[tilespmem:v11+s16+$0x0] =	vst.idx.add.f32.msk $0xffff, v8  }
0x3b: {  	v3 =	vand.u32 $0x7F, v3;
	v2 =	vand.u32 $0x7F, v2;
	v15 =	vadd.s32 $0xA000, v20;
	v10 =	vld.idx.msk [tilespmem:v10+s2+$0x0], $0xffff  }
0x3c: {  	v21 =	vadd.s32 $0x2800, v9;
	v22 =	vadd.s32 $0x5000, v4;
	v17 =	vld.idx.msk [tilespmem:v12+s2+$0x0], $0xffff;
	v18 =	vshll.u32 v13, $0x10  }
0x3d: {  	v22 =	vand.u32 $0xFF80, v22;
	v13 =	vand.u32 $0xFFFF0000, v13;
	[tilespmem:v19+s16+$0x0] =	vst.idx.add.f32.msk $0xffff, v18;
	v18 =	vadd.s32 $0xC800, v9  }
0x3e: {  	v23 =	vadd.s32 $0x2800, v6;
	v24 =	vshll.u32 v14, $0x10;
	[tilespmem:v16+s16+$0x0] =	vst.idx.add.f32.msk $0xffff, v13;
	v13 =	vor.u32 v1, v22  }
0x3f: {  	v54 =	vand.u32 $0x7F80, v23;
	v14 =	vand.u32 $0xFFFF0000, v14;
	[tilespmem:v20+s16+$0x0] =	vst.idx.add.f32.msk $0xffff, v24;
	v11 =	vshra.s32 v5, $0xE  }
0x40: {  	v8 =	vadd.s32 $0x2800, v7;
	[tilespmem:v15+s16+$0x0] =	vst.idx.add.f32.msk $0xffff, v14;
	v15 =	vor.u32 v2, v54;
	v14 =	vshll.u32 v10, $0x10  }
0x41: {  	v16 =	vadd.s32 $0x2800, v12;
	v5 =	vand.u32 $0x7F, v5;
	v10 =	vand.u32 $0xFFFF0000, v10;
	[tilespmem:v21+s16+$0x0] =	vst.idx.add.f32.msk $0xffff, v14  }
0x42: {  	v55 =	vadd.s32 $0xA000, v11;
	v8 =	vand.u32 $0x7F80, v8;
	v14 =	vand.u32 $0x7F80, v16;
	[tilespmem:v18+s16+$0x0] =	vst.idx.add.f32.msk $0xffff, v10  }
0x43: {  	v8 =	vor.u32 v3, v8;
	v10 =	vor.u32 v5, v14;
	v14 =	vshll.u32 v17, $0x10;
	v13 =	vld.idx.msk [tilespmem:v13+s2+$0x0], $0xffff  }
0x44: {  	[tilespmem:v11+s16+$0x0] =	vst.idx.add.f32.msk $0xffff, v14  }
0x45: {  	v14 =	vadd.s32 $0x5000, v9;
	v15 =	vld.idx.msk [tilespmem:v15+s2+$0x0], $0xffff  }
0x46: {  	v16 =	vand.u32 $0xFFFF0000, v17;
	v18 =	vadd.s32 $0x2800, v19  }
0x47: {  	v4 =	vadd.s32 $0x7800, v4;
	[tilespmem:v55+s16+$0x0] =	vst.idx.add.f32.msk $0xffff, v16;
	v16 =	vadd.s32 $0xF000, v9  }
0x48: {  	v57 =	vadd.s32 $0xC800, v19;
	v4 =	vand.u32 $0xFF80, v4;
	v8 =	vld.idx.msk [tilespmem:v8+s2+$0x0], $0xffff  }
0x49: {  	v1 =	vor.u32 v1, v4;
	v4 =	vadd.s32 $0x5000, v6;
	v10 =	vld.idx.msk [tilespmem:v10+s2+$0x0], $0xffff;
	v58 =	vshll.u32 v13, $0x10  }
0x4a: {  	v59 =	vadd.s32 $0x2800, v20;
	v4 =	vand.u32 $0xFF80, v4;
	v61 =	vshll.u32 v15, $0x10;
	[tilespmem:v14+s16+$0x0] =	vst.idx.add.f32.msk $0xffff, v58  }
0x4b: {  	v4 =	vor.u32 v2, v4;
	v13 =	vand.u32 $0xFFFF0000, v13;
	[tilespmem:v18+s16+$0x0] =	vst.idx.add.f32.msk $0xffff, v61  }
0x4c: {  	v60 =	vadd.s32 $0xC800, v20;
	v17 =	vadd.s32 $0x5000, v7;
	v15 =	vand.u32 $0xFFFF0000, v15;
	[tilespmem:v16+s16+$0x0] =	vst.idx.add.f32.msk $0xffff, v13  }
0x4d: {  	v14 =	vand.u32 $0xFF80, v17;
	v13 =	vadd.s32 $0x2800, v11;
	[tilespmem:v57+s16+$0x0] =	vst.idx.add.f32.msk $0xffff, v15  }
0x4e: {  	v16 =	vadd.s32 $0xC800, v11;
	v62 =	vor.u32 v3, v14;
	v14 =	vshll.u32 v8, $0x10;
	v1 =	vld.idx.msk [tilespmem:v1+s2+$0x0], $0xffff  }
0x4f: {  	v15 =	vadd.s32 $0x7800, v9;
	[tilespmem:v59+s16+$0x0] =	vst.idx.add.f32.msk $0xffff, v14  }
0x50: {  	v56 =	vadd.s32 $0x5000, v12;
	v6 =	vadd.s32 $0x7800, v6;
	v8 =	vand.u32 $0xFFFF0000, v8;
	v18 =	vld.idx.msk [tilespmem:v4+s2+$0x0], $0xffff  }
0x51: {  	v17 =	vand.u32 $0xFF80, v56;
	v9 =	vadd.s32 $0x11800, v9;
	v14 =	vshll.u32 v10, $0x10;
	[tilespmem:v60+s16+$0x0] =	vst.idx.add.f32.msk $0xffff, v8  }
0x52: {  	v63 =	vor.u32 v5, v17;
	v8 =	vadd.s32 $0x7800, v12;
	v10 =	vand.u32 $0xFFFF0000, v10;
	[tilespmem:v13+s16+$0x0] =	vst.idx.add.f32.msk $0xffff, v14  }
0x53: {  	v7 =	vadd.s32 $0x7800, v7;
	v12 =	vand.u32 $0xFF80, v8;
	[tilespmem:v16+s16+$0x0] =	vst.idx.add.f32.msk $0xffff, v10;
	v8 =	vshll.u32 v1, $0x10  }
0x54: {  	v6 =	vand.u32 $0xFF80, v6;
	v7 =	vand.u32 $0xFF80, v7;
	v17 =	vadd.s32 $0x5000, v19;
	[tilespmem:v15+s16+$0x0] =	vst.idx.add.f32.msk $0xffff, v8  }
0x55: {  	v1 =	vand.u32 $0xFFFF0000, v1;
	v8 =	vor.u32 v3, v7;
	v7 =	vor.u32 v5, v12;
	v12 =	vld.idx.msk [tilespmem:v62+s2+$0x0], $0xffff  }
0x56: {  	v4 =	vadd.s32 $0x11800, v20;
	v13 =	vadd.s32 $0x5000, v11;
	v10 =	vadd.s32 $0xF000, v11;
	[tilespmem:v9+s16+$0x0] =	vst.idx.add.f32.msk $0xffff, v1  }
0x57: {  	v9 =	vor.u32 v2, v6;
	v1 =	vadd.s32 $0x7800, v11;
	v2 =	vadd.s32 $0x11800, v11;
	v11 =	vld.idx.msk [tilespmem:v63+s2+$0x0], $0xffff  }
0x58: {  	v14 =	vadd.s32 $0x5000, v20;
	v16 =	vadd.s32 $0xF000, v19;
	v15 =	vadd.s32 $0xF000, v20  }
0x59: {  	s25 =	simm.s32 $0x1E060;
	s24 =	simm.s32 $0x0;
	v5 =	vadd.s32 $0x11800, v19;
	v3 =	vadd.s32 $0x7800, v20;
	v6 =	vadd.s32 $0x7800, v19  }
.LBB2_6:
0x5a: {  	v20 =	vld [tilespmem:s25+$0x10];
	v19 =	vshll.u32 v18, $0x10;
	v18 =	vand.u32 $0xFFFF0000, v18  }
0x5b: {  	v22 =	vshll.u32 v12, $0x10;
	v23 =	vand.u32 $0xFFFF0000, v12;
	v21 =	vld [tilespmem:s25+$0xFFFFFFF0]  }
0x5c: {  	v25 =	vshll.u32 v11, $0x10;
	v26 =	vand.u32 $0xFFFF0000, v11;
	v24 =	vld [tilespmem:s25+$0x0]  }
0x5d: {  	v27 =	vld [tilespmem:s25+$0xFFFFFFE0]  }
0x5e: {  	s24 =	sadd.s32 $0x4, s24;
	[tilespmem:v17+s16+$0x0] =	vst.idx.add.f32.msk $0xffff, v19  }
0x5f: {  	p1 =	slt.u32 s24, $0xC4;
	v28 =	vand.u32 $0x3FFF, v20;
	[tilespmem:v16+s16+$0x0] =	vst.idx.add.f32.msk $0xffff, v18  }
0x60: {  	v16 =	vand.u32 $0x3FFF, v21;
	v12 =	vshra.s32 v21, $0xE;
	v21 =	vand.u32 $0x7F, v21;
	[tilespmem:v14+s16+$0x0] =	vst.idx.add.f32.msk $0xffff, v22  }
0x61: {  	v14 =	vadd.s32 $0x2800, v16;
	v17 =	vand.u32 $0x3FFF, v24;
	v11 =	vshra.s32 v24, $0xE;
	[tilespmem:v15+s16+$0x0] =	vst.idx.add.f32.msk $0xffff, v23  }
0x62: {  	v15 =	vand.u32 $0x3FFF, v27;
	v19 =	vshra.s32 v27, $0xE;
	v18 =	vadd.s32 $0x2800, v17;
	[tilespmem:v13+s16+$0x0] =	vst.idx.add.f32.msk $0xffff, v25  }
0x63: {  	v14 =	vand.u32 $0x7F80, v14;
	v13 =	vadd.s32 $0x2800, v15;
	v22 =	vand.u32 $0x7F80, v18;
	[tilespmem:v10+s16+$0x0] =	vst.idx.add.f32.msk $0xffff, v26  }
0x64: {  	v23 =	vadd.s32 $0xA000, v12;
	v10 =	vadd.s32 $0xA000, v19;
	v13 =	vand.u32 $0x7F80, v13;
	v25 =	vld.idx.msk [tilespmem:v28+s2+$0x0], $0xffff  }
0x65: {  	v24 =	vand.u32 $0x7F, v24;
	v29 =	vadd.s32 $0xA000, v11;
	v26 =	vand.u32 $0x7F, v27;
	v27 =	vld.idx.msk [tilespmem:v16+s2+$0x0], $0xffff  }
0x66: {  	v31 =	vadd.s32 $0x2800, v28;
	v18 =	vshra.s32 v20, $0xE;
	v30 =	vor.u32 v26, v13;
	v13 =	vld.idx.msk [tilespmem:v17+s2+$0x0], $0xffff  }
0x67: {  	v31 =	vand.u32 $0x7F80, v31;
	v20 =	vand.u32 $0x7F, v20;
	v33 =	vadd.s32 $0xA000, v18;
	v32 =	vld.idx.msk [tilespmem:v15+s2+$0x0], $0xffff  }
0x68: {  	v34 =	vor.u32 v21, v14;
	v22 =	vor.u32 v24, v22;
	v14 =	vor.u32 v20, v31;
	v31 =	vld.idx.msk [tilespmem:v9+s2+$0x0], $0xffff  }
0x69: {  	v35 =	vadd.s32 $0x5000, v16;
	v36 =	vadd.s32 $0x5000, v17;
	v9 =	vadd.s32 $0x5000, v15;
	v37 =	vld.idx.msk [tilespmem:v8+s2+$0x0], $0xffff  }
0x6a: {  	v8 =	vand.u32 $0xFF80, v9;
	v9 =	vand.u32 $0xFF80, v35;
	v35 =	vshll.u32 v25, $0x10;
	v38 =	vld.idx.msk [tilespmem:v7+s2+$0x0], $0xffff  }
0x6b: {  	v25 =	vand.u32 $0xFFFF0000, v25;
	v7 =	vshll.u32 v27, $0x10;
	v27 =	vand.u32 $0xFFFF0000, v27;
	[tilespmem:v18+s16+$0x0] =	vst.idx.add.f32.msk $0xffff, v35  }
0x6c: {  	v36 =	vand.u32 $0xFF80, v36;
	v35 =	vshll.u32 v13, $0x10;
	v13 =	vand.u32 $0xFFFF0000, v13;
	[tilespmem:v33+s16+$0x0] =	vst.idx.add.f32.msk $0xffff, v25  }
0x6d: {  	v25 =	vshll.u32 v32, $0x10;
	v32 =	vand.u32 $0xFFFF0000, v32;
	v33 =	vadd.s32 $0x2800, v19;
	v14 =	vld.idx.msk [tilespmem:v14+s2+$0x0], $0xffff  }
0x6e: {  	v39 =	vadd.s32 $0x2800, v12;
	v40 =	vadd.s32 $0xC800, v12;
	[tilespmem:v19+s16+$0x0] =	vst.idx.add.f32.msk $0xffff, v25;
	v25 =	vadd.s32 $0xC800, v19  }
0x6f: {  	v41 =	vadd.s32 $0x5000, v28;
	[tilespmem:v10+s16+$0x0] =	vst.idx.add.f32.msk $0xffff, v32;
	v32 =	vadd.s32 $0x2800, v11;
	v10 =	vadd.s32 $0x2800, v18  }
0x70: {  	v41 =	vand.u32 $0xFF80, v41;
	v42 =	vadd.s32 $0xC800, v11;
	[tilespmem:v12+s16+$0x0] =	vst.idx.add.f32.msk $0xffff, v7;
	v7 =	vadd.s32 $0xC800, v18  }
0x71: {  	v43 =	vor.u32 v26, v8;
	v8 =	vadd.s32 $0x7800, v15;
	[tilespmem:v23+s16+$0x0] =	vst.idx.add.f32.msk $0xffff, v27;
	v23 =	vor.u32 v20, v41  }
0x72: {  	v27 =	vor.u32 v21, v9;
	v9 =	vadd.s32 $0x7800, v16;
	[tilespmem:v11+s16+$0x0] =	vst.idx.add.f32.msk $0xffff, v35;
	v35 =	vor.u32 v24, v36  }
0x73: {  	v8 =	vand.u32 $0xFF80, v8;
	v15 =	vshll.u32 v14, $0x10;
	[tilespmem:v29+s16+$0x0] =	vst.idx.add.f32.msk $0xffff, v13;
	v13 =	vadd.s32 $0x7800, v17  }
0x74: {  	v29 =	vand.u32 $0xFF80, v9;
	v9 =	vand.u32 $0xFFFF0000, v14;
	v36 =	vand.u32 $0xFF80, v13;
	[tilespmem:v10+s16+$0x0] =	vst.idx.add.f32.msk $0xffff, v15  }
0x75: {  	v16 =	vadd.s32 $0xF000, v19;
	v17 =	vadd.s32 $0x5000, v19;
	v14 =	vadd.s32 $0x5000, v12;
	[tilespmem:v7+s16+$0x0] =	vst.idx.add.f32.msk $0xffff, v9  }
0x76: {  	v15 =	vadd.s32 $0xF000, v12;
	v13 =	vadd.s32 $0x5000, v11;
	v10 =	vadd.s32 $0xF000, v11;
	v23 =	vld.idx.msk [tilespmem:v23+s2+$0x0], $0xffff  }
0x77: {  	v9 =	vor.u32 v26, v8;
	v8 =	vor.u32 v21, v29;
	v7 =	vor.u32 v24, v36;
	v30 =	vld.idx.msk [tilespmem:v30+s2+$0x0], $0xffff  }
0x78: {  	v24 =	vadd.s32 $0x5000, v18;
	v26 =	vadd.s32 $0x7800, v28;
	v28 =	vshll.u32 v31, $0x10;
	v21 =	vld.idx.msk [tilespmem:v34+s2+$0x0], $0xffff  }
0x79: {  	v29 =	vadd.s32 $0xF000, v18;
	v31 =	vand.u32 $0xFFFF0000, v31;
	v26 =	vand.u32 $0xFF80, v26;
	v22 =	vld.idx.msk [tilespmem:v22+s2+$0x0], $0xffff  }
0x7a: {  	v20 =	vor.u32 v20, v26;
	v26 =	vshll.u32 v37, $0x10;
	[tilespmem:v6+s16+$0x0] =	vst.idx.add.f32.msk $0xffff, v28;
	v28 =	vand.u32 $0xFFFF0000, v37  }
0x7b: {  	v34 =	vand.u32 $0xFFFF0000, v38;
	v6 =	vadd.s32 $0x7800, v19;
	[tilespmem:v5+s16+$0x0] =	vst.idx.add.f32.msk $0xffff, v31;
	v31 =	vshll.u32 v38, $0x10  }
0x7c: {  	v5 =	vadd.s32 $0x11800, v19;
	v19 =	vshll.u32 v23, $0x10;
	[tilespmem:v3+s16+$0x0] =	vst.idx.add.f32.msk $0xffff, v26;
	v3 =	vadd.s32 $0x7800, v12  }
0x7d: {  	v23 =	vand.u32 $0xFFFF0000, v23;
	v26 =	vshll.u32 v30, $0x10;
	v30 =	vand.u32 $0xFFFF0000, v30;
	[tilespmem:v24+s16+$0x0] =	vst.idx.add.f32.msk $0xffff, v19  }
0x7e: {  	v19 =	vshll.u32 v21, $0x10;
	v21 =	vand.u32 $0xFFFF0000, v21;
	v24 =	vadd.s32 $0x11800, v12;
	[tilespmem:v29+s16+$0x0] =	vst.idx.add.f32.msk $0xffff, v23  }
0x7f: {  	v12 =	vshll.u32 v22, $0x10;
	v22 =	vand.u32 $0xFFFF0000, v22;
	v23 =	vadd.s32 $0x7800, v11;
	v20 =	vld.idx.msk [tilespmem:v20+s2+$0x0], $0xffff  }
0x80: {  	[tilespmem:v33+s16+$0x0] =	vst.idx.add.f32.msk $0xffff, v26;
	v26 =	vadd.s32 $0x11800, v11  }
0x81: {  	v11 =	vadd.s32 $0x7800, v18;
	[tilespmem:v25+s16+$0x0] =	vst.idx.add.f32.msk $0xffff, v30  }
0x82: {  	v18 =	vadd.s32 $0x11800, v18;
	[tilespmem:v39+s16+$0x0] =	vst.idx.add.f32.msk $0xffff, v19  }
0x83: {  	[tilespmem:v40+s16+$0x0] =	vst.idx.add.f32.msk $0xffff, v21  }
0x84: {  	[tilespmem:v32+s16+$0x0] =	vst.idx.add.f32.msk $0xffff, v12  }
0x85: {  	v12 =	vshll.u32 v20, $0x10;
	[tilespmem:v42+s16+$0x0] =	vst.idx.add.f32.msk $0xffff, v22  }
0x86: {  	v19 =	vand.u32 $0xFFFF0000, v20;
	[tilespmem:v11+s16+$0x0] =	vst.idx.add.f32.msk $0xffff, v12  }
0x87: {  	[tilespmem:v18+s16+$0x0] =	vst.idx.add.f32.msk $0xffff, v19  }
0x88: {  	v18 =	vld.idx.msk [tilespmem:v43+s2+$0x0], $0xffff  }
.Ltmp1:
0x89: {  	v12 =	vld.idx.msk [tilespmem:v27+s2+$0x0], $0xffff;
	(pc) =	sbr.rel @p1 .LBB2_6-.Ltmp1, $4  }
0x8a: {  	v11 =	vld.idx.msk [tilespmem:v35+s2+$0x0], $0xffff  }
0x8b: {  	[tilespmem:v4+s16+$0x0] =	vst.idx.add.f32.msk $0xffff, v28;
	v4 =	vmov v24  }
0x8c: {  	[tilespmem:v1+s16+$0x0] =	vst.idx.add.f32.msk $0xffff, v31;
	v1 =	vmov v23  }
0x8d: {  	s25 =	sadd.s32 $0x40, s25;
	[tilespmem:v2+s16+$0x0] =	vst.idx.add.f32.msk $0xffff, v34;
	v2 =	vmov v26  }
0x8e: {  	_ =	sdelay $0x2  }
0x8f: {  	v19 =	vshll.u32 v18, $0x10  }
0x90: {  	v18 =	vand.u32 $0xFFFF0000, v18;
	[tilespmem:v17+s16+$0x0] =	vst.idx.add.f32.msk $0xffff, v19  }
0x91: {  	v17 =	vshll.u32 v12, $0x10;
	[tilespmem:v16+s16+$0x0] =	vst.idx.add.f32.msk $0xffff, v18  }
0x92: {  	v12 =	vand.u32 $0xFFFF0000, v12;
	[tilespmem:v14+s16+$0x0] =	vst.idx.add.f32.msk $0xffff, v17  }
0x93: {  	[tilespmem:v15+s16+$0x0] =	vst.idx.add.f32.msk $0xffff, v12  }
0x94: {  	v12 =	vshll.u32 v11, $0x10;
	v9 =	vld.idx.msk [tilespmem:v9+s2+$0x0], $0xffff  }
0x95: {  	[tilespmem:v13+s16+$0x0] =	vst.idx.add.f32.msk $0xffff, v12  }
0x96: {  	v11 =	vand.u32 $0xFFFF0000, v11;
	v8 =	vld.idx.msk [tilespmem:v8+s2+$0x0], $0xffff  }
0x97: {  	[tilespmem:v10+s16+$0x0] =	vst.idx.add.f32.msk $0xffff, v11  }
0x98: {  	v7 =	vld.idx.msk [tilespmem:v7+s2+$0x0], $0xffff  }
0x99: {  	v10 =	vshll.u32 v9, $0x10  }
0x9a: {  	v9 =	vand.u32 $0xFFFF0000, v9;
	[tilespmem:v6+s16+$0x0] =	vst.idx.add.f32.msk $0xffff, v10  }
0x9b: {  	v6 =	vshll.u32 v8, $0x10;
	[tilespmem:v5+s16+$0x0] =	vst.idx.add.f32.msk $0xffff, v9  }
0x9c: {  	v5 =	vand.u32 $0xFFFF0000, v8;
	[tilespmem:v3+s16+$0x0] =	vst.idx.add.f32.msk $0xffff, v6  }
0x9d: {  	v3 =	vshll.u32 v7, $0x10;
	[tilespmem:v4+s16+$0x0] =	vst.idx.add.f32.msk $0xffff, v5  }
0x9e: {  	v4 =	vand.u32 $0xFFFF0000, v7;
	[tilespmem:v1+s16+$0x0] =	vst.idx.add.f32.msk $0xffff, v3  }
0x9f: {  	s23 =	sadd.s32 $0x320, s23;
	[tilespmem:v2+s16+$0x0] =	vst.idx.add.f32.msk $0xffff, v4  }
0xa0: {  	[tilespmem:s10], [sflag:$0x1] =	stream.linear.gather [hbm4b:s23+s2], $0xC80, $0x38;
	[tilespmem:$0x1F900] =	vst v63  }
0xa1: {  	_ =	swait.ge [sflag:s17], $0xC80  }
0xa2: {  	[sflag:s17] =	ssyncset.done $0x0  }
0xa3: {  	s31 =	simm.s32 $0x1ECA0;
	[sflag:s17] =	ssyncadd.s32 $0xFFFFF380  }
0xa4: {  	v1 =	vld [tilespmem:s31+$0x10];
	_ =	sdelay $0x3  }
0xa5: {  	v2 =	vld [tilespmem:s31+$0xFFFFFFE0]  }
0xa6: {  	v3 =	vld [tilespmem:s31+$0xFFFFFFF0];
	v4 =	vand.u32 $0x3FFF, v1;
	_ =	sdelay $0x3  }
0xa7: {  	v5 =	vld [tilespmem:s31+$0x0];
	v6 =	vand.u32 $0x3FFF, v2  }
0xa8: {  	v7 =	vand.u32 $0x3FFF, v3;
	v8 =	vld.idx.msk [tilespmem:v4+s2+$0x0], $0xffff  }
0xa9: {  	v9 =	vshra.s32 v1, $0xE;
	v10 =	vadd.s32 $0x2800, v4  }
0xaa: {  	v1 =	vand.u32 $0x7F, v1;
	v11 =	vadd.s32 $0xA000, v9;
	v10 =	vand.u32 $0x7F80, v10  }
0xab: {  	v10 =	vor.u32 v1, v10  }
0xac: {  	v12 =	vand.u32 $0x3FFF, v5;
	v13 =	vld.idx.msk [tilespmem:v6+s2+$0x0], $0xffff  }
0xad: {  	v19 =	vshra.s32 v2, $0xE;
	v14 =	vld.idx.msk [tilespmem:v7+s2+$0x0], $0xffff;
	v15 =	vshll.u32 v8, $0x10  }
0xae: {  	v16 =	vadd.s32 $0xA000, v19;
	v8 =	vand.u32 $0xFFFF0000, v8;
	[tilespmem:v9+s16+$0x0] =	vst.idx.add.f32.msk $0xffff, v15  }
0xaf: {  	v20 =	vshra.s32 v3, $0xE;
	[tilespmem:v11+s16+$0x0] =	vst.idx.add.f32.msk $0xffff, v8  }
0xb0: {  	v3 =	vand.u32 $0x7F, v3;
	v2 =	vand.u32 $0x7F, v2;
	v15 =	vadd.s32 $0xA000, v20;
	v10 =	vld.idx.msk [tilespmem:v10+s2+$0x0], $0xffff  }
0xb1: {  	v21 =	vadd.s32 $0x2800, v9;
	v22 =	vadd.s32 $0x5000, v4;
	v17 =	vld.idx.msk [tilespmem:v12+s2+$0x0], $0xffff;
	v18 =	vshll.u32 v13, $0x10  }
0xb2: {  	v22 =	vand.u32 $0xFF80, v22;
	v13 =	vand.u32 $0xFFFF0000, v13;
	[tilespmem:v19+s16+$0x0] =	vst.idx.add.f32.msk $0xffff, v18;
	v18 =	vadd.s32 $0xC800, v9  }
0xb3: {  	v23 =	vadd.s32 $0x2800, v6;
	v24 =	vshll.u32 v14, $0x10;
	[tilespmem:v16+s16+$0x0] =	vst.idx.add.f32.msk $0xffff, v13;
	v13 =	vor.u32 v1, v22  }
0xb4: {  	v54 =	vand.u32 $0x7F80, v23;
	v14 =	vand.u32 $0xFFFF0000, v14;
	[tilespmem:v20+s16+$0x0] =	vst.idx.add.f32.msk $0xffff, v24;
	v11 =	vshra.s32 v5, $0xE  }
0xb5: {  	v8 =	vadd.s32 $0x2800, v7;
	[tilespmem:v15+s16+$0x0] =	vst.idx.add.f32.msk $0xffff, v14;
	v15 =	vor.u32 v2, v54;
	v14 =	vshll.u32 v10, $0x10  }
0xb6: {  	v16 =	vadd.s32 $0x2800, v12;
	v5 =	vand.u32 $0x7F, v5;
	v10 =	vand.u32 $0xFFFF0000, v10;
	[tilespmem:v21+s16+$0x0] =	vst.idx.add.f32.msk $0xffff, v14  }
0xb7: {  	v55 =	vadd.s32 $0xA000, v11;
	v8 =	vand.u32 $0x7F80, v8;
	v14 =	vand.u32 $0x7F80, v16;
	[tilespmem:v18+s16+$0x0] =	vst.idx.add.f32.msk $0xffff, v10  }
0xb8: {  	v8 =	vor.u32 v3, v8;
	v10 =	vor.u32 v5, v14;
	v14 =	vshll.u32 v17, $0x10;
	v13 =	vld.idx.msk [tilespmem:v13+s2+$0x0], $0xffff  }
0xb9: {  	[tilespmem:v11+s16+$0x0] =	vst.idx.add.f32.msk $0xffff, v14  }
0xba: {  	v14 =	vadd.s32 $0x5000, v9;
	v15 =	vld.idx.msk [tilespmem:v15+s2+$0x0], $0xffff  }
0xbb: {  	v16 =	vand.u32 $0xFFFF0000, v17;
	v18 =	vadd.s32 $0x2800, v19  }
0xbc: {  	v4 =	vadd.s32 $0x7800, v4;
	[tilespmem:v55+s16+$0x0] =	vst.idx.add.f32.msk $0xffff, v16;
	v16 =	vadd.s32 $0xF000, v9  }
0xbd: {  	v57 =	vadd.s32 $0xC800, v19;
	v4 =	vand.u32 $0xFF80, v4;
	v8 =	vld.idx.msk [tilespmem:v8+s2+$0x0], $0xffff  }
0xbe: {  	v1 =	vor.u32 v1, v4;
	v4 =	vadd.s32 $0x5000, v6;
	v10 =	vld.idx.msk [tilespmem:v10+s2+$0x0], $0xffff;
	v58 =	vshll.u32 v13, $0x10  }
0xbf: {  	v59 =	vadd.s32 $0x2800, v20;
	v4 =	vand.u32 $0xFF80, v4;
	v61 =	vshll.u32 v15, $0x10;
	[tilespmem:v14+s16+$0x0] =	vst.idx.add.f32.msk $0xffff, v58  }
0xc0: {  	v4 =	vor.u32 v2, v4;
	v13 =	vand.u32 $0xFFFF0000, v13;
	[tilespmem:v18+s16+$0x0] =	vst.idx.add.f32.msk $0xffff, v61  }
0xc1: {  	v60 =	vadd.s32 $0xC800, v20;
	v17 =	vadd.s32 $0x5000, v7;
	v15 =	vand.u32 $0xFFFF0000, v15;
	[tilespmem:v16+s16+$0x0] =	vst.idx.add.f32.msk $0xffff, v13  }
0xc2: {  	v14 =	vand.u32 $0xFF80, v17;
	v13 =	vadd.s32 $0x2800, v11;
	[tilespmem:v57+s16+$0x0] =	vst.idx.add.f32.msk $0xffff, v15  }
0xc3: {  	v16 =	vadd.s32 $0xC800, v11;
	v62 =	vor.u32 v3, v14;
	v14 =	vshll.u32 v8, $0x10;
	v1 =	vld.idx.msk [tilespmem:v1+s2+$0x0], $0xffff  }
0xc4: {  	v15 =	vadd.s32 $0x7800, v9;
	[tilespmem:v59+s16+$0x0] =	vst.idx.add.f32.msk $0xffff, v14  }
0xc5: {  	v56 =	vadd.s32 $0x5000, v12;
	v6 =	vadd.s32 $0x7800, v6;
	v8 =	vand.u32 $0xFFFF0000, v8;
	v18 =	vld.idx.msk [tilespmem:v4+s2+$0x0], $0xffff  }
0xc6: {  	v17 =	vand.u32 $0xFF80, v56;
	v9 =	vadd.s32 $0x11800, v9;
	v14 =	vshll.u32 v10, $0x10;
	[tilespmem:v60+s16+$0x0] =	vst.idx.add.f32.msk $0xffff, v8  }
0xc7: {  	v63 =	vor.u32 v5, v17;
	v8 =	vadd.s32 $0x7800, v12;
	v10 =	vand.u32 $0xFFFF0000, v10;
	[tilespmem:v13+s16+$0x0] =	vst.idx.add.f32.msk $0xffff, v14  }
0xc8: {  	v7 =	vadd.s32 $0x7800, v7;
	v12 =	vand.u32 $0xFF80, v8;
	[tilespmem:v16+s16+$0x0] =	vst.idx.add.f32.msk $0xffff, v10;
	v8 =	vshll.u32 v1, $0x10  }
0xc9: {  	v6 =	vand.u32 $0xFF80, v6;
	v7 =	vand.u32 $0xFF80, v7;
	v17 =	vadd.s32 $0x5000, v19;
	[tilespmem:v15+s16+$0x0] =	vst.idx.add.f32.msk $0xffff, v8  }
0xca: {  	v1 =	vand.u32 $0xFFFF0000, v1;
	v8 =	vor.u32 v3, v7;
	v7 =	vor.u32 v5, v12;
	v12 =	vld.idx.msk [tilespmem:v62+s2+$0x0], $0xffff  }
0xcb: {  	v4 =	vadd.s32 $0x11800, v20;
	v13 =	vadd.s32 $0x5000, v11;
	v10 =	vadd.s32 $0xF000, v11;
	[tilespmem:v9+s16+$0x0] =	vst.idx.add.f32.msk $0xffff, v1  }
0xcc: {  	v9 =	vor.u32 v2, v6;
	v2 =	vadd.s32 $0x7800, v11;
	v1 =	vadd.s32 $0x11800, v11;
	v11 =	vld.idx.msk [tilespmem:v63+s2+$0x0], $0xffff  }
0xcd: {  	v14 =	vadd.s32 $0x5000, v20;
	v16 =	vadd.s32 $0xF000, v19;
	v15 =	vadd.s32 $0xF000, v20  }
0xce: {  	s24 =	simm.s32 $0x1ECE0;
	s23 =	simm.s32 $0x0;
	v5 =	vadd.s32 $0x11800, v19;
	v3 =	vadd.s32 $0x7800, v20;
	v6 =	vadd.s32 $0x7800, v19  }
.LBB2_8:
0xcf: {  	v20 =	vld [tilespmem:s24+$0x10];
	v19 =	vshll.u32 v18, $0x10;
	v18 =	vand.u32 $0xFFFF0000, v18  }
0xd0: {  	v22 =	vshll.u32 v12, $0x10;
	v23 =	vand.u32 $0xFFFF0000, v12;
	v21 =	vld [tilespmem:s24+$0xFFFFFFF0]  }
0xd1: {  	v25 =	vshll.u32 v11, $0x10;
	v26 =	vand.u32 $0xFFFF0000, v11;
	v24 =	vld [tilespmem:s24+$0x0]  }
0xd2: {  	v27 =	vld [tilespmem:s24+$0xFFFFFFE0]  }
0xd3: {  	s23 =	sadd.s32 $0x4, s23;
	[tilespmem:v17+s16+$0x0] =	vst.idx.add.f32.msk $0xffff, v19  }
0xd4: {  	p1 =	slt.u32 s23, $0xC4;
	v28 =	vand.u32 $0x3FFF, v20;
	[tilespmem:v16+s16+$0x0] =	vst.idx.add.f32.msk $0xffff, v18  }
0xd5: {  	v16 =	vand.u32 $0x3FFF, v21;
	v12 =	vshra.s32 v21, $0xE;
	v21 =	vand.u32 $0x7F, v21;
	[tilespmem:v14+s16+$0x0] =	vst.idx.add.f32.msk $0xffff, v22  }
0xd6: {  	v14 =	vadd.s32 $0x2800, v16;
	v17 =	vand.u32 $0x3FFF, v24;
	v11 =	vshra.s32 v24, $0xE;
	[tilespmem:v15+s16+$0x0] =	vst.idx.add.f32.msk $0xffff, v23  }
0xd7: {  	v15 =	vand.u32 $0x3FFF, v27;
	v19 =	vshra.s32 v27, $0xE;
	v18 =	vadd.s32 $0x2800, v17;
	[tilespmem:v13+s16+$0x0] =	vst.idx.add.f32.msk $0xffff, v25  }
0xd8: {  	v14 =	vand.u32 $0x7F80, v14;
	v13 =	vadd.s32 $0x2800, v15;
	v22 =	vand.u32 $0x7F80, v18;
	[tilespmem:v10+s16+$0x0] =	vst.idx.add.f32.msk $0xffff, v26  }
0xd9: {  	v23 =	vadd.s32 $0xA000, v12;
	v10 =	vadd.s32 $0xA000, v19;
	v13 =	vand.u32 $0x7F80, v13;
	v25 =	vld.idx.msk [tilespmem:v28+s2+$0x0], $0xffff  }
0xda: {  	v24 =	vand.u32 $0x7F, v24;
	v29 =	vadd.s32 $0xA000, v11;
	v26 =	vand.u32 $0x7F, v27;
	v27 =	vld.idx.msk [tilespmem:v16+s2+$0x0], $0xffff  }
0xdb: {  	v31 =	vadd.s32 $0x2800, v28;
	v18 =	vshra.s32 v20, $0xE;
	v30 =	vor.u32 v26, v13;
	v13 =	vld.idx.msk [tilespmem:v17+s2+$0x0], $0xffff  }
0xdc: {  	v31 =	vand.u32 $0x7F80, v31;
	v20 =	vand.u32 $0x7F, v20;
	v33 =	vadd.s32 $0xA000, v18;
	v32 =	vld.idx.msk [tilespmem:v15+s2+$0x0], $0xffff  }
0xdd: {  	v34 =	vor.u32 v21, v14;
	v22 =	vor.u32 v24, v22;
	v14 =	vor.u32 v20, v31;
	v31 =	vld.idx.msk [tilespmem:v9+s2+$0x0], $0xffff  }
0xde: {  	v35 =	vadd.s32 $0x5000, v16;
	v36 =	vadd.s32 $0x5000, v17;
	v9 =	vadd.s32 $0x5000, v15;
	v37 =	vld.idx.msk [tilespmem:v8+s2+$0x0], $0xffff  }
0xdf: {  	v8 =	vand.u32 $0xFF80, v9;
	v9 =	vand.u32 $0xFF80, v35;
	v35 =	vshll.u32 v25, $0x10;
	v38 =	vld.idx.msk [tilespmem:v7+s2+$0x0], $0xffff  }
0xe0: {  	v25 =	vand.u32 $0xFFFF0000, v25;
	v7 =	vshll.u32 v27, $0x10;
	v27 =	vand.u32 $0xFFFF0000, v27;
	[tilespmem:v18+s16+$0x0] =	vst.idx.add.f32.msk $0xffff, v35  }
0xe1: {  	v36 =	vand.u32 $0xFF80, v36;
	v35 =	vshll.u32 v13, $0x10;
	v13 =	vand.u32 $0xFFFF0000, v13;
	[tilespmem:v33+s16+$0x0] =	vst.idx.add.f32.msk $0xffff, v25  }
0xe2: {  	v25 =	vshll.u32 v32, $0x10;
	v32 =	vand.u32 $0xFFFF0000, v32;
	v33 =	vadd.s32 $0x2800, v19;
	v14 =	vld.idx.msk [tilespmem:v14+s2+$0x0], $0xffff  }
0xe3: {  	v39 =	vadd.s32 $0x2800, v12;
	v40 =	vadd.s32 $0xC800, v12;
	[tilespmem:v19+s16+$0x0] =	vst.idx.add.f32.msk $0xffff, v25;
	v25 =	vadd.s32 $0xC800, v19  }
0xe4: {  	v41 =	vadd.s32 $0x5000, v28;
	[tilespmem:v10+s16+$0x0] =	vst.idx.add.f32.msk $0xffff, v32;
	v32 =	vadd.s32 $0x2800, v11;
	v10 =	vadd.s32 $0x2800, v18  }
0xe5: {  	v41 =	vand.u32 $0xFF80, v41;
	v42 =	vadd.s32 $0xC800, v11;
	[tilespmem:v12+s16+$0x0] =	vst.idx.add.f32.msk $0xffff, v7;
	v7 =	vadd.s32 $0xC800, v18  }
0xe6: {  	v43 =	vor.u32 v26, v8;
	v8 =	vadd.s32 $0x7800, v15;
	[tilespmem:v23+s16+$0x0] =	vst.idx.add.f32.msk $0xffff, v27;
	v23 =	vor.u32 v20, v41  }
0xe7: {  	v27 =	vor.u32 v21, v9;
	v9 =	vadd.s32 $0x7800, v16;
	[tilespmem:v11+s16+$0x0] =	vst.idx.add.f32.msk $0xffff, v35;
	v35 =	vor.u32 v24, v36  }
0xe8: {  	v8 =	vand.u32 $0xFF80, v8;
	v15 =	vshll.u32 v14, $0x10;
	[tilespmem:v29+s16+$0x0] =	vst.idx.add.f32.msk $0xffff, v13;
	v13 =	vadd.s32 $0x7800, v17  }
0xe9: {  	v29 =	vand.u32 $0xFF80, v9;
	v9 =	vand.u32 $0xFFFF0000, v14;
	v36 =	vand.u32 $0xFF80, v13;
	[tilespmem:v10+s16+$0x0] =	vst.idx.add.f32.msk $0xffff, v15  }
0xea: {  	v16 =	vadd.s32 $0xF000, v19;
	v17 =	vadd.s32 $0x5000, v19;
	v14 =	vadd.s32 $0x5000, v12;
	[tilespmem:v7+s16+$0x0] =	vst.idx.add.f32.msk $0xffff, v9  }
0xeb: {  	v15 =	vadd.s32 $0xF000, v12;
	v13 =	vadd.s32 $0x5000, v11;
	v10 =	vadd.s32 $0xF000, v11;
	v23 =	vld.idx.msk [tilespmem:v23+s2+$0x0], $0xffff  }
0xec: {  	v9 =	vor.u32 v26, v8;
	v8 =	vor.u32 v21, v29;
	v7 =	vor.u32 v24, v36;
	v30 =	vld.idx.msk [tilespmem:v30+s2+$0x0], $0xffff  }
0xed: {  	v24 =	vadd.s32 $0x5000, v18;
	v26 =	vadd.s32 $0x7800, v28;
	v28 =	vshll.u32 v31, $0x10;
	v21 =	vld.idx.msk [tilespmem:v34+s2+$0x0], $0xffff  }
0xee: {  	v29 =	vadd.s32 $0xF000, v18;
	v31 =	vand.u32 $0xFFFF0000, v31;
	v26 =	vand.u32 $0xFF80, v26;
	v22 =	vld.idx.msk [tilespmem:v22+s2+$0x0], $0xffff  }
0xef: {  	v20 =	vor.u32 v20, v26;
	v26 =	vshll.u32 v37, $0x10;
	[tilespmem:v6+s16+$0x0] =	vst.idx.add.f32.msk $0xffff, v28;
	v28 =	vand.u32 $0xFFFF0000, v37  }
0xf0: {  	v34 =	vand.u32 $0xFFFF0000, v38;
	v6 =	vadd.s32 $0x7800, v19;
	[tilespmem:v5+s16+$0x0] =	vst.idx.add.f32.msk $0xffff, v31;
	v31 =	vshll.u32 v38, $0x10  }
0xf1: {  	v5 =	vadd.s32 $0x11800, v19;
	v19 =	vshll.u32 v23, $0x10;
	[tilespmem:v3+s16+$0x0] =	vst.idx.add.f32.msk $0xffff, v26;
	v3 =	vadd.s32 $0x7800, v12  }
0xf2: {  	v23 =	vand.u32 $0xFFFF0000, v23;
	v26 =	vshll.u32 v30, $0x10;
	v30 =	vand.u32 $0xFFFF0000, v30;
	[tilespmem:v24+s16+$0x0] =	vst.idx.add.f32.msk $0xffff, v19  }
0xf3: {  	v19 =	vshll.u32 v21, $0x10;
	v21 =	vand.u32 $0xFFFF0000, v21;
	v24 =	vadd.s32 $0x11800, v12;
	[tilespmem:v29+s16+$0x0] =	vst.idx.add.f32.msk $0xffff, v23  }
0xf4: {  	v12 =	vshll.u32 v22, $0x10;
	v22 =	vand.u32 $0xFFFF0000, v22;
	v23 =	vadd.s32 $0x7800, v11;
	v20 =	vld.idx.msk [tilespmem:v20+s2+$0x0], $0xffff  }
0xf5: {  	[tilespmem:v33+s16+$0x0] =	vst.idx.add.f32.msk $0xffff, v26;
	v26 =	vadd.s32 $0x11800, v11  }
0xf6: {  	v11 =	vadd.s32 $0x7800, v18;
	[tilespmem:v25+s16+$0x0] =	vst.idx.add.f32.msk $0xffff, v30  }
0xf7: {  	v18 =	vadd.s32 $0x11800, v18;
	[tilespmem:v39+s16+$0x0] =	vst.idx.add.f32.msk $0xffff, v19  }
0xf8: {  	[tilespmem:v40+s16+$0x0] =	vst.idx.add.f32.msk $0xffff, v21  }
0xf9: {  	[tilespmem:v32+s16+$0x0] =	vst.idx.add.f32.msk $0xffff, v12  }
0xfa: {  	v12 =	vshll.u32 v20, $0x10;
	[tilespmem:v42+s16+$0x0] =	vst.idx.add.f32.msk $0xffff, v22  }
0xfb: {  	v19 =	vand.u32 $0xFFFF0000, v20;
	[tilespmem:v11+s16+$0x0] =	vst.idx.add.f32.msk $0xffff, v12  }
0xfc: {  	[tilespmem:v18+s16+$0x0] =	vst.idx.add.f32.msk $0xffff, v19  }
0xfd: {  	v18 =	vld.idx.msk [tilespmem:v43+s2+$0x0], $0xffff  }
.Ltmp2:
0xfe: {  	v12 =	vld.idx.msk [tilespmem:v27+s2+$0x0], $0xffff;
	(pc) =	sbr.rel @p1 .LBB2_8-.Ltmp2, $4  }
0xff: {  	v11 =	vld.idx.msk [tilespmem:v35+s2+$0x0], $0xffff  }
0x100: {  	[tilespmem:v4+s16+$0x0] =	vst.idx.add.f32.msk $0xffff, v28;
	v4 =	vmov v24  }
0x101: {  	[tilespmem:v2+s16+$0x0] =	vst.idx.add.f32.msk $0xffff, v31;
	v2 =	vmov v23  }
0x102: {  	s24 =	sadd.s32 $0x40, s24;
	[tilespmem:v1+s16+$0x0] =	vst.idx.add.f32.msk $0xffff, v34;
	v1 =	vmov v26  }
0x103: {  	_ =	sdelay $0x2  }
0x104: {  	v19 =	vshll.u32 v18, $0x10  }
0x105: {  	v56 =	vshll.u32 v12, $0x10;
	[tilespmem:v17+s16+$0x0] =	vst.idx.add.f32.msk $0xffff, v19  }
0x106: {  	v55 =	vand.u32 $0xFFFF0000, v18;
	[tilespmem:v14+s16+$0x0] =	vst.idx.add.f32.msk $0xffff, v56  }
0x107: {  	v57 =	vand.u32 $0xFFFF0000, v12;
	[tilespmem:v16+s16+$0x0] =	vst.idx.add.f32.msk $0xffff, v55  }
0x108: {  	[tilespmem:v15+s16+$0x0] =	vst.idx.add.f32.msk $0xffff, v57  }
0x109: {  	v9 =	vld.idx.msk [tilespmem:v9+s2+$0x0], $0xffff  }
0x10a: {  	v58 =	vshll.u32 v11, $0x10;
	v8 =	vld.idx.msk [tilespmem:v8+s2+$0x0], $0xffff  }
0x10b: {  	v59 =	vand.u32 $0xFFFF0000, v11;
	[tilespmem:v13+s16+$0x0] =	vst.idx.add.f32.msk $0xffff, v58  }
0x10c: {  	[tilespmem:v10+s16+$0x0] =	vst.idx.add.f32.msk $0xffff, v59  }
0x10d: {  	v7 =	vld.idx.msk [tilespmem:v7+s2+$0x0], $0xffff  }
0x10e: {  	s22 =	sadd.s32 $0x1, s22;
	v60 =	vshll.u32 v9, $0x10  }
0x10f: {  	p1 =	sne.s32 s22, $0x19;
	v61 =	vshll.u32 v8, $0x10;
	[tilespmem:v6+s16+$0x0] =	vst.idx.add.f32.msk $0xffff, v60  }
.Ltmp3:
0x110: {  	v9 =	vand.u32 $0xFFFF0000, v9;
	[tilespmem:v3+s16+$0x0] =	vst.idx.add.f32.msk $0xffff, v61;
	(pc) =	sbr.rel @p1 .LBB2_5-.Ltmp3, $4  }
0x111: {  	v62 =	vand.u32 $0xFFFF0000, v8;
	[tilespmem:v5+s16+$0x0] =	vst.idx.add.f32.msk $0xffff, v9  }
0x112: {  	v3 =	vshll.u32 v7, $0x10;
	[tilespmem:v4+s16+$0x0] =	vst.idx.add.f32.msk $0xffff, v62  }
0x113: {  	v63 =	vand.u32 $0xFFFF0000, v7;
	[tilespmem:v2+s16+$0x0] =	vst.idx.add.f32.msk $0xffff, v3  }
0x114: {  	[tilespmem:v1+s16+$0x0] =	vst.idx.add.f32.msk $0xffff, v63  }
0x115: {  	_ =	swait.ge [sflag:s15], $0xC80  }
0x116: {  	[sflag:s15] =	ssyncset.done $0x0  }
0x117: {  	s22 =	sadd.s32 s6, s21;
	s21 =	simm.s32 $0x80;
	[sflag:s15] =	ssyncadd.s32 $0xFFFFF380  }
0x118: {  	[hbm4b:s22+s21] =	stream.strided.scatter [tilespmem:s16], [sflag:$0x3], $0xA000, s12, s21, $0x38;
	[tilespmem:$0x1F900] =	vst v63  }
0x119: {  	s20 =	sor.u32 s7, s20;
	_ =	swait.ge [sflag:s13], $0xA000  }
0x11a: {  	s20 =	sshrl.u32 s20, $0x3;
	[sflag:s13] =	ssyncset.done $0x0  }
.Ltmp4:
0x11b: {  	s20 =	sadd.s32 s6, s20;
	[sflag:s13] =	ssyncadd.s32 $0xFFFF6000;
	(pc) =	sbr.rel @p0 .LBB2_2-.Ltmp4, $4  }
0x11c: {  	[hbm4b:s20+s21] =	stream.strided.scatter [tilespmem:s18], [sflag:$0x3], $0xA000, s12, s21, $0x38;
	[tilespmem:$0x1F900] =	vst v63  }
0x11d: {  	_ =	swait.ge [sflag:s13], $0xA000  }
0x11e: {  	[sflag:s13] =	ssyncset.done $0x0  }
0x11f: {  	p1 =	por $0x0, $0x0;
	[sflag:s13] =	ssyncadd.s32 $0xFFFF6000  }
0x120: {  	s19 =	sadd.s32 $0x1, s19  }
0x121: {  	p0 =	sne.s32 s19, s8  }
.Ltmp5:
0x122: {  	_ = 	snop;
	(pc) =	sbr.rel @p0 .LBB2_1-.Ltmp5, $1  }
0x123: {  	_ =	sdelay $0x3  }
0x124: {  	_ =	sfence.sel $0x180000  }
0x125: {  	[bflag:$0x0] =	sbarrier.arrive $0xFFFF  }
0x126: {  	p0 =	sne.s32 s1, $0x0;
	_ =	strace $0x9000004A  }
0x127: {  	s0 =	sadd.s32 @!p0 $0x100000, s0;
	[bflag:$0x2] =	sbarrier.arrive $0xFFFF  }
0x128: {  	[sflag:s0] =	ssyncadd.tile.s32 @!p0 $0x1;
	_ =	shalt  }
.Lfunc_end2:
_tile_overlayer_lowered:
.L_overlay_start_2:
0x129: {  	(tag) =	ssettag $0x2  }
0x12a: {  	s0 =	rddreg [dreg:$0x0];
	s2 =	stileid.u32  }
0x12b: {  	s1 =	rddreg [dreg:$0x1];
	p0 =	sne.s32 s2, $0x0  }
0x12c: {  	s3 =	rddreg [dreg:$0x2];
	[bflag:$0x3] =	sbarrier.arrive $0xFFFF;
	s2 =	simm.s32 @!p0 $0x1C03  }
0x12d: {  	[timem:s3], [sflag:s2] =	dma.local @!p0 [hbm:s0], s1  }
0x12e: {  	s0 =	simm.s32 @!p0 $0x3  }
0x12f: {  	_ =	swait.ge @!p0 [sflag:s0], s1  }
0x130: {  	s1 =	ssub.s32 @!p0 $0x0, s1;
	[sflag:s0] =	ssyncset.done @!p0 $0x0  }
0x131: {  	[sflag:s0] =	ssyncadd.s32 @!p0 s1  }
0x132: {  	[bflag:$0x3] =	sbarrier.arrive $0xFFFF  }
0x133: {  	_ =	shalt  }

// kernel: kernel.16.cloned.1.call-start
scs
__scs_entry_jumppad:
0x0: {  	(pc) =	sbr.rel $0x88, $3  }
0x1: {  	(tag) =	ssettag $0x0;
	lr =	simm.s32 $0x1  }
0x2: {  	[smem:$0x3F94] =	sst lr;
	_ =	strace $0xD0000000  }
0x3: {  	_ = 	snop  }
0x4: {  	_ = 	snop  }
0x5: {  	_ = 	snop  }
0x6: {  	_ = 	snop  }
0x7: {  	_ = 	snop  }
__scs_overlays_trampoline_lowered:
0x8: {  	[smem:$0x3FA3] =	sst s0  }
0x9: {  	[smem:$0x3FA4] =	sst s1  }
0xa: {  	[smem:$0x3FA5] =	sst s2  }
0xb: {  	[smem:$0x3FA6] =	sst s3  }
0xc: {  	[smem:$0x3FA7] =	sst s4  }
0xd: {  	[smem:$0x3FA8] =	sst s5  }
0xe: {  	[smem:$0x3FA9] =	sst s6  }
0xf: {  	[smem:$0x3FAA] =	sst s7  }
0x10: {  	[smem:$0x3FAB] =	sst s8  }
0x11: {  	[smem:$0x3FAC] =	sst s9;
	s0 =	simm.s32 @!p0 $0x0  }
0x12: {  	s1 =	sld [smem:$0x3F92];
	s0 =	simm.s32 @p0 $0x1  }
0x13: {  	[smem:$0x3FAD] =	sst s0;
	s0 =	simm.s32 @!p1 $0x0  }
0x14: {  	s2 =	sld [smem:$0x3F91];
	s0 =	simm.s32 @p1 $0x1  }
0x15: {  	[smem:$0x3FAE] =	sst s0;
	s0 =	simm.s32 @!p2 $0x0  }
0x16: {  	s3 =	sld [smem:$0x3FDB];
	s0 =	simm.s32 @p2 $0x1  }
0x17: {  	s4 =	simm.s32 $0x1BF5;
	[smem:$0x3FB0] =	sst s0  }
0x18: {  	s0 =	sld [smem:$0x3F93];
	_ =	swait.ge [sflag:s4], $0x0  }
0x19: {  	s7 =	sld [smem:$0x3F94]  }
0x1a: {  	s8 =	sadd.s32 $0xFFFFE003, lr  }
0x1b: {  	s9 =	sadd.s32 $0xFFFFFEF7, lr;
	s5 =	simm.s32 $0xFFFFFFFF;
	p2 =	slt.u32 s8, $0xFFFFF086  }
0x1c: {  	p1 =	slt.u32 s9, $0xF7A;
	s5 =	simm.s32 @!p2 $0x0  }
0x1d: {  	s5 =	simm.s32 @p1 $0x1;
	p0 =	seq.s32 s7, s2  }
0x1e: {  	s7 =	smul.u32 @!p0 $0xF7A, s2;
	p2 =	seq.s32 @!p0 s5, $0x0  }
0x1f: {  	s9 =	smul.u32 $0xF7A, s1;
	s8 =	simm.s32 @!p0 $0x1BF5;
	p2 =	por !p2, p0  }
0x20: {  	[sflag:s8] =	ssyncset.s32 @!p0 $0xFFFFF086;
	s6 =	sadd.s32 @!p0 s3, s7;
	s7 =	simm.s32 @!p0 $0x108  }
0x21: {  	s3 =	sadd.s32 s3, s9;
	s6 =	sadd.s32 @!p0 $0x88, s6;
	s7 =	simm.s32 @p2 $0x1082  }
0x22: {  	[simem:s7], [sflag:s8] =	dma.local @!p0 [hbm:s6], $0xF7A  }
0x23: {  	s9 =	sor.u32 $0xD0000000, s2;
	s6 =	simm.s32 $0x108;
	_ =	swait.ge @!p0 [sflag:s8], $0x0  }
0x24: {  	s3 =	sadd.s32 $0x88, s3;
	s6 =	simm.s32 @!p1 $0x1082;
	[sflag:s4] =	ssyncset.s32 $0xFFFFF086  }
0x25: {  	[simem:s6], [sflag:s4] =	dma.local [hbm:s3], $0xF7A  }
0x26: {  	[smem:$0x3F94] =	sst s1;
	(tag) =	ssettag s2;
	_ =	strace s9  }
0x27: {  	s1 =	sld [smem:$0x3FA4]  }
0x28: {  	s2 =	sld [smem:$0x3FA5]  }
0x29: {  	s4 =	sld [smem:$0x3FA7]  }
0x2a: {  	p0 =	seq.s32 s5, $0x0;
	s5 =	sld [smem:$0x3FA8]  }
0x2b: {  	s6 =	sld [smem:$0x3FA9]  }
0x2c: {  	s7 =	sld [smem:$0x3FAA]  }
0x2d: {  	s3 =	simm.s32 $0x108;
	s8 =	sld [smem:$0x3FAB]  }
0x2e: {  	s3 =	simm.s32 @!p0 $0x1082;
	s9 =	sld [smem:$0x3FAC]  }
0x2f: {  	lr =	sadd.s32 s0, s3;
	s0 =	sld [smem:$0x3FA3]  }
0x30: {  	s3 =	sld [smem:$0x3FA6]  }
0x31: {  	[smem:$0x3FAF] =	sst s10  }
0x32: {  	s10 =	sld [smem:$0x3FAD];
	_ =	sdelay $0x3  }
0x33: {  	p0 =	seq.s32 s10, $0x1;
	s10 =	sld [smem:$0x3FAF];
	_ =	sdelay $0x3  }
0x34: {  	[smem:$0x3FAF] =	sst s10  }
0x35: {  	s10 =	sld [smem:$0x3FAE];
	_ =	sdelay $0x3  }
0x36: {  	p1 =	seq.s32 s10, $0x1;
	s10 =	sld [smem:$0x3FAF];
	_ =	sdelay $0x3  }
0x37: {  	[smem:$0x3FAF] =	sst s10  }
0x38: {  	s10 =	sld [smem:$0x3FB0]  }
0x39: {  	_ = 	snop;
	(pc) =	sbr.ind lr, $3  }
0x3a: {  	_ = 	snop  }
0x3b: {  	_ = 	snop  }
0x3c: {  	p2 =	seq.s32 s10, $0x1;
	s10 =	sld [smem:$0x3FAF]  }
0x3d: {  	_ =	shalt  }
0x3e: {  	_ =	shalt  }
0x3f: {  	_ =	shalt  }
0x40: {  	_ =	shalt  }
0x41: {  	_ =	shalt  }
0x42: {  	_ =	shalt  }
0x43: {  	_ =	shalt  }
0x44: {  	_ =	shalt  }
0x45: {  	_ =	shalt  }
0x46: {  	_ =	shalt  }
0x47: {  	_ =	shalt  }
0x48: {  	_ =	shalt  }
0x49: {  	_ =	shalt  }
0x4a: {  	_ =	shalt  }
0x4b: {  	_ =	shalt  }
0x4c: {  	_ =	shalt  }
0x4d: {  	_ =	shalt  }
0x4e: {  	_ =	shalt  }
0x4f: {  	_ =	shalt  }
0x50: {  	_ =	shalt  }
0x51: {  	_ =	shalt  }
0x52: {  	_ =	shalt  }
0x53: {  	_ =	shalt  }
0x54: {  	_ =	shalt  }
0x55: {  	_ =	shalt  }
0x56: {  	_ =	shalt  }
0x57: {  	_ =	shalt  }
0x58: {  	_ =	shalt  }
0x59: {  	_ =	shalt  }
0x5a: {  	_ =	shalt  }
0x5b: {  	_ =	shalt  }
0x5c: {  	_ =	shalt  }
0x5d: {  	_ =	shalt  }
0x5e: {  	_ =	shalt  }
0x5f: {  	_ =	shalt  }
0x60: {  	_ =	shalt  }
0x61: {  	_ =	shalt  }
0x62: {  	_ =	shalt  }
0x63: {  	_ =	shalt  }
0x64: {  	_ =	shalt  }
0x65: {  	_ =	shalt  }
0x66: {  	_ =	shalt  }
0x67: {  	_ =	shalt  }
0x68: {  	_ =	shalt  }
0x69: {  	_ =	shalt  }
0x6a: {  	_ =	shalt  }
0x6b: {  	_ =	shalt  }
0x6c: {  	_ =	shalt  }
0x6d: {  	_ =	shalt  }
0x6e: {  	_ =	shalt  }
0x6f: {  	_ =	shalt  }
0x70: {  	_ =	shalt  }
0x71: {  	_ =	shalt  }
0x72: {  	_ =	shalt  }
0x73: {  	_ =	shalt  }
0x74: {  	_ =	shalt  }
0x75: {  	_ =	shalt  }
0x76: {  	_ =	shalt  }
0x77: {  	_ =	shalt  }
0x78: {  	_ =	shalt  }
0x79: {  	_ =	shalt  }
0x7a: {  	_ =	shalt  }
0x7b: {  	_ =	shalt  }
0x7c: {  	_ =	shalt  }
0x7d: {  	_ =	shalt  }
0x7e: {  	_ =	shalt  }
0x7f: {  	_ =	shalt  }
0x80: {  	_ =	shalt  }
0x81: {  	_ =	shalt  }
0x82: {  	_ =	shalt  }
0x83: {  	_ =	shalt  }
0x84: {  	_ =	shalt  }
0x85: {  	_ =	shalt  }
0x86: {  	_ =	shalt  }
0x87: {  	_ =	shalt  }
.Lfunc_end0:
.L_simem_size_0:
called_computation.2_lowered:
.L_overlay_start_0:
0x88: {  	s2 =	sld [smem:$0x3FD9]  }
0x89: {  	s3 =	sld [smem:$0x3FFE];
	_ =	sdelay $0x1  }
0x8a: {  	s1 =	srdreg.scid  }
0x8b: {  	s0 =	sand.u32 $0x1, s1  }
0x8c: {  	s16 =	sshll.u32 s0, $0xA;
	s2 =	sadd.s32 s3, s2  }
0x8d: {  	s2 =	sadd.s32 s2, s16  }
0x8e: {  	[smem:$0x3FBB] =	sst s2  }
0x8f: {  	_ = 	snop  }
0x90: {  	(tm) =	ssettm $0x1  }
0x91: {  	s17 =	sld [smem:$0x3FFB];
	_ =	sdelay $0x3  }
0x92: {  	_ =	strace s17  }
0x93: {  	s2 =	sld [smem:$0x3FFC];
	_ =	sdelay $0x3  }
0x94: {  	_ =	strace s2  }
0x95: {  	s2 =	sld [smem:$0x3FFD];
	_ =	sdelay $0x3  }
0x96: {  	_ =	strace s2  }
0x97: {  	_ =	strace $0x8FFFFFFF  }
0x98: {  	s18 =	sld [smem:$0x3FDB];
	_ =	sdelay $0x1  }
0x99: {  	s19 =	simm.s32 $_scs_section_size  }
0x9a: {  	s4 =	simm.s32 $_size__tile_overlayer_lowered;
	s5 =	simm.s32 $_tile_overlayer_lowered  }
0x9b: {  	s22 =	simm.s32 $0x1BFF;
	s21 =	sshll.u32 s5, $0x1;
	s2 =	sadd.s32 s19, s18  }
0x9c: {  	s6 =	simm.s32 $0x0;
	s20 =	sshll.u32 s4, $0x1;
	s4 =	sadd.s32 s21, s2  }
0x9d: {  	[timem:s6], [sflag:s22] =	dma.local [hbm:s4], s20  }
0x9e: {  	_ =	swait.ge [sflag:s22], s20  }
0x9f: {  	s3 =	ssub.s32 $0x0, s20;
	[sflag:s22] =	ssyncset.done $0x0  }
0xa0: {  	[sflag:s22] =	ssyncadd.s32 s3;
	_ =	sdelay $0x1  }
0xa1: {  	s23 =	simm.s32 $0x1B8B  }
0xa2: {  	_ =	swait.ge [sflag:s23], $0x1  }
0xa3: {  	[sflag:s23] =	ssyncset.done $0x0  }
0xa4: {  	s25 =	simm.s32 $0x1B8E;
	s24 =	sld [smem:$0x3FFE];
	[sflag:s23] =	ssyncadd.s32 $0xFFFFFFFF  }
0xa5: {  	s26 =	simm.s32 $execute0_lowered;
	[smem:$0x3FD2] =	sst s25  }
0xa6: {  	s4 =	sshll.u32 s26, $0x1;
	_ =	strace $0x8000004C;
	[dreg:$0x1] =	wrdreg $0xFFFFFFFF  }
0xa7: {  	s28 =	simm.s32 $_size_execute0_lowered;
	s2 =	sadd.s32 s2, s4;
	[dreg:$0x0] =	wrdreg $0x0  }
0xa8: {  	s4 =	sshll.u32 s28, $0x1;
	[dreg:$0x2] =	wrdreg s2  }
0xa9: {  	[dreg:$0x3] =	wrdreg s4  }
0xaa: {  	[dreg:$0x4] =	wrdreg $0xC0  }
0xab: {  	_ =	task [dreg:s6], $0x5FFFF  }
0xac: {  	[dreg:$0x1] =	wrdreg $0xFFFFFFFF  }
0xad: {  	[dreg:$0x0] =	wrdreg $0x60  }
0xae: {  	[dreg:$0x2] =	wrdreg s24  }
0xaf: {  	[dreg:$0x3] =	wrdreg $0x9  }
0xb0: {  	_ =	task.clear_ibuf [dreg:s6], $0x4FFFF;
	_ =	strace $0x9000004C  }
0xb1: {  	s29 =	simm.s32 $0x9;
	_ =	strace $0x8000004E  }
0xb2: {  	_ =	swait.ge [sflag:s29], $0x1  }
0xb3: {  	[sflag:s29] =	ssyncadd.s32 $0xFFFFFFFF  }
0xb4: {  	_ =	strace $0x9000004E  }
0xb5: {  	_ =	sfence  }
0xb6: {  	s30 =	sld [smem:$0x0];
	_ =	sdelay $0x2  }
0xb7: {  	s31 =	sshll.u32 s1, $0xD;
	s1 =	sshrl.u32 s1, $0x2  }
0xb8: {  	s3 =	sand.u32 $0x4000, s31;
	s1 =	sadd.s32 s1, s30  }
0xb9: {  	s0 =	sor.u32 s3, s0;
	s1 =	sshll.u32 s1, $0x11  }
0xba: {  	s0 =	sor.u32 s1, s0  }
0xbb: {  	s0 =	sadd.s32 $0x8F2B, s0  }
0xbc: {  	[sflag:s0] =	ssyncadd.remote.s32 $0x1  }
0xbd: {  	_ =	sfence.sel $0xFFFF  }
0xbe: {  	[dreg:$0x0] =	wrdreg $0xFFFFFFFF;
	(pc) =	sbr.abs _section_cstart, $3  }
0xbf: {  	[dreg:$0x1] =	wrdreg $0xFFFFFFFF  }
0xc0: {  	_ =	task.clear_ibuf [dreg:s6], $0x2FFFF;
	_ =	strace $0x9FFFFFFF  }
0xc1: {  	(tm) =	ssettm $0x7FFFFFFF  }
tec
execute0_lowered:
.L_overlay_start_1:
0x0: {  	(tag) =	ssettag $0x1  }
0x1: {  	s6 =	rddreg [dreg:$0x0]  }
0x2: {  	s0 =	rddreg [dreg:$0x1]  }
0x3: {  	s2 =	simm.s32 $0x0;
	s3 =	srdreg.scid;
	s1 =	stileid.u32  }
0x4: {  	s11 =	simm.s32 $0x80;
	s12 =	simm.s32 $0x400;
	s13 =	simm.s32 $0x3  }
0x5: {  	s14 =	simm.s32 $0x1EC80;
	s15 =	simm.s32 $0x1;
	s16 =	simm.s32 $0xA000  }
0x6: {  	s17 =	simm.s32 $0x2;
	s18 =	simm.s32 $0x14000;
	s19 =	simm.s32 $0x0  }
0x7: {  	[smem:$0x7FF] =	sst s2;
	s7 =	sand.u32 $0x1, s3;
	s3 =	sadd.s32 $0x17200, s6  }
0x8: {  	s5 =	sshrl.u32 s1, $0x1;
	s4 =	sadd.s32 $0x12200, s6;
	s6 =	sadd.s32 $0x67200, s6  }
0x9: {  	s31 =	sshll.u32 s1, $0x9;
	s8 =	ssub.s32 $0x2, s7;
	s5 =	smul.u32 $0x50000, s5  }
0xa: {  	_ =	strace $0x8000004D;
	s10 =	sshll.u32 s7, $0x8;
	s9 =	sshrl.u32 s8, $0x1  }
0xb: {  	s8 =	ssub.s32 s8, s9;
	s7 =	sadd.s32 $0x280000, s5;
	s9 =	sand.u32 $0x200, s31  }
0xc: {  	v0 =	vimm.f32 $0.0e+00;
	s8 =	smax.u32 s8, $0x1;
	s9 =	sor.u32 s10, s9;
	s10 =	simm.s32 $0x1E000  }
.LBB2_1:
0xd: {  	p1 =	por $0x1, $0x1;
	s21 =	simm.s32 $0x0  }
.LBB2_2:
0xe: {  	[tilespmem:s10], [sflag:$0x1] =	stream.linear.gather [hbm4b:s4+s2], $0xC80, $0x38;
	[tilespmem:$0x1F900] =	vst v63  }
0xf: {  	s20 =	sor.u32 s9, s21  }
0x10: {  	s21 =	sor.u32 s5, s20  }
0x11: {  	s21 =	sshrl.u32 s21, $0x3  }
0x12: {  	s22 =	sadd.s32 s3, s21  }
0x13: {  	[tilespmem:s2], [sflag:$0x3] =	stream.strided.gather [hbm4b:s22+s11], $0xA000, s12, s11, $0x38;
	[tilespmem:$0x1F900] =	vst v63  }
0x14: {  	_ =	swait.ge [sflag:s13], $0xA000  }
0x15: {  	[sflag:s13] =	ssyncset.done $0x0  }
0x16: {  	s22 =	simm.s32 $0xA040;
	[sflag:s13] =	ssyncadd.s32 $0xFFFF6000  }
0x17: {  	[tilespmem:s22+$0xFFFFFFC0] =	vst v0  }
0x18: {  	[tilespmem:s22+$0x30] =	vst v0  }
0x19: {  	[tilespmem:s22+$0x20] =	vst v0  }
0x1a: {  	[tilespmem:s22+$0x10] =	vst v0  }
0x1b: {  	[tilespmem:s22+$0x0] =	vst v0  }
0x1c: {  	[tilespmem:s22+$0xFFFFFFF0] =	vst v0  }
0x1d: {  	p0 =	por p1, p1;
	s23 =	simm.s32 $0x0;
	[tilespmem:s22+$0xFFFFFFE0] =	vst v0  }
.LBB2_3:
0x1e: {  	s23 =	sadd.s32 $0x8, s23;
	[tilespmem:s22+$0xFFFFFFD0] =	vst v0;
	s22 =	sadd.s32 $0x80, s22  }
0x1f: {  	[tilespmem:s22+$0xFFFFFFC0] =	vst v0;
	p1 =	slt.u32 s23, $0x13F8  }
0x20: {  	[tilespmem:s22+$0x30] =	vst v0  }
.Ltmp0:
0x21: {  	[tilespmem:s22+$0x20] =	vst v0;
	(pc) =	sbr.rel @p1 .LBB2_3-.Ltmp0, $4  }
0x22: {  	[tilespmem:s22+$0x10] =	vst v0  }
0x23: {  	[tilespmem:s22+$0x0] =	vst v0  }
0x24: {  	[tilespmem:s22+$0xFFFFFFF0] =	vst v0  }
0x25: {  	[tilespmem:s22+$0xFFFFFFE0] =	vst v0  }
0x26: {  	[tilespmem:s22+$0xFFFFFFD0] =	vst v0;
	s22 =	simm.s32 $0x0  }
.LBB2_5:
0x27: {  	s23 =	smul.u32 $0x1900, s22;
	_ =	sdelay $0x1  }
0x28: {  	s23 =	sshrl.u32 s23, $0x3  }
0x29: {  	s23 =	sadd.s32 s4, s23  }
0x2a: {  	s24 =	sadd.s32 $0x190, s23  }
0x2b: {  	[tilespmem:s14], [sflag:$0x2] =	stream.linear.gather [hbm4b:s24+s2], $0xC80, $0x38;
	[tilespmem:$0x1F900] =	vst v63  }
0x2c: {  	_ =	swait.ge [sflag:s15], $0xC80  }
0x2d: {  	[sflag:s15] =	ssyncset.done $0x0  }
0x2e: {  	s31 =	simm.s32 $0x1E020;
	[sflag:s15] =	ssyncadd.s32 $0xFFFFF380  }
0x2f: {  	v1 =	vld [tilespmem:s31+$0x10];
	_ =	sdelay $0x3  }
0x30: {  	v2 =	vld [tilespmem:s31+$0xFFFFFFE0]  }
0x31: {  	v3 =	vld [tilespmem:s31+$0xFFFFFFF0];
	v4 =	vand.u32 $0x3FFF, v1;
	_ =	sdelay $0x3  }
0x32: {  	v5 =	vld [tilespmem:s31+$0x0];
	v6 =	vand.u32 $0x3FFF, v2  }
0x33: {  	v7 =	vand.u32 $0x3FFF, v3;
	v8 =	vld.idx.msk [tilespmem:v4+s2+$0x0], $0xffff  }
0x34: {  	v9 =	vshra.s32 v1, $0xE;
	v10 =	vadd.s32 $0x2800, v4  }
0x35: {  	v1 =	vand.u32 $0x7F, v1;
	v11 =	vadd.s32 $0xA000, v9;
	v10 =	vand.u32 $0x7F80, v10  }
0x36: {  	v10 =	vor.u32 v1, v10  }
0x37: {  	v12 =	vand.u32 $0x3FFF, v5;
	v13 =	vld.idx.msk [tilespmem:v6+s2+$0x0], $0xffff  }
0x38: {  	v19 =	vshra.s32 v2, $0xE;
	v14 =	vld.idx.msk [tilespmem:v7+s2+$0x0], $0xffff;
	v15 =	vshll.u32 v8, $0x10  }
0x39: {  	v16 =	vadd.s32 $0xA000, v19;
	v8 =	vand.u32 $0xFFFF0000, v8;
	[tilespmem:v9+s16+$0x0] =	vst.idx.add.f32.msk $0xffff, v15  }
0x3a: {  	v20 =	vshra.s32 v3, $0xE;
	[tilespmem:v11+s16+$0x0] =	vst.idx.add.f32.msk $0xffff, v8  }
0x3b: {  	v3 =	vand.u32 $0x7F, v3;
	v2 =	vand.u32 $0x7F, v2;
	v15 =	vadd.s32 $0xA000, v20;
	v10 =	vld.idx.msk [tilespmem:v10+s2+$0x0], $0xffff  }
0x3c: {  	v21 =	vadd.s32 $0x2800, v9;
	v22 =	vadd.s32 $0x5000, v4;
	v17 =	vld.idx.msk [tilespmem:v12+s2+$0x0], $0xffff;
	v18 =	vshll.u32 v13, $0x10  }
0x3d: {  	v22 =	vand.u32 $0xFF80, v22;
	v13 =	vand.u32 $0xFFFF0000, v13;
	[tilespmem:v19+s16+$0x0] =	vst.idx.add.f32.msk $0xffff, v18;
	v18 =	vadd.s32 $0xC800, v9  }
0x3e: {  	v23 =	vadd.s32 $0x2800, v6;
	v24 =	vshll.u32 v14, $0x10;
	[tilespmem:v16+s16+$0x0] =	vst.idx.add.f32.msk $0xffff, v13;
	v13 =	vor.u32 v1, v22  }
0x3f: {  	v54 =	vand.u32 $0x7F80, v23;
	v14 =	vand.u32 $0xFFFF0000, v14;
	[tilespmem:v20+s16+$0x0] =	vst.idx.add.f32.msk $0xffff, v24;
	v11 =	vshra.s32 v5, $0xE  }
0x40: {  	v8 =	vadd.s32 $0x2800, v7;
	[tilespmem:v15+s16+$0x0] =	vst.idx.add.f32.msk $0xffff, v14;
	v15 =	vor.u32 v2, v54;
	v14 =	vshll.u32 v10, $0x10  }
0x41: {  	v16 =	vadd.s32 $0x2800, v12;
	v5 =	vand.u32 $0x7F, v5;
	v10 =	vand.u32 $0xFFFF0000, v10;
	[tilespmem:v21+s16+$0x0] =	vst.idx.add.f32.msk $0xffff, v14  }
0x42: {  	v55 =	vadd.s32 $0xA000, v11;
	v8 =	vand.u32 $0x7F80, v8;
	v14 =	vand.u32 $0x7F80, v16;
	[tilespmem:v18+s16+$0x0] =	vst.idx.add.f32.msk $0xffff, v10  }
0x43: {  	v8 =	vor.u32 v3, v8;
	v10 =	vor.u32 v5, v14;
	v14 =	vshll.u32 v17, $0x10;
	v13 =	vld.idx.msk [tilespmem:v13+s2+$0x0], $0xffff  }
0x44: {  	[tilespmem:v11+s16+$0x0] =	vst.idx.add.f32.msk $0xffff, v14  }
0x45: {  	v14 =	vadd.s32 $0x5000, v9;
	v15 =	vld.idx.msk [tilespmem:v15+s2+$0x0], $0xffff  }
0x46: {  	v16 =	vand.u32 $0xFFFF0000, v17;
	v18 =	vadd.s32 $0x2800, v19  }
0x47: {  	v4 =	vadd.s32 $0x7800, v4;
	[tilespmem:v55+s16+$0x0] =	vst.idx.add.f32.msk $0xffff, v16;
	v16 =	vadd.s32 $0xF000, v9  }
0x48: {  	v57 =	vadd.s32 $0xC800, v19;
	v4 =	vand.u32 $0xFF80, v4;
	v8 =	vld.idx.msk [tilespmem:v8+s2+$0x0], $0xffff  }
0x49: {  	v1 =	vor.u32 v1, v4;
	v4 =	vadd.s32 $0x5000, v6;
	v10 =	vld.idx.msk [tilespmem:v10+s2+$0x0], $0xffff;
	v58 =	vshll.u32 v13, $0x10  }
0x4a: {  	v59 =	vadd.s32 $0x2800, v20;
	v4 =	vand.u32 $0xFF80, v4;
	v61 =	vshll.u32 v15, $0x10;
	[tilespmem:v14+s16+$0x0] =	vst.idx.add.f32.msk $0xffff, v58  }
0x4b: {  	v4 =	vor.u32 v2, v4;
	v13 =	vand.u32 $0xFFFF0000, v13;
	[tilespmem:v18+s16+$0x0] =	vst.idx.add.f32.msk $0xffff, v61  }
0x4c: {  	v60 =	vadd.s32 $0xC800, v20;
	v17 =	vadd.s32 $0x5000, v7;
	v15 =	vand.u32 $0xFFFF0000, v15;
	[tilespmem:v16+s16+$0x0] =	vst.idx.add.f32.msk $0xffff, v13  }
0x4d: {  	v14 =	vand.u32 $0xFF80, v17;
	v13 =	vadd.s32 $0x2800, v11;
	[tilespmem:v57+s16+$0x0] =	vst.idx.add.f32.msk $0xffff, v15  }
0x4e: {  	v16 =	vadd.s32 $0xC800, v11;
	v62 =	vor.u32 v3, v14;
	v14 =	vshll.u32 v8, $0x10;
	v1 =	vld.idx.msk [tilespmem:v1+s2+$0x0], $0xffff  }
0x4f: {  	v15 =	vadd.s32 $0x7800, v9;
	[tilespmem:v59+s16+$0x0] =	vst.idx.add.f32.msk $0xffff, v14  }
0x50: {  	v56 =	vadd.s32 $0x5000, v12;
	v6 =	vadd.s32 $0x7800, v6;
	v8 =	vand.u32 $0xFFFF0000, v8;
	v18 =	vld.idx.msk [tilespmem:v4+s2+$0x0], $0xffff  }
0x51: {  	v17 =	vand.u32 $0xFF80, v56;
	v9 =	vadd.s32 $0x11800, v9;
	v14 =	vshll.u32 v10, $0x10;
	[tilespmem:v60+s16+$0x0] =	vst.idx.add.f32.msk $0xffff, v8  }
0x52: {  	v63 =	vor.u32 v5, v17;
	v8 =	vadd.s32 $0x7800, v12;
	v10 =	vand.u32 $0xFFFF0000, v10;
	[tilespmem:v13+s16+$0x0] =	vst.idx.add.f32.msk $0xffff, v14  }
0x53: {  	v7 =	vadd.s32 $0x7800, v7;
	v12 =	vand.u32 $0xFF80, v8;
	[tilespmem:v16+s16+$0x0] =	vst.idx.add.f32.msk $0xffff, v10;
	v8 =	vshll.u32 v1, $0x10  }
0x54: {  	v6 =	vand.u32 $0xFF80, v6;
	v7 =	vand.u32 $0xFF80, v7;
	v17 =	vadd.s32 $0x5000, v19;
	[tilespmem:v15+s16+$0x0] =	vst.idx.add.f32.msk $0xffff, v8  }
0x55: {  	v1 =	vand.u32 $0xFFFF0000, v1;
	v8 =	vor.u32 v3, v7;
	v7 =	vor.u32 v5, v12;
	v12 =	vld.idx.msk [tilespmem:v62+s2+$0x0], $0xffff  }
0x56: {  	v4 =	vadd.s32 $0x11800, v20;
	v13 =	vadd.s32 $0x5000, v11;
	v10 =	vadd.s32 $0xF000, v11;
	[tilespmem:v9+s16+$0x0] =	vst.idx.add.f32.msk $0xffff, v1  }
0x57: {  	v9 =	vor.u32 v2, v6;
	v1 =	vadd.s32 $0x7800, v11;
	v2 =	vadd.s32 $0x11800, v11;
	v11 =	vld.idx.msk [tilespmem:v63+s2+$0x0], $0xffff  }
0x58: {  	v14 =	vadd.s32 $0x5000, v20;
	v16 =	vadd.s32 $0xF000, v19;
	v15 =	vadd.s32 $0xF000, v20  }
0x59: {  	s25 =	simm.s32 $0x1E060;
	s24 =	simm.s32 $0x0;
	v5 =	vadd.s32 $0x11800, v19;
	v3 =	vadd.s32 $0x7800, v20;
	v6 =	vadd.s32 $0x7800, v19  }
.LBB2_6:
0x5a: {  	v20 =	vld [tilespmem:s25+$0x10];
	v19 =	vshll.u32 v18, $0x10;
	v18 =	vand.u32 $0xFFFF0000, v18  }
0x5b: {  	v22 =	vshll.u32 v12, $0x10;
	v23 =	vand.u32 $0xFFFF0000, v12;
	v21 =	vld [tilespmem:s25+$0xFFFFFFF0]  }
0x5c: {  	v25 =	vshll.u32 v11, $0x10;
	v26 =	vand.u32 $0xFFFF0000, v11;
	v24 =	vld [tilespmem:s25+$0x0]  }
0x5d: {  	v27 =	vld [tilespmem:s25+$0xFFFFFFE0]  }
0x5e: {  	s24 =	sadd.s32 $0x4, s24;
	[tilespmem:v17+s16+$0x0] =	vst.idx.add.f32.msk $0xffff, v19  }
0x5f: {  	p1 =	slt.u32 s24, $0xC4;
	v28 =	vand.u32 $0x3FFF, v20;
	[tilespmem:v16+s16+$0x0] =	vst.idx.add.f32.msk $0xffff, v18  }
0x60: {  	v16 =	vand.u32 $0x3FFF, v21;
	v12 =	vshra.s32 v21, $0xE;
	v21 =	vand.u32 $0x7F, v21;
	[tilespmem:v14+s16+$0x0] =	vst.idx.add.f32.msk $0xffff, v22  }
0x61: {  	v14 =	vadd.s32 $0x2800, v16;
	v17 =	vand.u32 $0x3FFF, v24;
	v11 =	vshra.s32 v24, $0xE;
	[tilespmem:v15+s16+$0x0] =	vst.idx.add.f32.msk $0xffff, v23  }
0x62: {  	v15 =	vand.u32 $0x3FFF, v27;
	v19 =	vshra.s32 v27, $0xE;
	v18 =	vadd.s32 $0x2800, v17;
	[tilespmem:v13+s16+$0x0] =	vst.idx.add.f32.msk $0xffff, v25  }
0x63: {  	v14 =	vand.u32 $0x7F80, v14;
	v13 =	vadd.s32 $0x2800, v15;
	v22 =	vand.u32 $0x7F80, v18;
	[tilespmem:v10+s16+$0x0] =	vst.idx.add.f32.msk $0xffff, v26  }
0x64: {  	v23 =	vadd.s32 $0xA000, v12;
	v10 =	vadd.s32 $0xA000, v19;
	v13 =	vand.u32 $0x7F80, v13;
	v25 =	vld.idx.msk [tilespmem:v28+s2+$0x0], $0xffff  }
0x65: {  	v24 =	vand.u32 $0x7F, v24;
	v29 =	vadd.s32 $0xA000, v11;
	v26 =	vand.u32 $0x7F, v27;
	v27 =	vld.idx.msk [tilespmem:v16+s2+$0x0], $0xffff  }
0x66: {  	v31 =	vadd.s32 $0x2800, v28;
	v18 =	vshra.s32 v20, $0xE;
	v30 =	vor.u32 v26, v13;
	v13 =	vld.idx.msk [tilespmem:v17+s2+$0x0], $0xffff  }
0x67: {  	v31 =	vand.u32 $0x7F80, v31;
	v20 =	vand.u32 $0x7F, v20;
	v33 =	vadd.s32 $0xA000, v18;
	v32 =	vld.idx.msk [tilespmem:v15+s2+$0x0], $0xffff  }
0x68: {  	v34 =	vor.u32 v21, v14;
	v22 =	vor.u32 v24, v22;
	v14 =	vor.u32 v20, v31;
	v31 =	vld.idx.msk [tilespmem:v9+s2+$0x0], $0xffff  }
0x69: {  	v35 =	vadd.s32 $0x5000, v16;
	v36 =	vadd.s32 $0x5000, v17;
	v9 =	vadd.s32 $0x5000, v15;
	v37 =	vld.idx.msk [tilespmem:v8+s2+$0x0], $0xffff  }
0x6a: {  	v8 =	vand.u32 $0xFF80, v9;
	v9 =	vand.u32 $0xFF80, v35;
	v35 =	vshll.u32 v25, $0x10;
	v38 =	vld.idx.msk [tilespmem:v7+s2+$0x0], $0xffff  }
0x6b: {  	v25 =	vand.u32 $0xFFFF0000, v25;
	v7 =	vshll.u32 v27, $0x10;
	v27 =	vand.u32 $0xFFFF0000, v27;
	[tilespmem:v18+s16+$0x0] =	vst.idx.add.f32.msk $0xffff, v35  }
0x6c: {  	v36 =	vand.u32 $0xFF80, v36;
	v35 =	vshll.u32 v13, $0x10;
	v13 =	vand.u32 $0xFFFF0000, v13;
	[tilespmem:v33+s16+$0x0] =	vst.idx.add.f32.msk $0xffff, v25  }
0x6d: {  	v25 =	vshll.u32 v32, $0x10;
	v32 =	vand.u32 $0xFFFF0000, v32;
	v33 =	vadd.s32 $0x2800, v19;
	v14 =	vld.idx.msk [tilespmem:v14+s2+$0x0], $0xffff  }
0x6e: {  	v39 =	vadd.s32 $0x2800, v12;
	v40 =	vadd.s32 $0xC800, v12;
	[tilespmem:v19+s16+$0x0] =	vst.idx.add.f32.msk $0xffff, v25;
	v25 =	vadd.s32 $0xC800, v19  }
0x6f: {  	v41 =	vadd.s32 $0x5000, v28;
	[tilespmem:v10+s16+$0x0] =	vst.idx.add.f32.msk $0xffff, v32;
	v32 =	vadd.s32 $0x2800, v11;
	v10 =	vadd.s32 $0x2800, v18  }
0x70: {  	v41 =	vand.u32 $0xFF80, v41;
	v42 =	vadd.s32 $0xC800, v11;
	[tilespmem:v12+s16+$0x0] =	vst.idx.add.f32.msk $0xffff, v7;
	v7 =	vadd.s32 $0xC800, v18  }
0x71: {  	v43 =	vor.u32 v26, v8;
	v8 =	vadd.s32 $0x7800, v15;
	[tilespmem:v23+s16+$0x0] =	vst.idx.add.f32.msk $0xffff, v27;
	v23 =	vor.u32 v20, v41  }
0x72: {  	v27 =	vor.u32 v21, v9;
	v9 =	vadd.s32 $0x7800, v16;
	[tilespmem:v11+s16+$0x0] =	vst.idx.add.f32.msk $0xffff, v35;
	v35 =	vor.u32 v24, v36  }
0x73: {  	v8 =	vand.u32 $0xFF80, v8;
	v15 =	vshll.u32 v14, $0x10;
	[tilespmem:v29+s16+$0x0] =	vst.idx.add.f32.msk $0xffff, v13;
	v13 =	vadd.s32 $0x7800, v17  }
0x74: {  	v29 =	vand.u32 $0xFF80, v9;
	v9 =	vand.u32 $0xFFFF0000, v14;
	v36 =	vand.u32 $0xFF80, v13;
	[tilespmem:v10+s16+$0x0] =	vst.idx.add.f32.msk $0xffff, v15  }
0x75: {  	v16 =	vadd.s32 $0xF000, v19;
	v17 =	vadd.s32 $0x5000, v19;
	v14 =	vadd.s32 $0x5000, v12;
	[tilespmem:v7+s16+$0x0] =	vst.idx.add.f32.msk $0xffff, v9  }
0x76: {  	v15 =	vadd.s32 $0xF000, v12;
	v13 =	vadd.s32 $0x5000, v11;
	v10 =	vadd.s32 $0xF000, v11;
	v23 =	vld.idx.msk [tilespmem:v23+s2+$0x0], $0xffff  }
0x77: {  	v9 =	vor.u32 v26, v8;
	v8 =	vor.u32 v21, v29;
	v7 =	vor.u32 v24, v36;
	v30 =	vld.idx.msk [tilespmem:v30+s2+$0x0], $0xffff  }
0x78: {  	v24 =	vadd.s32 $0x5000, v18;
	v26 =	vadd.s32 $0x7800, v28;
	v28 =	vshll.u32 v31, $0x10;
	v21 =	vld.idx.msk [tilespmem:v34+s2+$0x0], $0xffff  }
0x79: {  	v29 =	vadd.s32 $0xF000, v18;
	v31 =	vand.u32 $0xFFFF0000, v31;
	v26 =	vand.u32 $0xFF80, v26;
	v22 =	vld.idx.msk [tilespmem:v22+s2+$0x0], $0xffff  }
0x7a: {  	v20 =	vor.u32 v20, v26;
	v26 =	vshll.u32 v37, $0x10;
	[tilespmem:v6+s16+$0x0] =	vst.idx.add.f32.msk $0xffff, v28;
	v28 =	vand.u32 $0xFFFF0000, v37  }
0x7b: {  	v34 =	vand.u32 $0xFFFF0000, v38;
	v6 =	vadd.s32 $0x7800, v19;
	[tilespmem:v5+s16+$0x0] =	vst.idx.add.f32.msk $0xffff, v31;
	v31 =	vshll.u32 v38, $0x10  }
0x7c: {  	v5 =	vadd.s32 $0x11800, v19;
	v19 =	vshll.u32 v23, $0x10;
	[tilespmem:v3+s16+$0x0] =	vst.idx.add.f32.msk $0xffff, v26;
	v3 =	vadd.s32 $0x7800, v12  }
0x7d: {  	v23 =	vand.u32 $0xFFFF0000, v23;
	v26 =	vshll.u32 v30, $0x10;
	v30 =	vand.u32 $0xFFFF0000, v30;
	[tilespmem:v24+s16+$0x0] =	vst.idx.add.f32.msk $0xffff, v19  }
0x7e: {  	v19 =	vshll.u32 v21, $0x10;
	v21 =	vand.u32 $0xFFFF0000, v21;
	v24 =	vadd.s32 $0x11800, v12;
	[tilespmem:v29+s16+$0x0] =	vst.idx.add.f32.msk $0xffff, v23  }
0x7f: {  	v12 =	vshll.u32 v22, $0x10;
	v22 =	vand.u32 $0xFFFF0000, v22;
	v23 =	vadd.s32 $0x7800, v11;
	v20 =	vld.idx.msk [tilespmem:v20+s2+$0x0], $0xffff  }
0x80: {  	[tilespmem:v33+s16+$0x0] =	vst.idx.add.f32.msk $0xffff, v26;
	v26 =	vadd.s32 $0x11800, v11  }
0x81: {  	v11 =	vadd.s32 $0x7800, v18;
	[tilespmem:v25+s16+$0x0] =	vst.idx.add.f32.msk $0xffff, v30  }
0x82: {  	v18 =	vadd.s32 $0x11800, v18;
	[tilespmem:v39+s16+$0x0] =	vst.idx.add.f32.msk $0xffff, v19  }
0x83: {  	[tilespmem:v40+s16+$0x0] =	vst.idx.add.f32.msk $0xffff, v21  }
0x84: {  	[tilespmem:v32+s16+$0x0] =	vst.idx.add.f32.msk $0xffff, v12  }
0x85: {  	v12 =	vshll.u32 v20, $0x10;
	[tilespmem:v42+s16+$0x0] =	vst.idx.add.f32.msk $0xffff, v22  }
0x86: {  	v19 =	vand.u32 $0xFFFF0000, v20;
	[tilespmem:v11+s16+$0x0] =	vst.idx.add.f32.msk $0xffff, v12  }
0x87: {  	[tilespmem:v18+s16+$0x0] =	vst.idx.add.f32.msk $0xffff, v19  }
0x88: {  	v18 =	vld.idx.msk [tilespmem:v43+s2+$0x0], $0xffff  }
.Ltmp1:
0x89: {  	v12 =	vld.idx.msk [tilespmem:v27+s2+$0x0], $0xffff;
	(pc) =	sbr.rel @p1 .LBB2_6-.Ltmp1, $4  }
0x8a: {  	v11 =	vld.idx.msk [tilespmem:v35+s2+$0x0], $0xffff  }
0x8b: {  	[tilespmem:v4+s16+$0x0] =	vst.idx.add.f32.msk $0xffff, v28;
	v4 =	vmov v24  }
0x8c: {  	[tilespmem:v1+s16+$0x0] =	vst.idx.add.f32.msk $0xffff, v31;
	v1 =	vmov v23  }
0x8d: {  	s25 =	sadd.s32 $0x40, s25;
	[tilespmem:v2+s16+$0x0] =	vst.idx.add.f32.msk $0xffff, v34;
	v2 =	vmov v26  }
0x8e: {  	_ =	sdelay $0x2  }
0x8f: {  	v19 =	vshll.u32 v18, $0x10  }
0x90: {  	v18 =	vand.u32 $0xFFFF0000, v18;
	[tilespmem:v17+s16+$0x0] =	vst.idx.add.f32.msk $0xffff, v19  }
0x91: {  	v17 =	vshll.u32 v12, $0x10;
	[tilespmem:v16+s16+$0x0] =	vst.idx.add.f32.msk $0xffff, v18  }
0x92: {  	v12 =	vand.u32 $0xFFFF0000, v12;
	[tilespmem:v14+s16+$0x0] =	vst.idx.add.f32.msk $0xffff, v17  }
0x93: {  	[tilespmem:v15+s16+$0x0] =	vst.idx.add.f32.msk $0xffff, v12  }
0x94: {  	v12 =	vshll.u32 v11, $0x10;
	v9 =	vld.idx.msk [tilespmem:v9+s2+$0x0], $0xffff  }
0x95: {  	[tilespmem:v13+s16+$0x0] =	vst.idx.add.f32.msk $0xffff, v12  }
0x96: {  	v11 =	vand.u32 $0xFFFF0000, v11;
	v8 =	vld.idx.msk [tilespmem:v8+s2+$0x0], $0xffff  }
0x97: {  	[tilespmem:v10+s16+$0x0] =	vst.idx.add.f32.msk $0xffff, v11  }
0x98: {  	v7 =	vld.idx.msk [tilespmem:v7+s2+$0x0], $0xffff  }
0x99: {  	v10 =	vshll.u32 v9, $0x10  }
0x9a: {  	v9 =	vand.u32 $0xFFFF0000, v9;
	[tilespmem:v6+s16+$0x0] =	vst.idx.add.f32.msk $0xffff, v10  }
0x9b: {  	v6 =	vshll.u32 v8, $0x10;
	[tilespmem:v5+s16+$0x0] =	vst.idx.add.f32.msk $0xffff, v9  }
0x9c: {  	v5 =	vand.u32 $0xFFFF0000, v8;
	[tilespmem:v3+s16+$0x0] =	vst.idx.add.f32.msk $0xffff, v6  }
0x9d: {  	v3 =	vshll.u32 v7, $0x10;
	[tilespmem:v4+s16+$0x0] =	vst.idx.add.f32.msk $0xffff, v5  }
0x9e: {  	v4 =	vand.u32 $0xFFFF0000, v7;
	[tilespmem:v1+s16+$0x0] =	vst.idx.add.f32.msk $0xffff, v3  }
0x9f: {  	s23 =	sadd.s32 $0x320, s23;
	[tilespmem:v2+s16+$0x0] =	vst.idx.add.f32.msk $0xffff, v4  }
0xa0: {  	[tilespmem:s10], [sflag:$0x1] =	stream.linear.gather [hbm4b:s23+s2], $0xC80, $0x38;
	[tilespmem:$0x1F900] =	vst v63  }
0xa1: {  	_ =	swait.ge [sflag:s17], $0xC80  }
0xa2: {  	[sflag:s17] =	ssyncset.done $0x0  }
0xa3: {  	s31 =	simm.s32 $0x1ECA0;
	[sflag:s17] =	ssyncadd.s32 $0xFFFFF380  }
0xa4: {  	v1 =	vld [tilespmem:s31+$0x10];
	_ =	sdelay $0x3  }
0xa5: {  	v2 =	vld [tilespmem:s31+$0xFFFFFFE0]  }
0xa6: {  	v3 =	vld [tilespmem:s31+$0xFFFFFFF0];
	v4 =	vand.u32 $0x3FFF, v1;
	_ =	sdelay $0x3  }
0xa7: {  	v5 =	vld [tilespmem:s31+$0x0];
	v6 =	vand.u32 $0x3FFF, v2  }
0xa8: {  	v7 =	vand.u32 $0x3FFF, v3;
	v8 =	vld.idx.msk [tilespmem:v4+s2+$0x0], $0xffff  }
0xa9: {  	v9 =	vshra.s32 v1, $0xE;
	v10 =	vadd.s32 $0x2800, v4  }
0xaa: {  	v1 =	vand.u32 $0x7F, v1;
	v11 =	vadd.s32 $0xA000, v9;
	v10 =	vand.u32 $0x7F80, v10  }
0xab: {  	v10 =	vor.u32 v1, v10  }
0xac: {  	v12 =	vand.u32 $0x3FFF, v5;
	v13 =	vld.idx.msk [tilespmem:v6+s2+$0x0], $0xffff  }
0xad: {  	v19 =	vshra.s32 v2, $0xE;
	v14 =	vld.idx.msk [tilespmem:v7+s2+$0x0], $0xffff;
	v15 =	vshll.u32 v8, $0x10  }
0xae: {  	v16 =	vadd.s32 $0xA000, v19;
	v8 =	vand.u32 $0xFFFF0000, v8;
	[tilespmem:v9+s16+$0x0] =	vst.idx.add.f32.msk $0xffff, v15  }
0xaf: {  	v20 =	vshra.s32 v3, $0xE;
	[tilespmem:v11+s16+$0x0] =	vst.idx.add.f32.msk $0xffff, v8  }
0xb0: {  	v3 =	vand.u32 $0x7F, v3;
	v2 =	vand.u32 $0x7F, v2;
	v15 =	vadd.s32 $0xA000, v20;
	v10 =	vld.idx.msk [tilespmem:v10+s2+$0x0], $0xffff  }
0xb1: {  	v21 =	vadd.s32 $0x2800, v9;
	v22 =	vadd.s32 $0x5000, v4;
	v17 =	vld.idx.msk [tilespmem:v12+s2+$0x0], $0xffff;
	v18 =	vshll.u32 v13, $0x10  }
0xb2: {  	v22 =	vand.u32 $0xFF80, v22;
	v13 =	vand.u32 $0xFFFF0000, v13;
	[tilespmem:v19+s16+$0x0] =	vst.idx.add.f32.msk $0xffff, v18;
	v18 =	vadd.s32 $0xC800, v9  }
0xb3: {  	v23 =	vadd.s32 $0x2800, v6;
	v24 =	vshll.u32 v14, $0x10;
	[tilespmem:v16+s16+$0x0] =	vst.idx.add.f32.msk $0xffff, v13;
	v13 =	vor.u32 v1, v22  }
0xb4: {  	v54 =	vand.u32 $0x7F80, v23;
	v14 =	vand.u32 $0xFFFF0000, v14;
	[tilespmem:v20+s16+$0x0] =	vst.idx.add.f32.msk $0xffff, v24;
	v11 =	vshra.s32 v5, $0xE  }
0xb5: {  	v8 =	vadd.s32 $0x2800, v7;
	[tilespmem:v15+s16+$0x0] =	vst.idx.add.f32.msk $0xffff, v14;
	v15 =	vor.u32 v2, v54;
	v14 =	vshll.u32 v10, $0x10  }
0xb6: {  	v16 =	vadd.s32 $0x2800, v12;
	v5 =	vand.u32 $0x7F, v5;
	v10 =	vand.u32 $0xFFFF0000, v10;
	[tilespmem:v21+s16+$0x0] =	vst.idx.add.f32.msk $0xffff, v14  }
0xb7: {  	v55 =	vadd.s32 $0xA000, v11;
	v8 =	vand.u32 $0x7F80, v8;
	v14 =	vand.u32 $0x7F80, v16;
	[tilespmem:v18+s16+$0x0] =	vst.idx.add.f32.msk $0xffff, v10  }
0xb8: {  	v8 =	vor.u32 v3, v8;
	v10 =	vor.u32 v5, v14;
	v14 =	vshll.u32 v17, $0x10;
	v13 =	vld.idx.msk [tilespmem:v13+s2+$0x0], $0xffff  }
0xb9: {  	[tilespmem:v11+s16+$0x0] =	vst.idx.add.f32.msk $0xffff, v14  }
0xba: {  	v14 =	vadd.s32 $0x5000, v9;
	v15 =	vld.idx.msk [tilespmem:v15+s2+$0x0], $0xffff  }
0xbb: {  	v16 =	vand.u32 $0xFFFF0000, v17;
	v18 =	vadd.s32 $0x2800, v19  }
0xbc: {  	v4 =	vadd.s32 $0x7800, v4;
	[tilespmem:v55+s16+$0x0] =	vst.idx.add.f32.msk $0xffff, v16;
	v16 =	vadd.s32 $0xF000, v9  }
0xbd: {  	v57 =	vadd.s32 $0xC800, v19;
	v4 =	vand.u32 $0xFF80, v4;
	v8 =	vld.idx.msk [tilespmem:v8+s2+$0x0], $0xffff  }
0xbe: {  	v1 =	vor.u32 v1, v4;
	v4 =	vadd.s32 $0x5000, v6;
	v10 =	vld.idx.msk [tilespmem:v10+s2+$0x0], $0xffff;
	v58 =	vshll.u32 v13, $0x10  }
0xbf: {  	v59 =	vadd.s32 $0x2800, v20;
	v4 =	vand.u32 $0xFF80, v4;
	v61 =	vshll.u32 v15, $0x10;
	[tilespmem:v14+s16+$0x0] =	vst.idx.add.f32.msk $0xffff, v58  }
0xc0: {  	v4 =	vor.u32 v2, v4;
	v13 =	vand.u32 $0xFFFF0000, v13;
	[tilespmem:v18+s16+$0x0] =	vst.idx.add.f32.msk $0xffff, v61  }
0xc1: {  	v60 =	vadd.s32 $0xC800, v20;
	v17 =	vadd.s32 $0x5000, v7;
	v15 =	vand.u32 $0xFFFF0000, v15;
	[tilespmem:v16+s16+$0x0] =	vst.idx.add.f32.msk $0xffff, v13  }
0xc2: {  	v14 =	vand.u32 $0xFF80, v17;
	v13 =	vadd.s32 $0x2800, v11;
	[tilespmem:v57+s16+$0x0] =	vst.idx.add.f32.msk $0xffff, v15  }
0xc3: {  	v16 =	vadd.s32 $0xC800, v11;
	v62 =	vor.u32 v3, v14;
	v14 =	vshll.u32 v8, $0x10;
	v1 =	vld.idx.msk [tilespmem:v1+s2+$0x0], $0xffff  }
0xc4: {  	v15 =	vadd.s32 $0x7800, v9;
	[tilespmem:v59+s16+$0x0] =	vst.idx.add.f32.msk $0xffff, v14  }
0xc5: {  	v56 =	vadd.s32 $0x5000, v12;
	v6 =	vadd.s32 $0x7800, v6;
	v8 =	vand.u32 $0xFFFF0000, v8;
	v18 =	vld.idx.msk [tilespmem:v4+s2+$0x0], $0xffff  }
0xc6: {  	v17 =	vand.u32 $0xFF80, v56;
	v9 =	vadd.s32 $0x11800, v9;
	v14 =	vshll.u32 v10, $0x10;
	[tilespmem:v60+s16+$0x0] =	vst.idx.add.f32.msk $0xffff, v8  }
0xc7: {  	v63 =	vor.u32 v5, v17;
	v8 =	vadd.s32 $0x7800, v12;
	v10 =	vand.u32 $0xFFFF0000, v10;
	[tilespmem:v13+s16+$0x0] =	vst.idx.add.f32.msk $0xffff, v14  }
0xc8: {  	v7 =	vadd.s32 $0x7800, v7;
	v12 =	vand.u32 $0xFF80, v8;
	[tilespmem:v16+s16+$0x0] =	vst.idx.add.f32.msk $0xffff, v10;
	v8 =	vshll.u32 v1, $0x10  }
0xc9: {  	v6 =	vand.u32 $0xFF80, v6;
	v7 =	vand.u32 $0xFF80, v7;
	v17 =	vadd.s32 $0x5000, v19;
	[tilespmem:v15+s16+$0x0] =	vst.idx.add.f32.msk $0xffff, v8  }
0xca: {  	v1 =	vand.u32 $0xFFFF0000, v1;
	v8 =	vor.u32 v3, v7;
	v7 =	vor.u32 v5, v12;
	v12 =	vld.idx.msk [tilespmem:v62+s2+$0x0], $0xffff  }
0xcb: {  	v4 =	vadd.s32 $0x11800, v20;
	v13 =	vadd.s32 $0x5000, v11;
	v10 =	vadd.s32 $0xF000, v11;
	[tilespmem:v9+s16+$0x0] =	vst.idx.add.f32.msk $0xffff, v1  }
0xcc: {  	v9 =	vor.u32 v2, v6;
	v2 =	vadd.s32 $0x7800, v11;
	v1 =	vadd.s32 $0x11800, v11;
	v11 =	vld.idx.msk [tilespmem:v63+s2+$0x0], $0xffff  }
0xcd: {  	v14 =	vadd.s32 $0x5000, v20;
	v16 =	vadd.s32 $0xF000, v19;
	v15 =	vadd.s32 $0xF000, v20  }
0xce: {  	s24 =	simm.s32 $0x1ECE0;
	s23 =	simm.s32 $0x0;
	v5 =	vadd.s32 $0x11800, v19;
	v3 =	vadd.s32 $0x7800, v20;
	v6 =	vadd.s32 $0x7800, v19  }
.LBB2_8:
0xcf: {  	v20 =	vld [tilespmem:s24+$0x10];
	v19 =	vshll.u32 v18, $0x10;
	v18 =	vand.u32 $0xFFFF0000, v18  }
0xd0: {  	v22 =	vshll.u32 v12, $0x10;
	v23 =	vand.u32 $0xFFFF0000, v12;
	v21 =	vld [tilespmem:s24+$0xFFFFFFF0]  }
0xd1: {  	v25 =	vshll.u32 v11, $0x10;
	v26 =	vand.u32 $0xFFFF0000, v11;
	v24 =	vld [tilespmem:s24+$0x0]  }
0xd2: {  	v27 =	vld [tilespmem:s24+$0xFFFFFFE0]  }
0xd3: {  	s23 =	sadd.s32 $0x4, s23;
	[tilespmem:v17+s16+$0x0] =	vst.idx.add.f32.msk $0xffff, v19  }
0xd4: {  	p1 =	slt.u32 s23, $0xC4;
	v28 =	vand.u32 $0x3FFF, v20;
	[tilespmem:v16+s16+$0x0] =	vst.idx.add.f32.msk $0xffff, v18  }
0xd5: {  	v16 =	vand.u32 $0x3FFF, v21;
	v12 =	vshra.s32 v21, $0xE;
	v21 =	vand.u32 $0x7F, v21;
	[tilespmem:v14+s16+$0x0] =	vst.idx.add.f32.msk $0xffff, v22  }
0xd6: {  	v14 =	vadd.s32 $0x2800, v16;
	v17 =	vand.u32 $0x3FFF, v24;
	v11 =	vshra.s32 v24, $0xE;
	[tilespmem:v15+s16+$0x0] =	vst.idx.add.f32.msk $0xffff, v23  }
0xd7: {  	v15 =	vand.u32 $0x3FFF, v27;
	v19 =	vshra.s32 v27, $0xE;
	v18 =	vadd.s32 $0x2800, v17;
	[tilespmem:v13+s16+$0x0] =	vst.idx.add.f32.msk $0xffff, v25  }
0xd8: {  	v14 =	vand.u32 $0x7F80, v14;
	v13 =	vadd.s32 $0x2800, v15;
	v22 =	vand.u32 $0x7F80, v18;
	[tilespmem:v10+s16+$0x0] =	vst.idx.add.f32.msk $0xffff, v26  }
0xd9: {  	v23 =	vadd.s32 $0xA000, v12;
	v10 =	vadd.s32 $0xA000, v19;
	v13 =	vand.u32 $0x7F80, v13;
	v25 =	vld.idx.msk [tilespmem:v28+s2+$0x0], $0xffff  }
0xda: {  	v24 =	vand.u32 $0x7F, v24;
	v29 =	vadd.s32 $0xA000, v11;
	v26 =	vand.u32 $0x7F, v27;
	v27 =	vld.idx.msk [tilespmem:v16+s2+$0x0], $0xffff  }
0xdb: {  	v31 =	vadd.s32 $0x2800, v28;
	v18 =	vshra.s32 v20, $0xE;
	v30 =	vor.u32 v26, v13;
	v13 =	vld.idx.msk [tilespmem:v17+s2+$0x0], $0xffff  }
0xdc: {  	v31 =	vand.u32 $0x7F80, v31;
	v20 =	vand.u32 $0x7F, v20;
	v33 =	vadd.s32 $0xA000, v18;
	v32 =	vld.idx.msk [tilespmem:v15+s2+$0x0], $0xffff  }
0xdd: {  	v34 =	vor.u32 v21, v14;
	v22 =	vor.u32 v24, v22;
	v14 =	vor.u32 v20, v31;
	v31 =	vld.idx.msk [tilespmem:v9+s2+$0x0], $0xffff  }
0xde: {  	v35 =	vadd.s32 $0x5000, v16;
	v36 =	vadd.s32 $0x5000, v17;
	v9 =	vadd.s32 $0x5000, v15;
	v37 =	vld.idx.msk [tilespmem:v8+s2+$0x0], $0xffff  }
0xdf: {  	v8 =	vand.u32 $0xFF80, v9;
	v9 =	vand.u32 $0xFF80, v35;
	v35 =	vshll.u32 v25, $0x10;
	v38 =	vld.idx.msk [tilespmem:v7+s2+$0x0], $0xffff  }
0xe0: {  	v25 =	vand.u32 $0xFFFF0000, v25;
	v7 =	vshll.u32 v27, $0x10;
	v27 =	vand.u32 $0xFFFF0000, v27;
	[tilespmem:v18+s16+$0x0] =	vst.idx.add.f32.msk $0xffff, v35  }
0xe1: {  	v36 =	vand.u32 $0xFF80, v36;
	v35 =	vshll.u32 v13, $0x10;
	v13 =	vand.u32 $0xFFFF0000, v13;
	[tilespmem:v33+s16+$0x0] =	vst.idx.add.f32.msk $0xffff, v25  }
0xe2: {  	v25 =	vshll.u32 v32, $0x10;
	v32 =	vand.u32 $0xFFFF0000, v32;
	v33 =	vadd.s32 $0x2800, v19;
	v14 =	vld.idx.msk [tilespmem:v14+s2+$0x0], $0xffff  }
0xe3: {  	v39 =	vadd.s32 $0x2800, v12;
	v40 =	vadd.s32 $0xC800, v12;
	[tilespmem:v19+s16+$0x0] =	vst.idx.add.f32.msk $0xffff, v25;
	v25 =	vadd.s32 $0xC800, v19  }
0xe4: {  	v41 =	vadd.s32 $0x5000, v28;
	[tilespmem:v10+s16+$0x0] =	vst.idx.add.f32.msk $0xffff, v32;
	v32 =	vadd.s32 $0x2800, v11;
	v10 =	vadd.s32 $0x2800, v18  }
0xe5: {  	v41 =	vand.u32 $0xFF80, v41;
	v42 =	vadd.s32 $0xC800, v11;
	[tilespmem:v12+s16+$0x0] =	vst.idx.add.f32.msk $0xffff, v7;
	v7 =	vadd.s32 $0xC800, v18  }
0xe6: {  	v43 =	vor.u32 v26, v8;
	v8 =	vadd.s32 $0x7800, v15;
	[tilespmem:v23+s16+$0x0] =	vst.idx.add.f32.msk $0xffff, v27;
	v23 =	vor.u32 v20, v41  }
0xe7: {  	v27 =	vor.u32 v21, v9;
	v9 =	vadd.s32 $0x7800, v16;
	[tilespmem:v11+s16+$0x0] =	vst.idx.add.f32.msk $0xffff, v35;
	v35 =	vor.u32 v24, v36  }
0xe8: {  	v8 =	vand.u32 $0xFF80, v8;
	v15 =	vshll.u32 v14, $0x10;
	[tilespmem:v29+s16+$0x0] =	vst.idx.add.f32.msk $0xffff, v13;
	v13 =	vadd.s32 $0x7800, v17  }
0xe9: {  	v29 =	vand.u32 $0xFF80, v9;
	v9 =	vand.u32 $0xFFFF0000, v14;
	v36 =	vand.u32 $0xFF80, v13;
	[tilespmem:v10+s16+$0x0] =	vst.idx.add.f32.msk $0xffff, v15  }
0xea: {  	v16 =	vadd.s32 $0xF000, v19;
	v17 =	vadd.s32 $0x5000, v19;
	v14 =	vadd.s32 $0x5000, v12;
	[tilespmem:v7+s16+$0x0] =	vst.idx.add.f32.msk $0xffff, v9  }
0xeb: {  	v15 =	vadd.s32 $0xF000, v12;
	v13 =	vadd.s32 $0x5000, v11;
	v10 =	vadd.s32 $0xF000, v11;
	v23 =	vld.idx.msk [tilespmem:v23+s2+$0x0], $0xffff  }
0xec: {  	v9 =	vor.u32 v26, v8;
	v8 =	vor.u32 v21, v29;
	v7 =	vor.u32 v24, v36;
	v30 =	vld.idx.msk [tilespmem:v30+s2+$0x0], $0xffff  }
0xed: {  	v24 =	vadd.s32 $0x5000, v18;
	v26 =	vadd.s32 $0x7800, v28;
	v28 =	vshll.u32 v31, $0x10;
	v21 =	vld.idx.msk [tilespmem:v34+s2+$0x0], $0xffff  }
0xee: {  	v29 =	vadd.s32 $0xF000, v18;
	v31 =	vand.u32 $0xFFFF0000, v31;
	v26 =	vand.u32 $0xFF80, v26;
	v22 =	vld.idx.msk [tilespmem:v22+s2+$0x0], $0xffff  }
0xef: {  	v20 =	vor.u32 v20, v26;
	v26 =	vshll.u32 v37, $0x10;
	[tilespmem:v6+s16+$0x0] =	vst.idx.add.f32.msk $0xffff, v28;
	v28 =	vand.u32 $0xFFFF0000, v37  }
0xf0: {  	v34 =	vand.u32 $0xFFFF0000, v38;
	v6 =	vadd.s32 $0x7800, v19;
	[tilespmem:v5+s16+$0x0] =	vst.idx.add.f32.msk $0xffff, v31;
	v31 =	vshll.u32 v38, $0x10  }
0xf1: {  	v5 =	vadd.s32 $0x11800, v19;
	v19 =	vshll.u32 v23, $0x10;
	[tilespmem:v3+s16+$0x0] =	vst.idx.add.f32.msk $0xffff, v26;
	v3 =	vadd.s32 $0x7800, v12  }
0xf2: {  	v23 =	vand.u32 $0xFFFF0000, v23;
	v26 =	vshll.u32 v30, $0x10;
	v30 =	vand.u32 $0xFFFF0000, v30;
	[tilespmem:v24+s16+$0x0] =	vst.idx.add.f32.msk $0xffff, v19  }
0xf3: {  	v19 =	vshll.u32 v21, $0x10;
	v21 =	vand.u32 $0xFFFF0000, v21;
	v24 =	vadd.s32 $0x11800, v12;
	[tilespmem:v29+s16+$0x0] =	vst.idx.add.f32.msk $0xffff, v23  }
0xf4: {  	v12 =	vshll.u32 v22, $0x10;
	v22 =	vand.u32 $0xFFFF0000, v22;
	v23 =	vadd.s32 $0x7800, v11;
	v20 =	vld.idx.msk [tilespmem:v20+s2+$0x0], $0xffff  }
0xf5: {  	[tilespmem:v33+s16+$0x0] =	vst.idx.add.f32.msk $0xffff, v26;
	v26 =	vadd.s32 $0x11800, v11  }
0xf6: {  	v11 =	vadd.s32 $0x7800, v18;
	[tilespmem:v25+s16+$0x0] =	vst.idx.add.f32.msk $0xffff, v30  }
0xf7: {  	v18 =	vadd.s32 $0x11800, v18;
	[tilespmem:v39+s16+$0x0] =	vst.idx.add.f32.msk $0xffff, v19  }
0xf8: {  	[tilespmem:v40+s16+$0x0] =	vst.idx.add.f32.msk $0xffff, v21  }
0xf9: {  	[tilespmem:v32+s16+$0x0] =	vst.idx.add.f32.msk $0xffff, v12  }
0xfa: {  	v12 =	vshll.u32 v20, $0x10;
	[tilespmem:v42+s16+$0x0] =	vst.idx.add.f32.msk $0xffff, v22  }
0xfb: {  	v19 =	vand.u32 $0xFFFF0000, v20;
	[tilespmem:v11+s16+$0x0] =	vst.idx.add.f32.msk $0xffff, v12  }
0xfc: {  	[tilespmem:v18+s16+$0x0] =	vst.idx.add.f32.msk $0xffff, v19  }
0xfd: {  	v18 =	vld.idx.msk [tilespmem:v43+s2+$0x0], $0xffff  }
.Ltmp2:
0xfe: {  	v12 =	vld.idx.msk [tilespmem:v27+s2+$0x0], $0xffff;
	(pc) =	sbr.rel @p1 .LBB2_8-.Ltmp2, $4  }
0xff: {  	v11 =	vld.idx.msk [tilespmem:v35+s2+$0x0], $0xffff  }
0x100: {  	[tilespmem:v4+s16+$0x0] =	vst.idx.add.f32.msk $0xffff, v28;
	v4 =	vmov v24  }
0x101: {  	[tilespmem:v2+s16+$0x0] =	vst.idx.add.f32.msk $0xffff, v31;
	v2 =	vmov v23  }
0x102: {  	s24 =	sadd.s32 $0x40, s24;
	[tilespmem:v1+s16+$0x0] =	vst.idx.add.f32.msk $0xffff, v34;
	v1 =	vmov v26  }
0x103: {  	_ =	sdelay $0x2  }
0x104: {  	v19 =	vshll.u32 v18, $0x10  }
0x105: {  	v56 =	vshll.u32 v12, $0x10;
	[tilespmem:v17+s16+$0x0] =	vst.idx.add.f32.msk $0xffff, v19  }
0x106: {  	v55 =	vand.u32 $0xFFFF0000, v18;
	[tilespmem:v14+s16+$0x0] =	vst.idx.add.f32.msk $0xffff, v56  }
0x107: {  	v57 =	vand.u32 $0xFFFF0000, v12;
	[tilespmem:v16+s16+$0x0] =	vst.idx.add.f32.msk $0xffff, v55  }
0x108: {  	[tilespmem:v15+s16+$0x0] =	vst.idx.add.f32.msk $0xffff, v57  }
0x109: {  	v9 =	vld.idx.msk [tilespmem:v9+s2+$0x0], $0xffff  }
0x10a: {  	v58 =	vshll.u32 v11, $0x10;
	v8 =	vld.idx.msk [tilespmem:v8+s2+$0x0], $0xffff  }
0x10b: {  	v59 =	vand.u32 $0xFFFF0000, v11;
	[tilespmem:v13+s16+$0x0] =	vst.idx.add.f32.msk $0xffff, v58  }
0x10c: {  	[tilespmem:v10+s16+$0x0] =	vst.idx.add.f32.msk $0xffff, v59  }
0x10d: {  	v7 =	vld.idx.msk [tilespmem:v7+s2+$0x0], $0xffff  }
0x10e: {  	s22 =	sadd.s32 $0x1, s22;
	v60 =	vshll.u32 v9, $0x10  }
0x10f: {  	p1 =	sne.s32 s22, $0x19;
	v61 =	vshll.u32 v8, $0x10;
	[tilespmem:v6+s16+$0x0] =	vst.idx.add.f32.msk $0xffff, v60  }
.Ltmp3:
0x110: {  	v9 =	vand.u32 $0xFFFF0000, v9;
	[tilespmem:v3+s16+$0x0] =	vst.idx.add.f32.msk $0xffff, v61;
	(pc) =	sbr.rel @p1 .LBB2_5-.Ltmp3, $4  }
0x111: {  	v62 =	vand.u32 $0xFFFF0000, v8;
	[tilespmem:v5+s16+$0x0] =	vst.idx.add.f32.msk $0xffff, v9  }
0x112: {  	v3 =	vshll.u32 v7, $0x10;
	[tilespmem:v4+s16+$0x0] =	vst.idx.add.f32.msk $0xffff, v62  }
0x113: {  	v63 =	vand.u32 $0xFFFF0000, v7;
	[tilespmem:v2+s16+$0x0] =	vst.idx.add.f32.msk $0xffff, v3  }
0x114: {  	[tilespmem:v1+s16+$0x0] =	vst.idx.add.f32.msk $0xffff, v63  }
0x115: {  	_ =	swait.ge [sflag:s15], $0xC80  }
0x116: {  	[sflag:s15] =	ssyncset.done $0x0  }
0x117: {  	s22 =	sadd.s32 s6, s21;
	s21 =	simm.s32 $0x80;
	[sflag:s15] =	ssyncadd.s32 $0xFFFFF380  }
0x118: {  	[hbm4b:s22+s21] =	stream.strided.scatter [tilespmem:s16], [sflag:$0x3], $0xA000, s12, s21, $0x38;
	[tilespmem:$0x1F900] =	vst v63  }
0x119: {  	s20 =	sor.u32 s7, s20;
	_ =	swait.ge [sflag:s13], $0xA000  }
0x11a: {  	s20 =	sshrl.u32 s20, $0x3;
	[sflag:s13] =	ssyncset.done $0x0  }
.Ltmp4:
0x11b: {  	s20 =	sadd.s32 s6, s20;
	[sflag:s13] =	ssyncadd.s32 $0xFFFF6000;
	(pc) =	sbr.rel @p0 .LBB2_2-.Ltmp4, $4  }
0x11c: {  	[hbm4b:s20+s21] =	stream.strided.scatter [tilespmem:s18], [sflag:$0x3], $0xA000, s12, s21, $0x38;
	[tilespmem:$0x1F900] =	vst v63  }
0x11d: {  	_ =	swait.ge [sflag:s13], $0xA000  }
0x11e: {  	[sflag:s13] =	ssyncset.done $0x0  }
0x11f: {  	p1 =	por $0x0, $0x0;
	[sflag:s13] =	ssyncadd.s32 $0xFFFF6000  }
0x120: {  	s19 =	sadd.s32 $0x1, s19  }
0x121: {  	p0 =	sne.s32 s19, s8  }
.Ltmp5:
0x122: {  	_ = 	snop;
	(pc) =	sbr.rel @p0 .LBB2_1-.Ltmp5, $1  }
0x123: {  	_ =	sdelay $0x3  }
0x124: {  	_ =	sfence.sel $0x180000  }
0x125: {  	[bflag:$0x0] =	sbarrier.arrive $0xFFFF  }
0x126: {  	p0 =	sne.s32 s1, $0x0;
	_ =	strace $0x9000004D  }
0x127: {  	s0 =	sadd.s32 @!p0 $0x100000, s0;
	[bflag:$0x2] =	sbarrier.arrive $0xFFFF  }
0x128: {  	[sflag:s0] =	ssyncadd.tile.s32 @!p0 $0x1;
	_ =	shalt  }
.Lfunc_end2:
_tile_overlayer_lowered:
.L_overlay_start_2:
0x129: {  	(tag) =	ssettag $0x2  }
0x12a: {  	s0 =	rddreg [dreg:$0x0];
	s2 =	stileid.u32  }
0x12b: {  	s1 =	rddreg [dreg:$0x1];
	p0 =	sne.s32 s2, $0x0  }
0x12c: {  	s3 =	rddreg [dreg:$0x2];
	[bflag:$0x3] =	sbarrier.arrive $0xFFFF;
	s2 =	simm.s32 @!p0 $0x1C03  }
0x12d: {  	[timem:s3], [sflag:s2] =	dma.local @!p0 [hbm:s0], s1  }
0x12e: {  	s0 =	simm.s32 @!p0 $0x3  }
0x12f: {  	_ =	swait.ge @!p0 [sflag:s0], s1  }
0x130: {  	s1 =	ssub.s32 @!p0 $0x0, s1;
	[sflag:s0] =	ssyncset.done @!p0 $0x0  }
0x131: {  	[sflag:s0] =	ssyncadd.s32 @!p0 s1  }
0x132: {  	[bflag:$0x3] =	sbarrier.arrive $0xFFFF  }
0x133: {  	_ =	shalt  }

// kernel: kernel.19.cloned.1.call-start
scs
__scs_entry_jumppad:
0x0: {  	(pc) =	sbr.rel $0x88, $3  }
0x1: {  	(tag) =	ssettag $0x0;
	lr =	simm.s32 $0x1  }
0x2: {  	[smem:$0x3F94] =	sst lr;
	_ =	strace $0xD0000000  }
0x3: {  	_ = 	snop  }
0x4: {  	_ = 	snop  }
0x5: {  	_ = 	snop  }
0x6: {  	_ = 	snop  }
0x7: {  	_ = 	snop  }
__scs_overlays_trampoline_lowered:
0x8: {  	[smem:$0x3FA3] =	sst s0  }
0x9: {  	[smem:$0x3FA4] =	sst s1  }
0xa: {  	[smem:$0x3FA5] =	sst s2  }
0xb: {  	[smem:$0x3FA6] =	sst s3  }
0xc: {  	[smem:$0x3FA7] =	sst s4  }
0xd: {  	[smem:$0x3FA8] =	sst s5  }
0xe: {  	[smem:$0x3FA9] =	sst s6  }
0xf: {  	[smem:$0x3FAA] =	sst s7  }
0x10: {  	[smem:$0x3FAB] =	sst s8  }
0x11: {  	[smem:$0x3FAC] =	sst s9;
	s0 =	simm.s32 @!p0 $0x0  }
0x12: {  	s1 =	sld [smem:$0x3F92];
	s0 =	simm.s32 @p0 $0x1  }
0x13: {  	[smem:$0x3FAD] =	sst s0;
	s0 =	simm.s32 @!p1 $0x0  }
0x14: {  	s2 =	sld [smem:$0x3F91];
	s0 =	simm.s32 @p1 $0x1  }
0x15: {  	[smem:$0x3FAE] =	sst s0;
	s0 =	simm.s32 @!p2 $0x0  }
0x16: {  	s3 =	sld [smem:$0x3FDB];
	s0 =	simm.s32 @p2 $0x1  }
0x17: {  	s4 =	simm.s32 $0x1BF5;
	[smem:$0x3FB0] =	sst s0  }
0x18: {  	s0 =	sld [smem:$0x3F93];
	_ =	swait.ge [sflag:s4], $0x0  }
0x19: {  	s7 =	sld [smem:$0x3F94]  }
0x1a: {  	s8 =	sadd.s32 $0xFFFFE003, lr  }
0x1b: {  	s9 =	sadd.s32 $0xFFFFFEF7, lr;
	s5 =	simm.s32 $0xFFFFFFFF;
	p2 =	slt.u32 s8, $0xFFFFF086  }
0x1c: {  	p1 =	slt.u32 s9, $0xF7A;
	s5 =	simm.s32 @!p2 $0x0  }
0x1d: {  	s5 =	simm.s32 @p1 $0x1;
	p0 =	seq.s32 s7, s2  }
0x1e: {  	s7 =	smul.u32 @!p0 $0xF7A, s2;
	p2 =	seq.s32 @!p0 s5, $0x0  }
0x1f: {  	s9 =	smul.u32 $0xF7A, s1;
	s8 =	simm.s32 @!p0 $0x1BF5;
	p2 =	por !p2, p0  }
0x20: {  	[sflag:s8] =	ssyncset.s32 @!p0 $0xFFFFF086;
	s6 =	sadd.s32 @!p0 s3, s7;
	s7 =	simm.s32 @!p0 $0x108  }
0x21: {  	s3 =	sadd.s32 s3, s9;
	s6 =	sadd.s32 @!p0 $0x88, s6;
	s7 =	simm.s32 @p2 $0x1082  }
0x22: {  	[simem:s7], [sflag:s8] =	dma.local @!p0 [hbm:s6], $0xF7A  }
0x23: {  	s9 =	sor.u32 $0xD0000000, s2;
	s6 =	simm.s32 $0x108;
	_ =	swait.ge @!p0 [sflag:s8], $0x0  }
0x24: {  	s3 =	sadd.s32 $0x88, s3;
	s6 =	simm.s32 @!p1 $0x1082;
	[sflag:s4] =	ssyncset.s32 $0xFFFFF086  }
0x25: {  	[simem:s6], [sflag:s4] =	dma.local [hbm:s3], $0xF7A  }
0x26: {  	[smem:$0x3F94] =	sst s1;
	(tag) =	ssettag s2;
	_ =	strace s9  }
0x27: {  	s1 =	sld [smem:$0x3FA4]  }
0x28: {  	s2 =	sld [smem:$0x3FA5]  }
0x29: {  	s4 =	sld [smem:$0x3FA7]  }
0x2a: {  	p0 =	seq.s32 s5, $0x0;
	s5 =	sld [smem:$0x3FA8]  }
0x2b: {  	s6 =	sld [smem:$0x3FA9]  }
0x2c: {  	s7 =	sld [smem:$0x3FAA]  }
0x2d: {  	s3 =	simm.s32 $0x108;
	s8 =	sld [smem:$0x3FAB]  }
0x2e: {  	s3 =	simm.s32 @!p0 $0x1082;
	s9 =	sld [smem:$0x3FAC]  }
0x2f: {  	lr =	sadd.s32 s0, s3;
	s0 =	sld [smem:$0x3FA3]  }
0x30: {  	s3 =	sld [smem:$0x3FA6]  }
0x31: {  	[smem:$0x3FAF] =	sst s10  }
0x32: {  	s10 =	sld [smem:$0x3FAD];
	_ =	sdelay $0x3  }
0x33: {  	p0 =	seq.s32 s10, $0x1;
	s10 =	sld [smem:$0x3FAF];
	_ =	sdelay $0x3  }
0x34: {  	[smem:$0x3FAF] =	sst s10  }
0x35: {  	s10 =	sld [smem:$0x3FAE];
	_ =	sdelay $0x3  }
0x36: {  	p1 =	seq.s32 s10, $0x1;
	s10 =	sld [smem:$0x3FAF];
	_ =	sdelay $0x3  }
0x37: {  	[smem:$0x3FAF] =	sst s10  }
0x38: {  	s10 =	sld [smem:$0x3FB0]  }
0x39: {  	_ = 	snop;
	(pc) =	sbr.ind lr, $3  }
0x3a: {  	_ = 	snop  }
0x3b: {  	_ = 	snop  }
0x3c: {  	p2 =	seq.s32 s10, $0x1;
	s10 =	sld [smem:$0x3FAF]  }
0x3d: {  	_ =	shalt  }
0x3e: {  	_ =	shalt  }
0x3f: {  	_ =	shalt  }
0x40: {  	_ =	shalt  }
0x41: {  	_ =	shalt  }
0x42: {  	_ =	shalt  }
0x43: {  	_ =	shalt  }
0x44: {  	_ =	shalt  }
0x45: {  	_ =	shalt  }
0x46: {  	_ =	shalt  }
0x47: {  	_ =	shalt  }
0x48: {  	_ =	shalt  }
0x49: {  	_ =	shalt  }
0x4a: {  	_ =	shalt  }
0x4b: {  	_ =	shalt  }
0x4c: {  	_ =	shalt  }
0x4d: {  	_ =	shalt  }
0x4e: {  	_ =	shalt  }
0x4f: {  	_ =	shalt  }
0x50: {  	_ =	shalt  }
0x51: {  	_ =	shalt  }
0x52: {  	_ =	shalt  }
0x53: {  	_ =	shalt  }
0x54: {  	_ =	shalt  }
0x55: {  	_ =	shalt  }
0x56: {  	_ =	shalt  }
0x57: {  	_ =	shalt  }
0x58: {  	_ =	shalt  }
0x59: {  	_ =	shalt  }
0x5a: {  	_ =	shalt  }
0x5b: {  	_ =	shalt  }
0x5c: {  	_ =	shalt  }
0x5d: {  	_ =	shalt  }
0x5e: {  	_ =	shalt  }
0x5f: {  	_ =	shalt  }
0x60: {  	_ =	shalt  }
0x61: {  	_ =	shalt  }
0x62: {  	_ =	shalt  }
0x63: {  	_ =	shalt  }
0x64: {  	_ =	shalt  }
0x65: {  	_ =	shalt  }
0x66: {  	_ =	shalt  }
0x67: {  	_ =	shalt  }
0x68: {  	_ =	shalt  }
0x69: {  	_ =	shalt  }
0x6a: {  	_ =	shalt  }
0x6b: {  	_ =	shalt  }
0x6c: {  	_ =	shalt  }
0x6d: {  	_ =	shalt  }
0x6e: {  	_ =	shalt  }
0x6f: {  	_ =	shalt  }
0x70: {  	_ =	shalt  }
0x71: {  	_ =	shalt  }
0x72: {  	_ =	shalt  }
0x73: {  	_ =	shalt  }
0x74: {  	_ =	shalt  }
0x75: {  	_ =	shalt  }
0x76: {  	_ =	shalt  }
0x77: {  	_ =	shalt  }
0x78: {  	_ =	shalt  }
0x79: {  	_ =	shalt  }
0x7a: {  	_ =	shalt  }
0x7b: {  	_ =	shalt  }
0x7c: {  	_ =	shalt  }
0x7d: {  	_ =	shalt  }
0x7e: {  	_ =	shalt  }
0x7f: {  	_ =	shalt  }
0x80: {  	_ =	shalt  }
0x81: {  	_ =	shalt  }
0x82: {  	_ =	shalt  }
0x83: {  	_ =	shalt  }
0x84: {  	_ =	shalt  }
0x85: {  	_ =	shalt  }
0x86: {  	_ =	shalt  }
0x87: {  	_ =	shalt  }
.Lfunc_end0:
.L_simem_size_0:
called_computation.3_lowered:
.L_overlay_start_0:
0x88: {  	s2 =	sld [smem:$0x3FD9]  }
0x89: {  	s3 =	sld [smem:$0x3FFE];
	_ =	sdelay $0x1  }
0x8a: {  	s1 =	srdreg.scid  }
0x8b: {  	s0 =	sand.u32 $0x1, s1  }
0x8c: {  	s16 =	sshll.u32 s0, $0xA;
	s2 =	sadd.s32 s3, s2  }
0x8d: {  	s2 =	sadd.s32 s2, s16  }
0x8e: {  	[smem:$0x3FBB] =	sst s2  }
0x8f: {  	_ = 	snop  }
0x90: {  	(tm) =	ssettm $0x1  }
0x91: {  	s17 =	sld [smem:$0x3FFB];
	_ =	sdelay $0x3  }
0x92: {  	_ =	strace s17  }
0x93: {  	s2 =	sld [smem:$0x3FFC];
	_ =	sdelay $0x3  }
0x94: {  	_ =	strace s2  }
0x95: {  	s2 =	sld [smem:$0x3FFD];
	_ =	sdelay $0x3  }
0x96: {  	_ =	strace s2  }
0x97: {  	_ =	strace $0x8FFFFFFF  }
0x98: {  	s18 =	sld [smem:$0x3FDB];
	_ =	sdelay $0x1  }
0x99: {  	s19 =	simm.s32 $_scs_section_size  }
0x9a: {  	s4 =	simm.s32 $_size__tile_overlayer_lowered;
	s5 =	simm.s32 $_tile_overlayer_lowered  }
0x9b: {  	s22 =	simm.s32 $0x1BFF;
	s21 =	sshll.u32 s5, $0x1;
	s2 =	sadd.s32 s19, s18  }
0x9c: {  	s6 =	simm.s32 $0x0;
	s20 =	sshll.u32 s4, $0x1;
	s4 =	sadd.s32 s21, s2  }
0x9d: {  	[timem:s6], [sflag:s22] =	dma.local [hbm:s4], s20  }
0x9e: {  	_ =	swait.ge [sflag:s22], s20  }
0x9f: {  	s3 =	ssub.s32 $0x0, s20;
	[sflag:s22] =	ssyncset.done $0x0  }
0xa0: {  	[sflag:s22] =	ssyncadd.s32 s3;
	_ =	sdelay $0x1  }
0xa1: {  	s23 =	simm.s32 $0x1B8B  }
0xa2: {  	_ =	swait.ge [sflag:s23], $0x1  }
0xa3: {  	[sflag:s23] =	ssyncset.done $0x0  }
0xa4: {  	s25 =	simm.s32 $0x1B8E;
	s24 =	sld [smem:$0x3FFE];
	[sflag:s23] =	ssyncadd.s32 $0xFFFFFFFF  }
0xa5: {  	s26 =	simm.s32 $execute0_lowered;
	[smem:$0x3FD2] =	sst s25  }
0xa6: {  	s4 =	sshll.u32 s26, $0x1;
	_ =	strace $0x8000004F;
	[dreg:$0x1] =	wrdreg $0xFFFFFFFF  }
0xa7: {  	s28 =	simm.s32 $_size_execute0_lowered;
	s2 =	sadd.s32 s2, s4;
	[dreg:$0x0] =	wrdreg $0x0  }
0xa8: {  	s4 =	sshll.u32 s28, $0x1;
	[dreg:$0x2] =	wrdreg s2  }
0xa9: {  	[dreg:$0x3] =	wrdreg s4  }
0xaa: {  	[dreg:$0x4] =	wrdreg $0xC0  }
0xab: {  	_ =	task [dreg:s6], $0x5FFFF  }
0xac: {  	[dreg:$0x1] =	wrdreg $0xFFFFFFFF  }
0xad: {  	[dreg:$0x0] =	wrdreg $0x60  }
0xae: {  	[dreg:$0x2] =	wrdreg s24  }
0xaf: {  	[dreg:$0x3] =	wrdreg $0x9  }
0xb0: {  	_ =	task.clear_ibuf [dreg:s6], $0x4FFFF;
	_ =	strace $0x9000004F  }
0xb1: {  	s29 =	simm.s32 $0x9;
	_ =	strace $0x80000051  }
0xb2: {  	_ =	swait.ge [sflag:s29], $0x1  }
0xb3: {  	[sflag:s29] =	ssyncadd.s32 $0xFFFFFFFF  }
0xb4: {  	_ =	strace $0x90000051  }
0xb5: {  	_ =	sfence  }
0xb6: {  	s30 =	sld [smem:$0x0];
	_ =	sdelay $0x2  }
0xb7: {  	s31 =	sshll.u32 s1, $0xD;
	s1 =	sshrl.u32 s1, $0x2  }
0xb8: {  	s3 =	sand.u32 $0x4000, s31;
	s1 =	sadd.s32 s1, s30  }
0xb9: {  	s0 =	sor.u32 s3, s0;
	s1 =	sshll.u32 s1, $0x11  }
0xba: {  	s0 =	sor.u32 s1, s0  }
0xbb: {  	s0 =	sadd.s32 $0x8F2B, s0  }
0xbc: {  	[sflag:s0] =	ssyncadd.remote.s32 $0x1  }
0xbd: {  	_ =	sfence.sel $0xFFFF  }
0xbe: {  	[dreg:$0x0] =	wrdreg $0xFFFFFFFF;
	(pc) =	sbr.abs _section_cstart, $3  }
0xbf: {  	[dreg:$0x1] =	wrdreg $0xFFFFFFFF  }
0xc0: {  	_ =	task.clear_ibuf [dreg:s6], $0x2FFFF;
	_ =	strace $0x9FFFFFFF  }
0xc1: {  	(tm) =	ssettm $0x7FFFFFFF  }
tec
execute0_lowered:
.L_overlay_start_1:
0x0: {  	(tag) =	ssettag $0x1  }
0x1: {  	s6 =	rddreg [dreg:$0x0]  }
0x2: {  	s0 =	rddreg [dreg:$0x1]  }
0x3: {  	s2 =	simm.s32 $0x0;
	s3 =	srdreg.scid;
	s1 =	stileid.u32  }
0x4: {  	s11 =	simm.s32 $0x80;
	s12 =	simm.s32 $0x400;
	s13 =	simm.s32 $0x3  }
0x5: {  	s14 =	simm.s32 $0x1EC80;
	s15 =	simm.s32 $0x1;
	s16 =	simm.s32 $0xA000  }
0x6: {  	s17 =	simm.s32 $0x2;
	s18 =	simm.s32 $0x14000;
	s19 =	simm.s32 $0x0  }
0x7: {  	[smem:$0x7FF] =	sst s2;
	s7 =	sand.u32 $0x1, s3;
	s3 =	sadd.s32 $0x17200, s6  }
0x8: {  	s5 =	sshrl.u32 s1, $0x1;
	s4 =	sadd.s32 $0x12200, s6;
	s6 =	sadd.s32 $0x67200, s6  }
0x9: {  	s31 =	sshll.u32 s1, $0x9;
	s8 =	ssub.s32 $0x2, s7;
	s5 =	smul.u32 $0x50000, s5  }
0xa: {  	_ =	strace $0x80000050;
	s10 =	sshll.u32 s7, $0x8;
	s9 =	sshrl.u32 s8, $0x1  }
0xb: {  	s8 =	ssub.s32 s8, s9;
	s7 =	sadd.s32 $0x280000, s5;
	s9 =	sand.u32 $0x200, s31  }
0xc: {  	v0 =	vimm.f32 $0.0e+00;
	s8 =	smax.u32 s8, $0x1;
	s9 =	sor.u32 s10, s9;
	s10 =	simm.s32 $0x1E000  }
.LBB2_1:
0xd: {  	p1 =	por $0x1, $0x1;
	s21 =	simm.s32 $0x0  }
.LBB2_2:
0xe: {  	[tilespmem:s10], [sflag:$0x1] =	stream.linear.gather [hbm4b:s4+s2], $0xC80, $0x38;
	[tilespmem:$0x1F900] =	vst v63  }
0xf: {  	s20 =	sor.u32 s9, s21  }
0x10: {  	s21 =	sor.u32 s5, s20  }
0x11: {  	s21 =	sshrl.u32 s21, $0x3  }
0x12: {  	s22 =	sadd.s32 s3, s21  }
0x13: {  	[tilespmem:s2], [sflag:$0x3] =	stream.strided.gather [hbm4b:s22+s11], $0xA000, s12, s11, $0x38;
	[tilespmem:$0x1F900] =	vst v63  }
0x14: {  	_ =	swait.ge [sflag:s13], $0xA000  }
0x15: {  	[sflag:s13] =	ssyncset.done $0x0  }
0x16: {  	s22 =	simm.s32 $0xA040;
	[sflag:s13] =	ssyncadd.s32 $0xFFFF6000  }
0x17: {  	[tilespmem:s22+$0xFFFFFFC0] =	vst v0  }
0x18: {  	[tilespmem:s22+$0x30] =	vst v0  }
0x19: {  	[tilespmem:s22+$0x20] =	vst v0  }
0x1a: {  	[tilespmem:s22+$0x10] =	vst v0  }
0x1b: {  	[tilespmem:s22+$0x0] =	vst v0  }
0x1c: {  	[tilespmem:s22+$0xFFFFFFF0] =	vst v0  }
0x1d: {  	p0 =	por p1, p1;
	s23 =	simm.s32 $0x0;
	[tilespmem:s22+$0xFFFFFFE0] =	vst v0  }
.LBB2_3:
0x1e: {  	s23 =	sadd.s32 $0x8, s23;
	[tilespmem:s22+$0xFFFFFFD0] =	vst v0;
	s22 =	sadd.s32 $0x80, s22  }
0x1f: {  	[tilespmem:s22+$0xFFFFFFC0] =	vst v0;
	p1 =	slt.u32 s23, $0x13F8  }
0x20: {  	[tilespmem:s22+$0x30] =	vst v0  }
.Ltmp0:
0x21: {  	[tilespmem:s22+$0x20] =	vst v0;
	(pc) =	sbr.rel @p1 .LBB2_3-.Ltmp0, $4  }
0x22: {  	[tilespmem:s22+$0x10] =	vst v0  }
0x23: {  	[tilespmem:s22+$0x0] =	vst v0  }
0x24: {  	[tilespmem:s22+$0xFFFFFFF0] =	vst v0  }
0x25: {  	[tilespmem:s22+$0xFFFFFFE0] =	vst v0  }
0x26: {  	[tilespmem:s22+$0xFFFFFFD0] =	vst v0;
	s22 =	simm.s32 $0x0  }
.LBB2_5:
0x27: {  	s23 =	smul.u32 $0x1900, s22;
	_ =	sdelay $0x1  }
0x28: {  	s23 =	sshrl.u32 s23, $0x3  }
0x29: {  	s23 =	sadd.s32 s4, s23  }
0x2a: {  	s24 =	sadd.s32 $0x190, s23  }
0x2b: {  	[tilespmem:s14], [sflag:$0x2] =	stream.linear.gather [hbm4b:s24+s2], $0xC80, $0x38;
	[tilespmem:$0x1F900] =	vst v63  }
0x2c: {  	_ =	swait.ge [sflag:s15], $0xC80  }
0x2d: {  	[sflag:s15] =	ssyncset.done $0x0  }
0x2e: {  	s31 =	simm.s32 $0x1E020;
	[sflag:s15] =	ssyncadd.s32 $0xFFFFF380  }
0x2f: {  	v1 =	vld [tilespmem:s31+$0x10];
	_ =	sdelay $0x3  }
0x30: {  	v2 =	vld [tilespmem:s31+$0xFFFFFFE0]  }
0x31: {  	v3 =	vld [tilespmem:s31+$0xFFFFFFF0];
	v4 =	vand.u32 $0x3FFF, v1;
	_ =	sdelay $0x3  }
0x32: {  	v5 =	vld [tilespmem:s31+$0x0];
	v6 =	vand.u32 $0x3FFF, v2  }
0x33: {  	v7 =	vand.u32 $0x3FFF, v3;
	v8 =	vld.idx.msk [tilespmem:v4+s2+$0x0], $0xffff  }
0x34: {  	v9 =	vshra.s32 v1, $0xE;
	v10 =	vadd.s32 $0x2800, v4  }
0x35: {  	v1 =	vand.u32 $0x7F, v1;
	v11 =	vadd.s32 $0xA000, v9;
	v10 =	vand.u32 $0x7F80, v10  }
0x36: {  	v10 =	vor.u32 v1, v10  }
0x37: {  	v12 =	vand.u32 $0x3FFF, v5;
	v13 =	vld.idx.msk [tilespmem:v6+s2+$0x0], $0xffff  }
0x38: {  	v19 =	vshra.s32 v2, $0xE;
	v14 =	vld.idx.msk [tilespmem:v7+s2+$0x0], $0xffff;
	v15 =	vshll.u32 v8, $0x10  }
0x39: {  	v16 =	vadd.s32 $0xA000, v19;
	v8 =	vand.u32 $0xFFFF0000, v8;
	[tilespmem:v9+s16+$0x0] =	vst.idx.add.f32.msk $0xffff, v15  }
0x3a: {  	v20 =	vshra.s32 v3, $0xE;
	[tilespmem:v11+s16+$0x0] =	vst.idx.add.f32.msk $0xffff, v8  }
0x3b: {  	v3 =	vand.u32 $0x7F, v3;
	v2 =	vand.u32 $0x7F, v2;
	v15 =	vadd.s32 $0xA000, v20;
	v10 =	vld.idx.msk [tilespmem:v10+s2+$0x0], $0xffff  }
0x3c: {  	v21 =	vadd.s32 $0x2800, v9;
	v22 =	vadd.s32 $0x5000, v4;
	v17 =	vld.idx.msk [tilespmem:v12+s2+$0x0], $0xffff;
	v18 =	vshll.u32 v13, $0x10  }
0x3d: {  	v22 =	vand.u32 $0xFF80, v22;
	v13 =	vand.u32 $0xFFFF0000, v13;
	[tilespmem:v19+s16+$0x0] =	vst.idx.add.f32.msk $0xffff, v18;
	v18 =	vadd.s32 $0xC800, v9  }
0x3e: {  	v23 =	vadd.s32 $0x2800, v6;
	v24 =	vshll.u32 v14, $0x10;
	[tilespmem:v16+s16+$0x0] =	vst.idx.add.f32.msk $0xffff, v13;
	v13 =	vor.u32 v1, v22  }
0x3f: {  	v54 =	vand.u32 $0x7F80, v23;
	v14 =	vand.u32 $0xFFFF0000, v14;
	[tilespmem:v20+s16+$0x0] =	vst.idx.add.f32.msk $0xffff, v24;
	v11 =	vshra.s32 v5, $0xE  }
0x40: {  	v8 =	vadd.s32 $0x2800, v7;
	[tilespmem:v15+s16+$0x0] =	vst.idx.add.f32.msk $0xffff, v14;
	v15 =	vor.u32 v2, v54;
	v14 =	vshll.u32 v10, $0x10  }
0x41: {  	v16 =	vadd.s32 $0x2800, v12;
	v5 =	vand.u32 $0x7F, v5;
	v10 =	vand.u32 $0xFFFF0000, v10;
	[tilespmem:v21+s16+$0x0] =	vst.idx.add.f32.msk $0xffff, v14  }
0x42: {  	v55 =	vadd.s32 $0xA000, v11;
	v8 =	vand.u32 $0x7F80, v8;
	v14 =	vand.u32 $0x7F80, v16;
	[tilespmem:v18+s16+$0x0] =	vst.idx.add.f32.msk $0xffff, v10  }
0x43: {  	v8 =	vor.u32 v3, v8;
	v10 =	vor.u32 v5, v14;
	v14 =	vshll.u32 v17, $0x10;
	v13 =	vld.idx.msk [tilespmem:v13+s2+$0x0], $0xffff  }
0x44: {  	[tilespmem:v11+s16+$0x0] =	vst.idx.add.f32.msk $0xffff, v14  }
0x45: {  	v14 =	vadd.s32 $0x5000, v9;
	v15 =	vld.idx.msk [tilespmem:v15+s2+$0x0], $0xffff  }
0x46: {  	v16 =	vand.u32 $0xFFFF0000, v17;
	v18 =	vadd.s32 $0x2800, v19  }
0x47: {  	v4 =	vadd.s32 $0x7800, v4;
	[tilespmem:v55+s16+$0x0] =	vst.idx.add.f32.msk $0xffff, v16;
	v16 =	vadd.s32 $0xF000, v9  }
0x48: {  	v57 =	vadd.s32 $0xC800, v19;
	v4 =	vand.u32 $0xFF80, v4;
	v8 =	vld.idx.msk [tilespmem:v8+s2+$0x0], $0xffff  }
0x49: {  	v1 =	vor.u32 v1, v4;
	v4 =	vadd.s32 $0x5000, v6;
	v10 =	vld.idx.msk [tilespmem:v10+s2+$0x0], $0xffff;
	v58 =	vshll.u32 v13, $0x10  }
0x4a: {  	v59 =	vadd.s32 $0x2800, v20;
	v4 =	vand.u32 $0xFF80, v4;
	v61 =	vshll.u32 v15, $0x10;
	[tilespmem:v14+s16+$0x0] =	vst.idx.add.f32.msk $0xffff, v58  }
0x4b: {  	v4 =	vor.u32 v2, v4;
	v13 =	vand.u32 $0xFFFF0000, v13;
	[tilespmem:v18+s16+$0x0] =	vst.idx.add.f32.msk $0xffff, v61  }
0x4c: {  	v60 =	vadd.s32 $0xC800, v20;
	v17 =	vadd.s32 $0x5000, v7;
	v15 =	vand.u32 $0xFFFF0000, v15;
	[tilespmem:v16+s16+$0x0] =	vst.idx.add.f32.msk $0xffff, v13  }
0x4d: {  	v14 =	vand.u32 $0xFF80, v17;
	v13 =	vadd.s32 $0x2800, v11;
	[tilespmem:v57+s16+$0x0] =	vst.idx.add.f32.msk $0xffff, v15  }
0x4e: {  	v16 =	vadd.s32 $0xC800, v11;
	v62 =	vor.u32 v3, v14;
	v14 =	vshll.u32 v8, $0x10;
	v1 =	vld.idx.msk [tilespmem:v1+s2+$0x0], $0xffff  }
0x4f: {  	v15 =	vadd.s32 $0x7800, v9;
	[tilespmem:v59+s16+$0x0] =	vst.idx.add.f32.msk $0xffff, v14  }
0x50: {  	v56 =	vadd.s32 $0x5000, v12;
	v6 =	vadd.s32 $0x7800, v6;
	v8 =	vand.u32 $0xFFFF0000, v8;
	v18 =	vld.idx.msk [tilespmem:v4+s2+$0x0], $0xffff  }
0x51: {  	v17 =	vand.u32 $0xFF80, v56;
	v9 =	vadd.s32 $0x11800, v9;
	v14 =	vshll.u32 v10, $0x10;
	[tilespmem:v60+s16+$0x0] =	vst.idx.add.f32.msk $0xffff, v8  }
0x52: {  	v63 =	vor.u32 v5, v17;
	v8 =	vadd.s32 $0x7800, v12;
	v10 =	vand.u32 $0xFFFF0000, v10;
	[tilespmem:v13+s16+$0x0] =	vst.idx.add.f32.msk $0xffff, v14  }
0x53: {  	v7 =	vadd.s32 $0x7800, v7;
	v12 =	vand.u32 $0xFF80, v8;
	[tilespmem:v16+s16+$0x0] =	vst.idx.add.f32.msk $0xffff, v10;
	v8 =	vshll.u32 v1, $0x10  }
0x54: {  	v6 =	vand.u32 $0xFF80, v6;
	v7 =	vand.u32 $0xFF80, v7;
	v17 =	vadd.s32 $0x5000, v19;
	[tilespmem:v15+s16+$0x0] =	vst.idx.add.f32.msk $0xffff, v8  }
0x55: {  	v1 =	vand.u32 $0xFFFF0000, v1;
	v8 =	vor.u32 v3, v7;
	v7 =	vor.u32 v5, v12;
	v12 =	vld.idx.msk [tilespmem:v62+s2+$0x0], $0xffff  }
0x56: {  	v4 =	vadd.s32 $0x11800, v20;
	v13 =	vadd.s32 $0x5000, v11;
	v10 =	vadd.s32 $0xF000, v11;
	[tilespmem:v9+s16+$0x0] =	vst.idx.add.f32.msk $0xffff, v1  }
0x57: {  	v9 =	vor.u32 v2, v6;
	v1 =	vadd.s32 $0x7800, v11;
	v2 =	vadd.s32 $0x11800, v11;
	v11 =	vld.idx.msk [tilespmem:v63+s2+$0x0], $0xffff  }
0x58: {  	v14 =	vadd.s32 $0x5000, v20;
	v16 =	vadd.s32 $0xF000, v19;
	v15 =	vadd.s32 $0xF000, v20  }
0x59: {  	s25 =	simm.s32 $0x1E060;
	s24 =	simm.s32 $0x0;
	v5 =	vadd.s32 $0x11800, v19;
	v3 =	vadd.s32 $0x7800, v20;
	v6 =	vadd.s32 $0x7800, v19  }
.LBB2_6:
0x5a: {  	v20 =	vld [tilespmem:s25+$0x10];
	v19 =	vshll.u32 v18, $0x10;
	v18 =	vand.u32 $0xFFFF0000, v18  }
0x5b: {  	v22 =	vshll.u32 v12, $0x10;
	v23 =	vand.u32 $0xFFFF0000, v12;
	v21 =	vld [tilespmem:s25+$0xFFFFFFF0]  }
0x5c: {  	v25 =	vshll.u32 v11, $0x10;
	v26 =	vand.u32 $0xFFFF0000, v11;
	v24 =	vld [tilespmem:s25+$0x0]  }
0x5d: {  	v27 =	vld [tilespmem:s25+$0xFFFFFFE0]  }
0x5e: {  	s24 =	sadd.s32 $0x4, s24;
	[tilespmem:v17+s16+$0x0] =	vst.idx.add.f32.msk $0xffff, v19  }
0x5f: {  	p1 =	slt.u32 s24, $0xC4;
	v28 =	vand.u32 $0x3FFF, v20;
	[tilespmem:v16+s16+$0x0] =	vst.idx.add.f32.msk $0xffff, v18  }
0x60: {  	v16 =	vand.u32 $0x3FFF, v21;
	v12 =	vshra.s32 v21, $0xE;
	v21 =	vand.u32 $0x7F, v21;
	[tilespmem:v14+s16+$0x0] =	vst.idx.add.f32.msk $0xffff, v22  }
0x61: {  	v14 =	vadd.s32 $0x2800, v16;
	v17 =	vand.u32 $0x3FFF, v24;
	v11 =	vshra.s32 v24, $0xE;
	[tilespmem:v15+s16+$0x0] =	vst.idx.add.f32.msk $0xffff, v23  }
0x62: {  	v15 =	vand.u32 $0x3FFF, v27;
	v19 =	vshra.s32 v27, $0xE;
	v18 =	vadd.s32 $0x2800, v17;
	[tilespmem:v13+s16+$0x0] =	vst.idx.add.f32.msk $0xffff, v25  }
0x63: {  	v14 =	vand.u32 $0x7F80, v14;
	v13 =	vadd.s32 $0x2800, v15;
	v22 =	vand.u32 $0x7F80, v18;
	[tilespmem:v10+s16+$0x0] =	vst.idx.add.f32.msk $0xffff, v26  }
0x64: {  	v23 =	vadd.s32 $0xA000, v12;
	v10 =	vadd.s32 $0xA000, v19;
	v13 =	vand.u32 $0x7F80, v13;
	v25 =	vld.idx.msk [tilespmem:v28+s2+$0x0], $0xffff  }
0x65: {  	v24 =	vand.u32 $0x7F, v24;
	v29 =	vadd.s32 $0xA000, v11;
	v26 =	vand.u32 $0x7F, v27;
	v27 =	vld.idx.msk [tilespmem:v16+s2+$0x0], $0xffff  }
0x66: {  	v31 =	vadd.s32 $0x2800, v28;
	v18 =	vshra.s32 v20, $0xE;
	v30 =	vor.u32 v26, v13;
	v13 =	vld.idx.msk [tilespmem:v17+s2+$0x0], $0xffff  }
0x67: {  	v31 =	vand.u32 $0x7F80, v31;
	v20 =	vand.u32 $0x7F, v20;
	v33 =	vadd.s32 $0xA000, v18;
	v32 =	vld.idx.msk [tilespmem:v15+s2+$0x0], $0xffff  }
0x68: {  	v34 =	vor.u32 v21, v14;
	v22 =	vor.u32 v24, v22;
	v14 =	vor.u32 v20, v31;
	v31 =	vld.idx.msk [tilespmem:v9+s2+$0x0], $0xffff  }
0x69: {  	v35 =	vadd.s32 $0x5000, v16;
	v36 =	vadd.s32 $0x5000, v17;
	v9 =	vadd.s32 $0x5000, v15;
	v37 =	vld.idx.msk [tilespmem:v8+s2+$0x0], $0xffff  }
0x6a: {  	v8 =	vand.u32 $0xFF80, v9;
	v9 =	vand.u32 $0xFF80, v35;
	v35 =	vshll.u32 v25, $0x10;
	v38 =	vld.idx.msk [tilespmem:v7+s2+$0x0], $0xffff  }
0x6b: {  	v25 =	vand.u32 $0xFFFF0000, v25;
	v7 =	vshll.u32 v27, $0x10;
	v27 =	vand.u32 $0xFFFF0000, v27;
	[tilespmem:v18+s16+$0x0] =	vst.idx.add.f32.msk $0xffff, v35  }
0x6c: {  	v36 =	vand.u32 $0xFF80, v36;
	v35 =	vshll.u32 v13, $0x10;
	v13 =	vand.u32 $0xFFFF0000, v13;
	[tilespmem:v33+s16+$0x0] =	vst.idx.add.f32.msk $0xffff, v25  }
0x6d: {  	v25 =	vshll.u32 v32, $0x10;
	v32 =	vand.u32 $0xFFFF0000, v32;
	v33 =	vadd.s32 $0x2800, v19;
	v14 =	vld.idx.msk [tilespmem:v14+s2+$0x0], $0xffff  }
0x6e: {  	v39 =	vadd.s32 $0x2800, v12;
	v40 =	vadd.s32 $0xC800, v12;
	[tilespmem:v19+s16+$0x0] =	vst.idx.add.f32.msk $0xffff, v25;
	v25 =	vadd.s32 $0xC800, v19  }
0x6f: {  	v41 =	vadd.s32 $0x5000, v28;
	[tilespmem:v10+s16+$0x0] =	vst.idx.add.f32.msk $0xffff, v32;
	v32 =	vadd.s32 $0x2800, v11;
	v10 =	vadd.s32 $0x2800, v18  }
0x70: {  	v41 =	vand.u32 $0xFF80, v41;
	v42 =	vadd.s32 $0xC800, v11;
	[tilespmem:v12+s16+$0x0] =	vst.idx.add.f32.msk $0xffff, v7;
	v7 =	vadd.s32 $0xC800, v18  }
0x71: {  	v43 =	vor.u32 v26, v8;
	v8 =	vadd.s32 $0x7800, v15;
	[tilespmem:v23+s16+$0x0] =	vst.idx.add.f32.msk $0xffff, v27;
	v23 =	vor.u32 v20, v41  }
0x72: {  	v27 =	vor.u32 v21, v9;
	v9 =	vadd.s32 $0x7800, v16;
	[tilespmem:v11+s16+$0x0] =	vst.idx.add.f32.msk $0xffff, v35;
	v35 =	vor.u32 v24, v36  }
0x73: {  	v8 =	vand.u32 $0xFF80, v8;
	v15 =	vshll.u32 v14, $0x10;
	[tilespmem:v29+s16+$0x0] =	vst.idx.add.f32.msk $0xffff, v13;
	v13 =	vadd.s32 $0x7800, v17  }
0x74: {  	v29 =	vand.u32 $0xFF80, v9;
	v9 =	vand.u32 $0xFFFF0000, v14;
	v36 =	vand.u32 $0xFF80, v13;
	[tilespmem:v10+s16+$0x0] =	vst.idx.add.f32.msk $0xffff, v15  }
0x75: {  	v16 =	vadd.s32 $0xF000, v19;
	v17 =	vadd.s32 $0x5000, v19;
	v14 =	vadd.s32 $0x5000, v12;
	[tilespmem:v7+s16+$0x0] =	vst.idx.add.f32.msk $0xffff, v9  }
0x76: {  	v15 =	vadd.s32 $0xF000, v12;
	v13 =	vadd.s32 $0x5000, v11;
	v10 =	vadd.s32 $0xF000, v11;
	v23 =	vld.idx.msk [tilespmem:v23+s2+$0x0], $0xffff  }
0x77: {  	v9 =	vor.u32 v26, v8;
	v8 =	vor.u32 v21, v29;
	v7 =	vor.u32 v24, v36;
	v30 =	vld.idx.msk [tilespmem:v30+s2+$0x0], $0xffff  }
0x78: {  	v24 =	vadd.s32 $0x5000, v18;
	v26 =	vadd.s32 $0x7800, v28;
	v28 =	vshll.u32 v31, $0x10;
	v21 =	vld.idx.msk [tilespmem:v34+s2+$0x0], $0xffff  }
0x79: {  	v29 =	vadd.s32 $0xF000, v18;
	v31 =	vand.u32 $0xFFFF0000, v31;
	v26 =	vand.u32 $0xFF80, v26;
	v22 =	vld.idx.msk [tilespmem:v22+s2+$0x0], $0xffff  }
0x7a: {  	v20 =	vor.u32 v20, v26;
	v26 =	vshll.u32 v37, $0x10;
	[tilespmem:v6+s16+$0x0] =	vst.idx.add.f32.msk $0xffff, v28;
	v28 =	vand.u32 $0xFFFF0000, v37  }
0x7b: {  	v34 =	vand.u32 $0xFFFF0000, v38;
	v6 =	vadd.s32 $0x7800, v19;
	[tilespmem:v5+s16+$0x0] =	vst.idx.add.f32.msk $0xffff, v31;
	v31 =	vshll.u32 v38, $0x10  }
0x7c: {  	v5 =	vadd.s32 $0x11800, v19;
	v19 =	vshll.u32 v23, $0x10;
	[tilespmem:v3+s16+$0x0] =	vst.idx.add.f32.msk $0xffff, v26;
	v3 =	vadd.s32 $0x7800, v12  }
0x7d: {  	v23 =	vand.u32 $0xFFFF0000, v23;
	v26 =	vshll.u32 v30, $0x10;
	v30 =	vand.u32 $0xFFFF0000, v30;
	[tilespmem:v24+s16+$0x0] =	vst.idx.add.f32.msk $0xffff, v19  }
0x7e: {  	v19 =	vshll.u32 v21, $0x10;
	v21 =	vand.u32 $0xFFFF0000, v21;
	v24 =	vadd.s32 $0x11800, v12;
	[tilespmem:v29+s16+$0x0] =	vst.idx.add.f32.msk $0xffff, v23  }
0x7f: {  	v12 =	vshll.u32 v22, $0x10;
	v22 =	vand.u32 $0xFFFF0000, v22;
	v23 =	vadd.s32 $0x7800, v11;
	v20 =	vld.idx.msk [tilespmem:v20+s2+$0x0], $0xffff  }
0x80: {  	[tilespmem:v33+s16+$0x0] =	vst.idx.add.f32.msk $0xffff, v26;
	v26 =	vadd.s32 $0x11800, v11  }
0x81: {  	v11 =	vadd.s32 $0x7800, v18;
	[tilespmem:v25+s16+$0x0] =	vst.idx.add.f32.msk $0xffff, v30  }
0x82: {  	v18 =	vadd.s32 $0x11800, v18;
	[tilespmem:v39+s16+$0x0] =	vst.idx.add.f32.msk $0xffff, v19  }
0x83: {  	[tilespmem:v40+s16+$0x0] =	vst.idx.add.f32.msk $0xffff, v21  }
0x84: {  	[tilespmem:v32+s16+$0x0] =	vst.idx.add.f32.msk $0xffff, v12  }
0x85: {  	v12 =	vshll.u32 v20, $0x10;
	[tilespmem:v42+s16+$0x0] =	vst.idx.add.f32.msk $0xffff, v22  }
0x86: {  	v19 =	vand.u32 $0xFFFF0000, v20;
	[tilespmem:v11+s16+$0x0] =	vst.idx.add.f32.msk $0xffff, v12  }
0x87: {  	[tilespmem:v18+s16+$0x0] =	vst.idx.add.f32.msk $0xffff, v19  }
0x88: {  	v18 =	vld.idx.msk [tilespmem:v43+s2+$0x0], $0xffff  }
.Ltmp1:
0x89: {  	v12 =	vld.idx.msk [tilespmem:v27+s2+$0x0], $0xffff;
	(pc) =	sbr.rel @p1 .LBB2_6-.Ltmp1, $4  }
0x8a: {  	v11 =	vld.idx.msk [tilespmem:v35+s2+$0x0], $0xffff  }
0x8b: {  	[tilespmem:v4+s16+$0x0] =	vst.idx.add.f32.msk $0xffff, v28;
	v4 =	vmov v24  }
0x8c: {  	[tilespmem:v1+s16+$0x0] =	vst.idx.add.f32.msk $0xffff, v31;
	v1 =	vmov v23  }
0x8d: {  	s25 =	sadd.s32 $0x40, s25;
	[tilespmem:v2+s16+$0x0] =	vst.idx.add.f32.msk $0xffff, v34;
	v2 =	vmov v26  }
0x8e: {  	_ =	sdelay $0x2  }
0x8f: {  	v19 =	vshll.u32 v18, $0x10  }
0x90: {  	v18 =	vand.u32 $0xFFFF0000, v18;
	[tilespmem:v17+s16+$0x0] =	vst.idx.add.f32.msk $0xffff, v19  }
0x91: {  	v17 =	vshll.u32 v12, $0x10;
	[tilespmem:v16+s16+$0x0] =	vst.idx.add.f32.msk $0xffff, v18  }
0x92: {  	v12 =	vand.u32 $0xFFFF0000, v12;
	[tilespmem:v14+s16+$0x0] =	vst.idx.add.f32.msk $0xffff, v17  }
0x93: {  	[tilespmem:v15+s16+$0x0] =	vst.idx.add.f32.msk $0xffff, v12  }
0x94: {  	v12 =	vshll.u32 v11, $0x10;
	v9 =	vld.idx.msk [tilespmem:v9+s2+$0x0], $0xffff  }
0x95: {  	[tilespmem:v13+s16+$0x0] =	vst.idx.add.f32.msk $0xffff, v12  }
0x96: {  	v11 =	vand.u32 $0xFFFF0000, v11;
	v8 =	vld.idx.msk [tilespmem:v8+s2+$0x0], $0xffff  }
0x97: {  	[tilespmem:v10+s16+$0x0] =	vst.idx.add.f32.msk $0xffff, v11  }
0x98: {  	v7 =	vld.idx.msk [tilespmem:v7+s2+$0x0], $0xffff  }
0x99: {  	v10 =	vshll.u32 v9, $0x10  }
0x9a: {  	v9 =	vand.u32 $0xFFFF0000, v9;
	[tilespmem:v6+s16+$0x0] =	vst.idx.add.f32.msk $0xffff, v10  }
0x9b: {  	v6 =	vshll.u32 v8, $0x10;
	[tilespmem:v5+s16+$0x0] =	vst.idx.add.f32.msk $0xffff, v9  }
0x9c: {  	v5 =	vand.u32 $0xFFFF0000, v8;
	[tilespmem:v3+s16+$0x0] =	vst.idx.add.f32.msk $0xffff, v6  }
0x9d: {  	v3 =	vshll.u32 v7, $0x10;
	[tilespmem:v4+s16+$0x0] =	vst.idx.add.f32.msk $0xffff, v5  }
0x9e: {  	v4 =	vand.u32 $0xFFFF0000, v7;
	[tilespmem:v1+s16+$0x0] =	vst.idx.add.f32.msk $0xffff, v3  }
0x9f: {  	s23 =	sadd.s32 $0x320, s23;
	[tilespmem:v2+s16+$0x0] =	vst.idx.add.f32.msk $0xffff, v4  }
0xa0: {  	[tilespmem:s10], [sflag:$0x1] =	stream.linear.gather [hbm4b:s23+s2], $0xC80, $0x38;
	[tilespmem:$0x1F900] =	vst v63  }
0xa1: {  	_ =	swait.ge [sflag:s17], $0xC80  }
0xa2: {  	[sflag:s17] =	ssyncset.done $0x0  }
0xa3: {  	s31 =	simm.s32 $0x1ECA0;
	[sflag:s17] =	ssyncadd.s32 $0xFFFFF380  }
0xa4: {  	v1 =	vld [tilespmem:s31+$0x10];
	_ =	sdelay $0x3  }
0xa5: {  	v2 =	vld [tilespmem:s31+$0xFFFFFFE0]  }
0xa6: {  	v3 =	vld [tilespmem:s31+$0xFFFFFFF0];
	v4 =	vand.u32 $0x3FFF, v1;
	_ =	sdelay $0x3  }
0xa7: {  	v5 =	vld [tilespmem:s31+$0x0];
	v6 =	vand.u32 $0x3FFF, v2  }
0xa8: {  	v7 =	vand.u32 $0x3FFF, v3;
	v8 =	vld.idx.msk [tilespmem:v4+s2+$0x0], $0xffff  }
0xa9: {  	v9 =	vshra.s32 v1, $0xE;
	v10 =	vadd.s32 $0x2800, v4  }
0xaa: {  	v1 =	vand.u32 $0x7F, v1;
	v11 =	vadd.s32 $0xA000, v9;
	v10 =	vand.u32 $0x7F80, v10  }
0xab: {  	v10 =	vor.u32 v1, v10  }
0xac: {  	v12 =	vand.u32 $0x3FFF, v5;
	v13 =	vld.idx.msk [tilespmem:v6+s2+$0x0], $0xffff  }
0xad: {  	v19 =	vshra.s32 v2, $0xE;
	v14 =	vld.idx.msk [tilespmem:v7+s2+$0x0], $0xffff;
	v15 =	vshll.u32 v8, $0x10  }
0xae: {  	v16 =	vadd.s32 $0xA000, v19;
	v8 =	vand.u32 $0xFFFF0000, v8;
	[tilespmem:v9+s16+$0x0] =	vst.idx.add.f32.msk $0xffff, v15  }
0xaf: {  	v20 =	vshra.s32 v3, $0xE;
	[tilespmem:v11+s16+$0x0] =	vst.idx.add.f32.msk $0xffff, v8  }
0xb0: {  	v3 =	vand.u32 $0x7F, v3;
	v2 =	vand.u32 $0x7F, v2;
	v15 =	vadd.s32 $0xA000, v20;
	v10 =	vld.idx.msk [tilespmem:v10+s2+$0x0], $0xffff  }
0xb1: {  	v21 =	vadd.s32 $0x2800, v9;
	v22 =	vadd.s32 $0x5000, v4;
	v17 =	vld.idx.msk [tilespmem:v12+s2+$0x0], $0xffff;
	v18 =	vshll.u32 v13, $0x10  }
0xb2: {  	v22 =	vand.u32 $0xFF80, v22;
	v13 =	vand.u32 $0xFFFF0000, v13;
	[tilespmem:v19+s16+$0x0] =	vst.idx.add.f32.msk $0xffff, v18;
	v18 =	vadd.s32 $0xC800, v9  }
0xb3: {  	v23 =	vadd.s32 $0x2800, v6;
	v24 =	vshll.u32 v14, $0x10;
	[tilespmem:v16+s16+$0x0] =	vst.idx.add.f32.msk $0xffff, v13;
	v13 =	vor.u32 v1, v22  }
0xb4: {  	v54 =	vand.u32 $0x7F80, v23;
	v14 =	vand.u32 $0xFFFF0000, v14;
	[tilespmem:v20+s16+$0x0] =	vst.idx.add.f32.msk $0xffff, v24;
	v11 =	vshra.s32 v5, $0xE  }
0xb5: {  	v8 =	vadd.s32 $0x2800, v7;
	[tilespmem:v15+s16+$0x0] =	vst.idx.add.f32.msk $0xffff, v14;
	v15 =	vor.u32 v2, v54;
	v14 =	vshll.u32 v10, $0x10  }
0xb6: {  	v16 =	vadd.s32 $0x2800, v12;
	v5 =	vand.u32 $0x7F, v5;
	v10 =	vand.u32 $0xFFFF0000, v10;
	[tilespmem:v21+s16+$0x0] =	vst.idx.add.f32.msk $0xffff, v14  }
0xb7: {  	v55 =	vadd.s32 $0xA000, v11;
	v8 =	vand.u32 $0x7F80, v8;
	v14 =	vand.u32 $0x7F80, v16;
	[tilespmem:v18+s16+$0x0] =	vst.idx.add.f32.msk $0xffff, v10  }
0xb8: {  	v8 =	vor.u32 v3, v8;
	v10 =	vor.u32 v5, v14;
	v14 =	vshll.u32 v17, $0x10;
	v13 =	vld.idx.msk [tilespmem:v13+s2+$0x0], $0xffff  }
0xb9: {  	[tilespmem:v11+s16+$0x0] =	vst.idx.add.f32.msk $0xffff, v14  }
0xba: {  	v14 =	vadd.s32 $0x5000, v9;
	v15 =	vld.idx.msk [tilespmem:v15+s2+$0x0], $0xffff  }
0xbb: {  	v16 =	vand.u32 $0xFFFF0000, v17;
	v18 =	vadd.s32 $0x2800, v19  }
0xbc: {  	v4 =	vadd.s32 $0x7800, v4;
	[tilespmem:v55+s16+$0x0] =	vst.idx.add.f32.msk $0xffff, v16;
	v16 =	vadd.s32 $0xF000, v9  }
0xbd: {  	v57 =	vadd.s32 $0xC800, v19;
	v4 =	vand.u32 $0xFF80, v4;
	v8 =	vld.idx.msk [tilespmem:v8+s2+$0x0], $0xffff  }
0xbe: {  	v1 =	vor.u32 v1, v4;
	v4 =	vadd.s32 $0x5000, v6;
	v10 =	vld.idx.msk [tilespmem:v10+s2+$0x0], $0xffff;
	v58 =	vshll.u32 v13, $0x10  }
0xbf: {  	v59 =	vadd.s32 $0x2800, v20;
	v4 =	vand.u32 $0xFF80, v4;
	v61 =	vshll.u32 v15, $0x10;
	[tilespmem:v14+s16+$0x0] =	vst.idx.add.f32.msk $0xffff, v58  }
0xc0: {  	v4 =	vor.u32 v2, v4;
	v13 =	vand.u32 $0xFFFF0000, v13;
	[tilespmem:v18+s16+$0x0] =	vst.idx.add.f32.msk $0xffff, v61  }
0xc1: {  	v60 =	vadd.s32 $0xC800, v20;
	v17 =	vadd.s32 $0x5000, v7;
	v15 =	vand.u32 $0xFFFF0000, v15;
	[tilespmem:v16+s16+$0x0] =	vst.idx.add.f32.msk $0xffff, v13  }
0xc2: {  	v14 =	vand.u32 $0xFF80, v17;
	v13 =	vadd.s32 $0x2800, v11;
	[tilespmem:v57+s16+$0x0] =	vst.idx.add.f32.msk $0xffff, v15  }
0xc3: {  	v16 =	vadd.s32 $0xC800, v11;
	v62 =	vor.u32 v3, v14;
	v14 =	vshll.u32 v8, $0x10;
	v1 =	vld.idx.msk [tilespmem:v1+s2+$0x0], $0xffff  }
0xc4: {  	v15 =	vadd.s32 $0x7800, v9;
	[tilespmem:v59+s16+$0x0] =	vst.idx.add.f32.msk $0xffff, v14  }
0xc5: {  	v56 =	vadd.s32 $0x5000, v12;
	v6 =	vadd.s32 $0x7800, v6;
	v8 =	vand.u32 $0xFFFF0000, v8;
	v18 =	vld.idx.msk [tilespmem:v4+s2+$0x0], $0xffff  }
0xc6: {  	v17 =	vand.u32 $0xFF80, v56;
	v9 =	vadd.s32 $0x11800, v9;
	v14 =	vshll.u32 v10, $0x10;
	[tilespmem:v60+s16+$0x0] =	vst.idx.add.f32.msk $0xffff, v8  }
0xc7: {  	v63 =	vor.u32 v5, v17;
	v8 =	vadd.s32 $0x7800, v12;
	v10 =	vand.u32 $0xFFFF0000, v10;
	[tilespmem:v13+s16+$0x0] =	vst.idx.add.f32.msk $0xffff, v14  }
0xc8: {  	v7 =	vadd.s32 $0x7800, v7;
	v12 =	vand.u32 $0xFF80, v8;
	[tilespmem:v16+s16+$0x0] =	vst.idx.add.f32.msk $0xffff, v10;
	v8 =	vshll.u32 v1, $0x10  }
0xc9: {  	v6 =	vand.u32 $0xFF80, v6;
	v7 =	vand.u32 $0xFF80, v7;
	v17 =	vadd.s32 $0x5000, v19;
	[tilespmem:v15+s16+$0x0] =	vst.idx.add.f32.msk $0xffff, v8  }
0xca: {  	v1 =	vand.u32 $0xFFFF0000, v1;
	v8 =	vor.u32 v3, v7;
	v7 =	vor.u32 v5, v12;
	v12 =	vld.idx.msk [tilespmem:v62+s2+$0x0], $0xffff  }
0xcb: {  	v4 =	vadd.s32 $0x11800, v20;
	v13 =	vadd.s32 $0x5000, v11;
	v10 =	vadd.s32 $0xF000, v11;
	[tilespmem:v9+s16+$0x0] =	vst.idx.add.f32.msk $0xffff, v1  }
0xcc: {  	v9 =	vor.u32 v2, v6;
	v2 =	vadd.s32 $0x7800, v11;
	v1 =	vadd.s32 $0x11800, v11;
	v11 =	vld.idx.msk [tilespmem:v63+s2+$0x0], $0xffff  }
0xcd: {  	v14 =	vadd.s32 $0x5000, v20;
	v16 =	vadd.s32 $0xF000, v19;
	v15 =	vadd.s32 $0xF000, v20  }
0xce: {  	s24 =	simm.s32 $0x1ECE0;
	s23 =	simm.s32 $0x0;
	v5 =	vadd.s32 $0x11800, v19;
	v3 =	vadd.s32 $0x7800, v20;
	v6 =	vadd.s32 $0x7800, v19  }
.LBB2_8:
0xcf: {  	v20 =	vld [tilespmem:s24+$0x10];
	v19 =	vshll.u32 v18, $0x10;
	v18 =	vand.u32 $0xFFFF0000, v18  }
0xd0: {  	v22 =	vshll.u32 v12, $0x10;
	v23 =	vand.u32 $0xFFFF0000, v12;
	v21 =	vld [tilespmem:s24+$0xFFFFFFF0]  }
0xd1: {  	v25 =	vshll.u32 v11, $0x10;
	v26 =	vand.u32 $0xFFFF0000, v11;
	v24 =	vld [tilespmem:s24+$0x0]  }
0xd2: {  	v27 =	vld [tilespmem:s24+$0xFFFFFFE0]  }
0xd3: {  	s23 =	sadd.s32 $0x4, s23;
	[tilespmem:v17+s16+$0x0] =	vst.idx.add.f32.msk $0xffff, v19  }
0xd4: {  	p1 =	slt.u32 s23, $0xC4;
	v28 =	vand.u32 $0x3FFF, v20;
	[tilespmem:v16+s16+$0x0] =	vst.idx.add.f32.msk $0xffff, v18  }
0xd5: {  	v16 =	vand.u32 $0x3FFF, v21;
	v12 =	vshra.s32 v21, $0xE;
	v21 =	vand.u32 $0x7F, v21;
	[tilespmem:v14+s16+$0x0] =	vst.idx.add.f32.msk $0xffff, v22  }
0xd6: {  	v14 =	vadd.s32 $0x2800, v16;
	v17 =	vand.u32 $0x3FFF, v24;
	v11 =	vshra.s32 v24, $0xE;
	[tilespmem:v15+s16+$0x0] =	vst.idx.add.f32.msk $0xffff, v23  }
0xd7: {  	v15 =	vand.u32 $0x3FFF, v27;
	v19 =	vshra.s32 v27, $0xE;
	v18 =	vadd.s32 $0x2800, v17;
	[tilespmem:v13+s16+$0x0] =	vst.idx.add.f32.msk $0xffff, v25  }
0xd8: {  	v14 =	vand.u32 $0x7F80, v14;
	v13 =	vadd.s32 $0x2800, v15;
	v22 =	vand.u32 $0x7F80, v18;
	[tilespmem:v10+s16+$0x0] =	vst.idx.add.f32.msk $0xffff, v26  }
0xd9: {  	v23 =	vadd.s32 $0xA000, v12;
	v10 =	vadd.s32 $0xA000, v19;
	v13 =	vand.u32 $0x7F80, v13;
	v25 =	vld.idx.msk [tilespmem:v28+s2+$0x0], $0xffff  }
0xda: {  	v24 =	vand.u32 $0x7F, v24;
	v29 =	vadd.s32 $0xA000, v11;
	v26 =	vand.u32 $0x7F, v27;
	v27 =	vld.idx.msk [tilespmem:v16+s2+$0x0], $0xffff  }
0xdb: {  	v31 =	vadd.s32 $0x2800, v28;
	v18 =	vshra.s32 v20, $0xE;
	v30 =	vor.u32 v26, v13;
	v13 =	vld.idx.msk [tilespmem:v17+s2+$0x0], $0xffff  }
0xdc: {  	v31 =	vand.u32 $0x7F80, v31;
	v20 =	vand.u32 $0x7F, v20;
	v33 =	vadd.s32 $0xA000, v18;
	v32 =	vld.idx.msk [tilespmem:v15+s2+$0x0], $0xffff  }
0xdd: {  	v34 =	vor.u32 v21, v14;
	v22 =	vor.u32 v24, v22;
	v14 =	vor.u32 v20, v31;
	v31 =	vld.idx.msk [tilespmem:v9+s2+$0x0], $0xffff  }
0xde: {  	v35 =	vadd.s32 $0x5000, v16;
	v36 =	vadd.s32 $0x5000, v17;
	v9 =	vadd.s32 $0x5000, v15;
	v37 =	vld.idx.msk [tilespmem:v8+s2+$0x0], $0xffff  }
0xdf: {  	v8 =	vand.u32 $0xFF80, v9;
	v9 =	vand.u32 $0xFF80, v35;
	v35 =	vshll.u32 v25, $0x10;
	v38 =	vld.idx.msk [tilespmem:v7+s2+$0x0], $0xffff  }
0xe0: {  	v25 =	vand.u32 $0xFFFF0000, v25;
	v7 =	vshll.u32 v27, $0x10;
	v27 =	vand.u32 $0xFFFF0000, v27;
	[tilespmem:v18+s16+$0x0] =	vst.idx.add.f32.msk $0xffff, v35  }
0xe1: {  	v36 =	vand.u32 $0xFF80, v36;
	v35 =	vshll.u32 v13, $0x10;
	v13 =	vand.u32 $0xFFFF0000, v13;
	[tilespmem:v33+s16+$0x0] =	vst.idx.add.f32.msk $0xffff, v25  }
0xe2: {  	v25 =	vshll.u32 v32, $0x10;
	v32 =	vand.u32 $0xFFFF0000, v32;
	v33 =	vadd.s32 $0x2800, v19;
	v14 =	vld.idx.msk [tilespmem:v14+s2+$0x0], $0xffff  }
0xe3: {  	v39 =	vadd.s32 $0x2800, v12;
	v40 =	vadd.s32 $0xC800, v12;
	[tilespmem:v19+s16+$0x0] =	vst.idx.add.f32.msk $0xffff, v25;
	v25 =	vadd.s32 $0xC800, v19  }
0xe4: {  	v41 =	vadd.s32 $0x5000, v28;
	[tilespmem:v10+s16+$0x0] =	vst.idx.add.f32.msk $0xffff, v32;
	v32 =	vadd.s32 $0x2800, v11;
	v10 =	vadd.s32 $0x2800, v18  }
0xe5: {  	v41 =	vand.u32 $0xFF80, v41;
	v42 =	vadd.s32 $0xC800, v11;
	[tilespmem:v12+s16+$0x0] =	vst.idx.add.f32.msk $0xffff, v7;
	v7 =	vadd.s32 $0xC800, v18  }
0xe6: {  	v43 =	vor.u32 v26, v8;
	v8 =	vadd.s32 $0x7800, v15;
	[tilespmem:v23+s16+$0x0] =	vst.idx.add.f32.msk $0xffff, v27;
	v23 =	vor.u32 v20, v41  }
0xe7: {  	v27 =	vor.u32 v21, v9;
	v9 =	vadd.s32 $0x7800, v16;
	[tilespmem:v11+s16+$0x0] =	vst.idx.add.f32.msk $0xffff, v35;
	v35 =	vor.u32 v24, v36  }
0xe8: {  	v8 =	vand.u32 $0xFF80, v8;
	v15 =	vshll.u32 v14, $0x10;
	[tilespmem:v29+s16+$0x0] =	vst.idx.add.f32.msk $0xffff, v13;
	v13 =	vadd.s32 $0x7800, v17  }
0xe9: {  	v29 =	vand.u32 $0xFF80, v9;
	v9 =	vand.u32 $0xFFFF0000, v14;
	v36 =	vand.u32 $0xFF80, v13;
	[tilespmem:v10+s16+$0x0] =	vst.idx.add.f32.msk $0xffff, v15  }
0xea: {  	v16 =	vadd.s32 $0xF000, v19;
	v17 =	vadd.s32 $0x5000, v19;
	v14 =	vadd.s32 $0x5000, v12;
	[tilespmem:v7+s16+$0x0] =	vst.idx.add.f32.msk $0xffff, v9  }
0xeb: {  	v15 =	vadd.s32 $0xF000, v12;
	v13 =	vadd.s32 $0x5000, v11;
	v10 =	vadd.s32 $0xF000, v11;
	v23 =	vld.idx.msk [tilespmem:v23+s2+$0x0], $0xffff  }
0xec: {  	v9 =	vor.u32 v26, v8;
	v8 =	vor.u32 v21, v29;
	v7 =	vor.u32 v24, v36;
	v30 =	vld.idx.msk [tilespmem:v30+s2+$0x0], $0xffff  }
0xed: {  	v24 =	vadd.s32 $0x5000, v18;
	v26 =	vadd.s32 $0x7800, v28;
	v28 =	vshll.u32 v31, $0x10;
	v21 =	vld.idx.msk [tilespmem:v34+s2+$0x0], $0xffff  }
0xee: {  	v29 =	vadd.s32 $0xF000, v18;
	v31 =	vand.u32 $0xFFFF0000, v31;
	v26 =	vand.u32 $0xFF80, v26;
	v22 =	vld.idx.msk [tilespmem:v22+s2+$0x0], $0xffff  }
0xef: {  	v20 =	vor.u32 v20, v26;
	v26 =	vshll.u32 v37, $0x10;
	[tilespmem:v6+s16+$0x0] =	vst.idx.add.f32.msk $0xffff, v28;
	v28 =	vand.u32 $0xFFFF0000, v37  }
0xf0: {  	v34 =	vand.u32 $0xFFFF0000, v38;
	v6 =	vadd.s32 $0x7800, v19;
	[tilespmem:v5+s16+$0x0] =	vst.idx.add.f32.msk $0xffff, v31;
	v31 =	vshll.u32 v38, $0x10  }
0xf1: {  	v5 =	vadd.s32 $0x11800, v19;
	v19 =	vshll.u32 v23, $0x10;
	[tilespmem:v3+s16+$0x0] =	vst.idx.add.f32.msk $0xffff, v26;
	v3 =	vadd.s32 $0x7800, v12  }
0xf2: {  	v23 =	vand.u32 $0xFFFF0000, v23;
	v26 =	vshll.u32 v30, $0x10;
	v30 =	vand.u32 $0xFFFF0000, v30;
	[tilespmem:v24+s16+$0x0] =	vst.idx.add.f32.msk $0xffff, v19  }
0xf3: {  	v19 =	vshll.u32 v21, $0x10;
	v21 =	vand.u32 $0xFFFF0000, v21;
	v24 =	vadd.s32 $0x11800, v12;
	[tilespmem:v29+s16+$0x0] =	vst.idx.add.f32.msk $0xffff, v23  }
0xf4: {  	v12 =	vshll.u32 v22, $0x10;
	v22 =	vand.u32 $0xFFFF0000, v22;
	v23 =	vadd.s32 $0x7800, v11;
	v20 =	vld.idx.msk [tilespmem:v20+s2+$0x0], $0xffff  }
0xf5: {  	[tilespmem:v33+s16+$0x0] =	vst.idx.add.f32.msk $0xffff, v26;
	v26 =	vadd.s32 $0x11800, v11  }
0xf6: {  	v11 =	vadd.s32 $0x7800, v18;
	[tilespmem:v25+s16+$0x0] =	vst.idx.add.f32.msk $0xffff, v30  }
0xf7: {  	v18 =	vadd.s32 $0x11800, v18;
	[tilespmem:v39+s16+$0x0] =	vst.idx.add.f32.msk $0xffff, v19  }
0xf8: {  	[tilespmem:v40+s16+$0x0] =	vst.idx.add.f32.msk $0xffff, v21  }
0xf9: {  	[tilespmem:v32+s16+$0x0] =	vst.idx.add.f32.msk $0xffff, v12  }
0xfa: {  	v12 =	vshll.u32 v20, $0x10;
	[tilespmem:v42+s16+$0x0] =	vst.idx.add.f32.msk $0xffff, v22  }
0xfb: {  	v19 =	vand.u32 $0xFFFF0000, v20;
	[tilespmem:v11+s16+$0x0] =	vst.idx.add.f32.msk $0xffff, v12  }
0xfc: {  	[tilespmem:v18+s16+$0x0] =	vst.idx.add.f32.msk $0xffff, v19  }
0xfd: {  	v18 =	vld.idx.msk [tilespmem:v43+s2+$0x0], $0xffff  }
.Ltmp2:
0xfe: {  	v12 =	vld.idx.msk [tilespmem:v27+s2+$0x0], $0xffff;
	(pc) =	sbr.rel @p1 .LBB2_8-.Ltmp2, $4  }
0xff: {  	v11 =	vld.idx.msk [tilespmem:v35+s2+$0x0], $0xffff  }
0x100: {  	[tilespmem:v4+s16+$0x0] =	vst.idx.add.f32.msk $0xffff, v28;
	v4 =	vmov v24  }
0x101: {  	[tilespmem:v2+s16+$0x0] =	vst.idx.add.f32.msk $0xffff, v31;
	v2 =	vmov v23  }
0x102: {  	s24 =	sadd.s32 $0x40, s24;
	[tilespmem:v1+s16+$0x0] =	vst.idx.add.f32.msk $0xffff, v34;
	v1 =	vmov v26  }
0x103: {  	_ =	sdelay $0x2  }
0x104: {  	v19 =	vshll.u32 v18, $0x10  }
0x105: {  	v56 =	vshll.u32 v12, $0x10;
	[tilespmem:v17+s16+$0x0] =	vst.idx.add.f32.msk $0xffff, v19  }
0x106: {  	v55 =	vand.u32 $0xFFFF0000, v18;
	[tilespmem:v14+s16+$0x0] =	vst.idx.add.f32.msk $0xffff, v56  }
0x107: {  	v57 =	vand.u32 $0xFFFF0000, v12;
	[tilespmem:v16+s16+$0x0] =	vst.idx.add.f32.msk $0xffff, v55  }
0x108: {  	[tilespmem:v15+s16+$0x0] =	vst.idx.add.f32.msk $0xffff, v57  }
0x109: {  	v9 =	vld.idx.msk [tilespmem:v9+s2+$0x0], $0xffff  }
0x10a: {  	v58 =	vshll.u32 v11, $0x10;
	v8 =	vld.idx.msk [tilespmem:v8+s2+$0x0], $0xffff  }
0x10b: {  	v59 =	vand.u32 $0xFFFF0000, v11;
	[tilespmem:v13+s16+$0x0] =	vst.idx.add.f32.msk $0xffff, v58  }
0x10c: {  	[tilespmem:v10+s16+$0x0] =	vst.idx.add.f32.msk $0xffff, v59  }
0x10d: {  	v7 =	vld.idx.msk [tilespmem:v7+s2+$0x0], $0xffff  }
0x10e: {  	s22 =	sadd.s32 $0x1, s22;
	v60 =	vshll.u32 v9, $0x10  }
0x10f: {  	p1 =	sne.s32 s22, $0x19;
	v61 =	vshll.u32 v8, $0x10;
	[tilespmem:v6+s16+$0x0] =	vst.idx.add.f32.msk $0xffff, v60  }
.Ltmp3:
0x110: {  	v9 =	vand.u32 $0xFFFF0000, v9;
	[tilespmem:v3+s16+$0x0] =	vst.idx.add.f32.msk $0xffff, v61;
	(pc) =	sbr.rel @p1 .LBB2_5-.Ltmp3, $4  }
0x111: {  	v62 =	vand.u32 $0xFFFF0000, v8;
	[tilespmem:v5+s16+$0x0] =	vst.idx.add.f32.msk $0xffff, v9  }
0x112: {  	v3 =	vshll.u32 v7, $0x10;
	[tilespmem:v4+s16+$0x0] =	vst.idx.add.f32.msk $0xffff, v62  }
0x113: {  	v63 =	vand.u32 $0xFFFF0000, v7;
	[tilespmem:v2+s16+$0x0] =	vst.idx.add.f32.msk $0xffff, v3  }
0x114: {  	[tilespmem:v1+s16+$0x0] =	vst.idx.add.f32.msk $0xffff, v63  }
0x115: {  	_ =	swait.ge [sflag:s15], $0xC80  }
0x116: {  	[sflag:s15] =	ssyncset.done $0x0  }
0x117: {  	s22 =	sadd.s32 s6, s21;
	s21 =	simm.s32 $0x80;
	[sflag:s15] =	ssyncadd.s32 $0xFFFFF380  }
0x118: {  	[hbm4b:s22+s21] =	stream.strided.scatter [tilespmem:s16], [sflag:$0x3], $0xA000, s12, s21, $0x38;
	[tilespmem:$0x1F900] =	vst v63  }
0x119: {  	s20 =	sor.u32 s7, s20;
	_ =	swait.ge [sflag:s13], $0xA000  }
0x11a: {  	s20 =	sshrl.u32 s20, $0x3;
	[sflag:s13] =	ssyncset.done $0x0  }
.Ltmp4:
0x11b: {  	s20 =	sadd.s32 s6, s20;
	[sflag:s13] =	ssyncadd.s32 $0xFFFF6000;
	(pc) =	sbr.rel @p0 .LBB2_2-.Ltmp4, $4  }
0x11c: {  	[hbm4b:s20+s21] =	stream.strided.scatter [tilespmem:s18], [sflag:$0x3], $0xA000, s12, s21, $0x38;
	[tilespmem:$0x1F900] =	vst v63  }
0x11d: {  	_ =	swait.ge [sflag:s13], $0xA000  }
0x11e: {  	[sflag:s13] =	ssyncset.done $0x0  }
0x11f: {  	p1 =	por $0x0, $0x0;
	[sflag:s13] =	ssyncadd.s32 $0xFFFF6000  }
0x120: {  	s19 =	sadd.s32 $0x1, s19  }
0x121: {  	p0 =	sne.s32 s19, s8  }
.Ltmp5:
0x122: {  	_ = 	snop;
	(pc) =	sbr.rel @p0 .LBB2_1-.Ltmp5, $1  }
0x123: {  	_ =	sdelay $0x3  }
0x124: {  	_ =	sfence.sel $0x180000  }
0x125: {  	[bflag:$0x0] =	sbarrier.arrive $0xFFFF  }
0x126: {  	p0 =	sne.s32 s1, $0x0;
	_ =	strace $0x90000050  }
0x127: {  	s0 =	sadd.s32 @!p0 $0x100000, s0;
	[bflag:$0x2] =	sbarrier.arrive $0xFFFF  }
0x128: {  	[sflag:s0] =	ssyncadd.tile.s32 @!p0 $0x1;
	_ =	shalt  }
.Lfunc_end2:
_tile_overlayer_lowered:
.L_overlay_start_2:
0x129: {  	(tag) =	ssettag $0x2  }
0x12a: {  	s0 =	rddreg [dreg:$0x0];
	s2 =	stileid.u32  }
0x12b: {  	s1 =	rddreg [dreg:$0x1];
	p0 =	sne.s32 s2, $0x0  }
0x12c: {  	s3 =	rddreg [dreg:$0x2];
	[bflag:$0x3] =	sbarrier.arrive $0xFFFF;
	s2 =	simm.s32 @!p0 $0x1C03  }
0x12d: {  	[timem:s3], [sflag:s2] =	dma.local @!p0 [hbm:s0], s1  }
0x12e: {  	s0 =	simm.s32 @!p0 $0x3  }
0x12f: {  	_ =	swait.ge @!p0 [sflag:s0], s1  }
0x130: {  	s1 =	ssub.s32 @!p0 $0x0, s1;
	[sflag:s0] =	ssyncset.done @!p0 $0x0  }
0x131: {  	[sflag:s0] =	ssyncadd.s32 @!p0 s1  }
0x132: {  	[bflag:$0x3] =	sbarrier.arrive $0xFFFF  }
0x133: {  	_ =	shalt  }

</sc_bundles>
